<compile_context>
chip_gen: v7x
topology: tpu7x:2x2x1
jax: 0.10.2.dev20260603
libtpu: 0.0.44.dev20260713+nightly
codegen_flags: <defaults>
</compile_context>

<pallas_src>
import functools
import math

import jax
import jax.numpy as jnp
from jax.experimental import pallas as pl
from jax.experimental.pallas import tpu as pltpu
from jax.experimental.pallas import tpu_sc as plsc

_SCALE = 64.0
_MARGIN = 0.5
_COS_M = math.cos(_MARGIN)
_SIN_M = math.sin(_MARGIN)
_LOG2E = math.log2(math.e)
_SE = _SCALE * _LOG2E

_R = 32
_CW = 2048

_SC_ROWS = 256
_SC_CW = 1024
_SC_NJ = 97
_CR = 64


def _sc_gather_rows(logits, labels):
    n_rows, n_cols = logits.shape

    @functools.partial(
        pl.kernel,
        out_type=jax.ShapeDtypeStruct((n_rows, 128), logits.dtype),
        mesh=plsc.ScalarSubcoreMesh(axis_name="c", num_cores=2),
        scratch_types=[
            pltpu.SMEM((n_rows,), jnp.int32),
            pltpu.SemaphoreType.DMA,
            pltpu.SemaphoreType.DMA,
        ],
    )
    def gather_kernel(x_hbm, l_hbm, o_hbm, l_smem, sem_l, sem_d):
        core = jax.lax.axis_index("c")
        pltpu.async_copy(l_hbm, l_smem, sem_l).wait()
        half = n_rows // 2
        base = core * half

        @pl.loop(0, half)
        def _(i):
            r = base + i
            st = (l_smem[r] // 128) * 128
            pltpu.async_copy(x_hbm.at[r, pl.ds(st, 128)], o_hbm.at[r], sem_d)

        @pl.loop(0, half)
        def _(i):
            r = base + i
            st = (l_smem[r] // 128) * 128
            pltpu.make_async_copy(
                x_hbm.at[r, pl.ds(st, 128)], o_hbm.at[r], sem_d
            ).wait()

    return gather_kernel(logits, labels)


def _sc_sumexp(logits):
    n_rows, n_cols = logits.shape
    row_blk0 = (n_rows - _SC_ROWS) // 8

    @functools.partial(
        pl.kernel,
        out_type=jax.ShapeDtypeStruct((_SC_ROWS, _SC_NJ * 128), jnp.float32),
        mesh=plsc.VectorSubcoreMesh(core_axis_name="c", subcore_axis_name="s"),
    )
    def sumexp_kernel(x_hbm, o_hbm):
        def body(in_vmem, out_vmem):
            @pl.loop(0, 8)
            def _(r):
                for k in range(8):
                    acc = None
                    for m in range(8):
                        p = m * 8 + k
                        xc = jnp.clip(
                            in_vmem.at[pl.ds(r, 1), pl.ds(p * 16, 16)][...],
                            -1.0, 1.0,
                        )
                        e = jnp.exp(xc * _SCALE - _SCALE)
                        acc = e if acc is None else acc + e
                    out_vmem.at[pl.ds(r, 1), pl.ds(k * 16, 16)][...] = acc

        pltpu.emit_pipeline(
            body,
            grid=(_SC_ROWS // 8, _SC_NJ),
            in_specs=[
                pl.BlockSpec((8, _SC_CW), index_map=lambda i, j: (row_blk0 + i, j))
            ],
            out_specs=[pl.BlockSpec((8, 128), index_map=lambda i, j: (i, j))],
            core_axis_name=("c", "s"),
            dimension_semantics=(pltpu.PARALLEL, pltpu.PARALLEL),
        )(x_hbm, o_hbm)

    return sumexp_kernel(logits)


def _tree128(v):
    parts = [v[:, k * 128:(k + 1) * 128] for k in range(v.shape[1] // 128)]
    while len(parts) > 1:
        half = (len(parts) + 1) // 2
        parts = [
            parts[m] + parts[m + half] if m + half < len(parts) else parts[m]
            for m in range(half)
        ]
    return parts[0]


def _margin_row_loss(s0, c, n_rows):
    t_new = _SCALE * (c * _COS_M - _SIN_M * jnp.sqrt(jnp.maximum(1.0 - c * c, 0.0)))
    e_old = jnp.exp2(c * _SE - _SE)
    e_new = jnp.exp(t_new - _SCALE)
    s = s0 - e_old + e_new
    return (_SCALE + jnp.log(s) - t_new) * (1.0 / n_rows)


def _pick_label(lane_ref, x128_ref, rows):
    onehot = jax.lax.broadcasted_iota(jnp.int32, (rows, 128), 1) == lane_ref[...]
    return jnp.sum(jnp.where(onehot, jnp.clip(x128_ref[...], -1.0, 1.0), 0.0), axis=1)


def _loss_body(lane_ref, x128_ref, x_ref, out_ref, *, n_rows, n_cols):
    i = pl.program_id(0)

    n_full = n_cols // _CW
    tail = n_cols - n_full * _CW

    def col_body(j, acc):
        xc = jnp.clip(x_ref[:, pl.ds(j * _CW, _CW)], -1.0, 1.0)
        return acc + _tree128(jnp.exp2(xc * _SE - _SE))

    acc = jax.lax.fori_loop(
        0, n_full, col_body, jnp.zeros((_R, 128), jnp.float32), unroll=4
    )
    s0 = jnp.sum(acc, axis=1)
    if tail:
        xc = jnp.clip(x_ref[:, pl.ds(n_full * _CW, tail)], -1.0, 1.0)
        s0 = s0 + jnp.sum(jnp.exp2(xc * _SE - _SE), axis=1)

    c = _pick_label(lane_ref, x128_ref, _R)
    row_loss = _margin_row_loss(s0, c, n_rows)

    @pl.when(i == 0)
    def _():
        out_ref[0, 0] = 0.0

    out_ref[0, 0] += jnp.sum(row_loss)


def _combine_body(a_ref, lane_ref, x128_ref, part_ref, xt_ref, out_ref, *,
                  n_rows, n_cols):
    i = pl.program_id(0)

    def cb(j, acc):
        return acc + part_ref[:, pl.ds(j * 128, 128)]

    acc = jax.lax.fori_loop(
        0, _SC_NJ, cb, jnp.zeros((_CR, 128), jnp.float32), unroll=4
    )
    s0 = jnp.sum(acc, axis=1)

    tail0 = _SC_NJ * _SC_CW
    valid = jax.lax.broadcasted_iota(jnp.int32, (_CR, _SC_CW), 1) < (n_cols - tail0)
    xc = jnp.clip(xt_ref[...], -1.0, 1.0)
    e = jnp.where(valid, jnp.exp2(xc * _SE - _SE), 0.0)
    s0 = s0 + jnp.sum(e, axis=1)

    c = _pick_label(lane_ref, x128_ref, _CR)
    row_loss = _margin_row_loss(s0, c, n_rows)

    @pl.when(i == 0)
    def _():
        out_ref[0, 0] = a_ref[0, 0]

    out_ref[0, 0] += jnp.sum(row_loss)


@jax.jit
def kernel(logits, labels):
    n_rows, n_cols = logits.shape
    labels = labels.astype(jnp.int32)
    tc_rows = n_rows - _SC_ROWS

    x128 = _sc_gather_rows(logits, labels)
    lane128 = (labels % 128).reshape(n_rows, 1)

    part = _sc_sumexp(logits)

    a = pl.pallas_call(
        functools.partial(_loss_body, n_rows=n_rows, n_cols=n_cols),
        grid=(tc_rows // _R,),
        in_specs=[
            pl.BlockSpec((_R, 1), lambda i: (i, 0)),
            pl.BlockSpec((_R, 128), lambda i: (i, 0)),
            pl.BlockSpec((_R, n_cols), lambda i: (i, 0)),
        ],
        out_specs=pl.BlockSpec((1, 1), lambda i: (0, 0), memory_space=pltpu.SMEM),
        out_shape=jax.ShapeDtypeStruct((1, 1), jnp.float32),
    )(lane128, x128, logits)

    blk0 = tc_rows // _CR
    out = pl.pallas_call(
        functools.partial(_combine_body, n_rows=n_rows, n_cols=n_cols),
        grid=(_SC_ROWS // _CR,),
        in_specs=[
            pl.BlockSpec((1, 1), lambda i: (0, 0), memory_space=pltpu.SMEM),
            pl.BlockSpec((_CR, 1), lambda i: (blk0 + i, 0)),
            pl.BlockSpec((_CR, 128), lambda i: (blk0 + i, 0)),
            pl.BlockSpec((_CR, _SC_NJ * 128), lambda i: (i, 0)),
            pl.BlockSpec((_CR, _SC_CW), lambda i: (blk0 + i, _SC_NJ)),
        ],
        out_specs=pl.BlockSpec((1, 1), lambda i: (0, 0), memory_space=pltpu.SMEM),
        out_shape=jax.ShapeDtypeStruct((1, 1), jnp.float32),
    )(a, lane128, x128, part, logits)
    return out[0, 0]

# --- scband reference (transcript-rebuilt; emitter-appended) ---
"""Pipeline reference for scband-arc-face-loss-81183471829112 (READ-ONLY COPY).

The authoritative reference and input builder live on the scoring server;
editing this copy changes nothing except your own understanding.
"""

import jax, jax.numpy as jnp
import numpy as np

S = 64.0
M = 0.5

def setup_inputs(seed: int = 0) -> dict:
    key = jax.random.key(seed)
    k1, k2 = jax.random.split(key)
    logits = jax.random.uniform(k1, (1024, 100000), dtype=jnp.float32)
    labels = jax.random.randint(k2, (1024,), 0, 100000, dtype=jnp.int64 if jax.config.jax_enable_x64 else jnp.int32)
    return {"logits": logits, "labels": labels}

def reference(logits, labels):
    logits = jnp.clip(logits, -1.0, 1.0)
    theta = jnp.arccos(logits)
    target_logit = jnp.cos(theta + M)
    B = logits.shape[0]
    rows = jnp.arange(B)
    logits = logits.at[rows, labels].set(target_logit[rows, labels])
    output = logits * S
    # cross entropy with integer labels (mean reduction)
    logZ = jax.nn.logsumexp(output, axis=1)
    picked = output[rows, labels]
    loss = jnp.mean(logZ - picked)
    return loss

if __name__ == "__main__":
    import jax
    _d = setup_inputs()
    print(jax.jit(kernel)(*tuple(_d.values())))

</pallas_src>

<mosaic_0001>
#map = affine_map<(d0) -> (0, 0)>
#map1 = affine_map<(d0) -> (0)>
module attributes {stable_mosaic.version = 14 : i64} {
  func.func @gather_kernel(%arg0: i32, %arg1: memref<1024x100000xf32, #tpu.memory_space<hbm>>, %arg2: memref<1024xi32, #tpu.memory_space<hbm>>, %arg3: memref<1024x128xf32, #tpu.memory_space<hbm>>, %arg4: memref<1024xi32, #tpu.memory_space<smem>>, %arg5: memref<!tpu.dma_semaphore, #tpu.memory_space<semaphore_mem>>, %arg6: memref<!tpu.dma_semaphore, #tpu.memory_space<semaphore_mem>>) attributes {dimension_semantics = [#tpu.dimension_semantics<core_parallel>], iteration_bounds = array<i64: 2>, scalar_prefetch = 0 : i64, scratch_operands = 3 : i64, tpu.core_type = #tpu.core_type<sc_scalar_subcore>, window_params = [{transform_indices = #map}, {transform_indices = #map1}, {transform_indices = #map}]} {
    tpu.enqueue_dma source(%arg2 : memref<1024xi32, #tpu.memory_space<hbm>>) target(%arg4 : memref<1024xi32, #tpu.memory_space<smem>>) target_semaphore(%arg5 : memref<!tpu.dma_semaphore, #tpu.memory_space<semaphore_mem>>)
    tpu.wait_dma2 semaphore(%arg5 : memref<!tpu.dma_semaphore, #tpu.memory_space<semaphore_mem>>) src(%arg2 : memref<1024xi32, #tpu.memory_space<hbm>>) dst(%arg4 : memref<1024xi32, #tpu.memory_space<smem>>)
    %mul3A = arith.constant 512 : i32
    %mul3A_0 = arith.muli %arg0, %mul3A : i32
    %scan3A = arith.constant 0 : i32
    %scan3A_1 = arith.constant 512 : i32
    %scan3A_2 = arith.addi %scan3A, %scan3A_1 : i32
    %scan3A_3 = arith.constant 1 : i32
    scf.for %scan3A_10 = %scan3A to %scan3A_2 step %scan3A_3  : i32 {
      %mul3A_11 = arith.constant 1 : i32
      %mul3A_12 = arith.muli %scan3A_10, %mul3A_11 : i32
      %add3A = arith.constant 0 : i32
      %add3A_13 = arith.addi %add3A, %mul3A_12 : i32
      %add3A_14 = arith.addi %mul3A_0, %add3A_13 : i32
      %get3A = arith.index_cast %add3A_14 : i32 to index
      %get3A_15 = memref.load %arg4[%get3A] : memref<1024xi32, #tpu.memory_space<smem>>
      %jit3A = arith.constant 128 : i32
      %div3A = arith.divsi %get3A_15, %jit3A : i32
      %sign3A = arith.constant 0 : i32
      %sign3A_16 = arith.cmpi sgt, %get3A_15, %sign3A : i32
      %sign3A_17 = arith.extui %sign3A_16 : i1 to i32
      %sign3A_18 = arith.constant 0 : i32
      %sign3A_19 = arith.cmpi slt, %get3A_15, %sign3A_18 : i32
      %sign3A_20 = arith.extui %sign3A_19 : i1 to i32
      %sign3A_21 = arith.subi %sign3A_17, %sign3A_20 : i32
      %sign3A_22 = arith.constant 0 : i32
      %sign3A_23 = arith.cmpi sgt, %jit3A, %sign3A_22 : i32
      %sign3A_24 = arith.extui %sign3A_23 : i1 to i32
      %sign3A_25 = arith.constant 0 : i32
      %sign3A_26 = arith.cmpi slt, %jit3A, %sign3A_25 : i32
      %sign3A_27 = arith.extui %sign3A_26 : i1 to i32
      %sign3A_28 = arith.subi %sign3A_24, %sign3A_27 : i32
      %ne3A = arith.cmpi ne, %sign3A_21, %sign3A_28 : i32
      %rem3A = arith.remsi %get3A_15, %jit3A : i32
      %ne3A_29 = arith.constant 0 : i32
      %ne3A_30 = arith.cmpi ne, %rem3A, %ne3A_29 : i32
      %and3A = arith.andi %ne3A, %ne3A_30 : i1
      %sub3A = arith.constant 1 : i32
      %sub3A_31 = arith.subi %div3A, %sub3A : i32
      %select_n3A = arith.select %and3A, %sub3A_31, %div3A : i32
      %mul3A_32 = arith.constant 128 : i32
      %mul3A_33 = arith.muli %select_n3A, %mul3A_32 : i32
      %dma_start3A = arith.constant 0 : i32
      %dma_start3A_34 = tpu.memref_slice %arg3[%add3A_14, %dma_start3A] : memref<1024x128xf32, #tpu.memory_space<hbm>> -> memref<1x128xf32, #tpu.memory_space<hbm>>
      %dma_start3A_35 = tpu.memref_squeeze %dma_start3A_34 : memref<1x128xf32, #tpu.memory_space<hbm>> -> memref<128xf32, #tpu.memory_space<hbm>>
      %dma_start3A_36 = tpu.memref_slice %arg1[%add3A_14, %mul3A_33] : memref<1024x100000xf32, #tpu.memory_space<hbm>> -> memref<1x128xf32, #tpu.memory_space<hbm>>
      %dma_start3A_37 = tpu.memref_squeeze %dma_start3A_36 : memref<1x128xf32, #tpu.memory_space<hbm>> -> memref<128xf32, #tpu.memory_space<hbm>>
      tpu.enqueue_dma source(%dma_start3A_37 : memref<128xf32, #tpu.memory_space<hbm>>) target(%dma_start3A_35 : memref<128xf32, #tpu.memory_space<hbm>>) target_semaphore(%arg6 : memref<!tpu.dma_semaphore, #tpu.memory_space<semaphore_mem>>)
    }
    %scan3A_4 = arith.constant 512 : i32
    %scan3A_5 = arith.constant 0 : i32
    %scan3A_6 = arith.constant 512 : i32
    %scan3A_7 = arith.addi %scan3A_5, %scan3A_6 : i32
    %scan3A_8 = arith.constant 1 : i32
    scf.for %scan3A_10 = %scan3A_5 to %scan3A_7 step %scan3A_8  : i32 {
      %mul3A_11 = arith.constant 1 : i32
      %mul3A_12 = arith.muli %scan3A_10, %mul3A_11 : i32
      %add3A = arith.constant 0 : i32
      %add3A_13 = arith.addi %add3A, %mul3A_12 : i32
      %add3A_14 = arith.addi %mul3A_0, %add3A_13 : i32
      %get3A = arith.index_cast %add3A_14 : i32 to index
      %get3A_15 = memref.load %arg4[%get3A] : memref<1024xi32, #tpu.memory_space<smem>>
      %jit3A = arith.constant 128 : i32
      %div3A = arith.divsi %get3A_15, %jit3A : i32
      %sign3A = arith.constant 0 : i32
      %sign3A_16 = arith.cmpi sgt, %get3A_15, %sign3A : i32
      %sign3A_17 = arith.extui %sign3A_16 : i1 to i32
      %sign3A_18 = arith.constant 0 : i32
      %sign3A_19 = arith.cmpi slt, %get3A_15, %sign3A_18 : i32
      %sign3A_20 = arith.extui %sign3A_19 : i1 to i32
      %sign3A_21 = arith.subi %sign3A_17, %sign3A_20 : i32
      %sign3A_22 = arith.constant 0 : i32
      %sign3A_23 = arith.cmpi sgt, %jit3A, %sign3A_22 : i32
      %sign3A_24 = arith.extui %sign3A_23 : i1 to i32
      %sign3A_25 = arith.constant 0 : i32
      %sign3A_26 = arith.cmpi slt, %jit3A, %sign3A_25 : i32
      %sign3A_27 = arith.extui %sign3A_26 : i1 to i32
      %sign3A_28 = arith.subi %sign3A_24, %sign3A_27 : i32
      %ne3A = arith.cmpi ne, %sign3A_21, %sign3A_28 : i32
      %rem3A = arith.remsi %get3A_15, %jit3A : i32
      %ne3A_29 = arith.constant 0 : i32
      %ne3A_30 = arith.cmpi ne, %rem3A, %ne3A_29 : i32
      %and3A = arith.andi %ne3A, %ne3A_30 : i1
      %sub3A = arith.constant 1 : i32
      %sub3A_31 = arith.subi %div3A, %sub3A : i32
      %select_n3A = arith.select %and3A, %sub3A_31, %div3A : i32
      %mul3A_32 = arith.constant 128 : i32
      %mul3A_33 = arith.muli %select_n3A, %mul3A_32 : i32
      %dma_wait3A = arith.constant 0 : i32
      %dma_wait3A_34 = tpu.memref_slice %arg3[%add3A_14, %dma_wait3A] : memref<1024x128xf32, #tpu.memory_space<hbm>> -> memref<1x128xf32, #tpu.memory_space<hbm>>
      %dma_wait3A_35 = tpu.memref_squeeze %dma_wait3A_34 : memref<1x128xf32, #tpu.memory_space<hbm>> -> memref<128xf32, #tpu.memory_space<hbm>>
      %dma_wait3A_36 = tpu.memref_slice %arg1[%add3A_14, %mul3A_33] : memref<1024x100000xf32, #tpu.memory_space<hbm>> -> memref<1x128xf32, #tpu.memory_space<hbm>>
      %dma_wait3A_37 = tpu.memref_squeeze %dma_wait3A_36 : memref<1x128xf32, #tpu.memory_space<hbm>> -> memref<128xf32, #tpu.memory_space<hbm>>
      tpu.wait_dma2 semaphore(%arg6 : memref<!tpu.dma_semaphore, #tpu.memory_space<semaphore_mem>>) src(%dma_wait3A_37 : memref<128xf32, #tpu.memory_space<hbm>>) dst(%dma_wait3A_35 : memref<128xf32, #tpu.memory_space<hbm>>)
    }
    %scan3A_9 = arith.constant 512 : i32
    return
  }
}

#map = affine_map<(d0, d1) -> (0, 0)>
module attributes {stable_mosaic.version = 14 : i64} {
  func.func @sumexp_kernel(%arg0: i32, %arg1: i32, %arg2: memref<1024x100000xf32, #tpu.memory_space<hbm>>, %arg3: memref<256x12416xf32, #tpu.memory_space<hbm>>) attributes {dimension_semantics = [#tpu.dimension_semantics<core_parallel>, #tpu.dimension_semantics<subcore_parallel>], iteration_bounds = array<i64: 2, 16>, scalar_prefetch = 0 : i64, scratch_operands = 0 : i64, tpu.core_type = #tpu.core_type<sc_vector_subcore>, window_params = [{transform_indices = #map}, {transform_indices = #map}]} {
    %mul3A = arith.constant 1 : i32
    %mul3A_0 = arith.muli %arg1, %mul3A : i32
    %add3A = arith.constant 0 : i32
    %add3A_1 = arith.addi %add3A, %mul3A_0 : i32
    %mul3A_2 = arith.constant 16 : i32
    %mul3A_3 = arith.muli %arg0, %mul3A_2 : i32
    %add3A_4 = arith.addi %add3A_1, %mul3A_3 : i32
    %mul3A_5 = arith.constant 1 : i32
    %mul3A_6 = arith.muli %add3A_4, %mul3A_5 : i32
    "tpu.region"() ({
      %run_scoped3A = memref.alloca() : memref<2x8x1024xf32, #tpu.memory_space<vmem>>
      %run_scoped3A_7 = tpu.sem_alloc : memref<2x!tpu.dma_semaphore, #tpu.memory_space<semaphore_mem>>
      %run_scoped3A_8 = memref.alloca() : memref<2x8x128xf32, #tpu.memory_space<vmem>>
      %run_scoped3A_9 = tpu.sem_alloc : memref<2x!tpu.dma_semaphore, #tpu.memory_space<semaphore_mem>>
      %add3A_10 = arith.constant 0 : i32
      %add3A_11 = arith.addi %add3A_10, %mul3A_6 : i32
      %select_n3A = arith.constant true
      %select_n3A_12 = arith.constant 0 : i32
      %select_n3A_13 = arith.constant -1 : i32
      %select_n3A_14 = arith.select %select_n3A, %select_n3A_13, %select_n3A_12 : i32
      %eq3A = arith.constant -1 : i32
      %eq3A_15 = arith.cmpi eq, %select_n3A_14, %eq3A : i32
      %select_n3A_16 = arith.constant 96 : i32
      %select_n3A_17 = arith.select %eq3A_15, %select_n3A_16, %select_n3A_14 : i32
      %select_n3A_18 = arith.constant 0 : i32
      %select_n3A_19 = arith.constant -1 : i32
      %select_n3A_20 = arith.select %eq3A_15, %select_n3A_19, %select_n3A_18 : i32
      %eq3A_21 = arith.constant -1 : i32
      %eq3A_22 = arith.cmpi eq, %select_n3A_20, %eq3A_21 : i32
      %select_n3A_23 = arith.constant 0 : i32
      %select_n3A_24 = arith.select %eq3A_22, %select_n3A_23, %select_n3A_20 : i32
      %add3A_25 = arith.constant 0 : i32
      %add3A_26 = arith.addi %add3A_25, %mul3A_6 : i32
      %add3A_27 = arith.constant 0 : i32
      %add3A_28 = arith.addi %select_n3A_17, %add3A_27 : i32
      %select_n3A_29 = arith.constant true
      %select_n3A_30 = arith.constant 0 : i32
      %select_n3A_31 = arith.constant 1 : i32
      %select_n3A_32 = arith.select %select_n3A_29, %select_n3A_31, %select_n3A_30 : i32
      %eq3A_33 = arith.constant 97 : i32
      %eq3A_34 = arith.cmpi eq, %select_n3A_32, %eq3A_33 : i32
      %select_n3A_35 = arith.constant 0 : i32
      %select_n3A_36 = arith.select %eq3A_34, %select_n3A_35, %select_n3A_32 : i32
      %select_n3A_37 = arith.constant 0 : i32
      %select_n3A_38 = arith.constant 1 : i32
      %select_n3A_39 = arith.select %eq3A_34, %select_n3A_38, %select_n3A_37 : i32
      %eq3A_40 = arith.constant 1 : i32
      %eq3A_41 = arith.cmpi eq, %select_n3A_39, %eq3A_40 : i32
      %select_n3A_42 = arith.constant 0 : i32
      %select_n3A_43 = arith.select %eq3A_41, %select_n3A_42, %select_n3A_39 : i32
      %add3A_44 = arith.constant 0 : i32
      %add3A_45 = arith.addi %add3A_44, %mul3A_6 : i32
      %add3A_46 = arith.constant 0 : i32
      %add3A_47 = arith.addi %select_n3A_36, %add3A_46 : i32
      %add3A_48 = arith.constant 1 : i32
      %add3A_49 = arith.addi %select_n3A_36, %add3A_48 : i32
      %select_n3A_50 = arith.constant true
      %select_n3A_51 = arith.select %select_n3A_50, %add3A_49, %select_n3A_36 : i32
      %eq3A_52 = arith.constant 97 : i32
      %eq3A_53 = arith.cmpi eq, %select_n3A_51, %eq3A_52 : i32
      %select_n3A_54 = arith.constant 0 : i32
      %select_n3A_55 = arith.select %eq3A_53, %select_n3A_54, %select_n3A_51 : i32
      %select_n3A_56 = arith.constant 0 : i32
      %select_n3A_57 = arith.constant 1 : i32
      %select_n3A_58 = arith.select %eq3A_53, %select_n3A_57, %select_n3A_56 : i32
      %eq3A_59 = arith.constant 1 : i32
      %eq3A_60 = arith.cmpi eq, %select_n3A_58, %eq3A_59 : i32
      %select_n3A_61 = arith.constant 0 : i32
      %select_n3A_62 = arith.select %eq3A_60, %select_n3A_61, %select_n3A_58 : i32
      %add3A_63 = arith.constant 0 : i32
      %add3A_64 = arith.addi %add3A_63, %mul3A_6 : i32
      %add3A_65 = arith.constant 0 : i32
      %add3A_66 = arith.addi %select_n3A_55, %add3A_65 : i32
      "tpu.trace_start"() <{level = 10 : i32, message = "ep_initialize_0"}> : () -> ()
      %rem3A = arith.constant 0 : i32
      %rem3A_67 = arith.constant 2 : i32
      %rem3A_68 = arith.remui %rem3A, %rem3A_67 : i32
      %add3A_69 = arith.constant 96 : i32
      %add3A_70 = arith.addi %add3A_69, %add3A_11 : i32
      %mul3A_71 = arith.constant 8 : i32
      %mul3A_72 = arith.muli %mul3A_71, %add3A_70 : i32
      %jit3A = arith.constant false
      %jit3A_73 = arith.constant 768 : i32
      %jit3A_74 = arith.constant 1024 : i32
      %select_n3A_75 = arith.select %jit3A, %jit3A_73, %jit3A_74 : i32
      %multiple_of3A = tpu.assume_multiple %select_n3A_75, 128 : i32
      %dma_start3A = arith.constant 0 : i32
      %dma_start3A_76 = arith.constant 0 : i32
      %dma_start3A_77 = tpu.memref_slice %run_scoped3A[%rem3A_68, %dma_start3A, %dma_start3A_76] <%multiple_of3A> : memref<2x8x1024xf32, #tpu.memory_space<vmem>> -> memref<1x8x?xf32, #tpu.memory_space<vmem>>
      %dma_start3A_78 = tpu.memref_squeeze %dma_start3A_77 : memref<1x8x?xf32, #tpu.memory_space<vmem>> -> memref<8x?xf32, #tpu.memory_space<vmem>>
      %dma_start3A_79 = arith.constant 0 : i32
      %dma_start3A_80 = tpu.memref_slice %arg2[%mul3A_72, %dma_start3A_79] <%multiple_of3A> : memref<1024x100000xf32, #tpu.memory_space<hbm>> -> memref<8x?xf32, #tpu.memory_space<hbm>>
      %dma_start3A_81 = tpu.memref_slice %run_scoped3A_7[%rem3A_68] : memref<2x!tpu.dma_semaphore, #tpu.memory_space<semaphore_mem>> -> memref<1x!tpu.dma_semaphore, #tpu.memory_space<semaphore_mem>>
      %dma_start3A_82 = tpu.memref_squeeze %dma_start3A_81 : memref<1x!tpu.dma_semaphore, #tpu.memory_space<semaphore_mem>> -> memref<!tpu.dma_semaphore, #tpu.memory_space<semaphore_mem>>
      %dma_start3A_83 = arith.constant 0 : i32
      %dma_start3A_84 = arith.constant 0 : i32
      %dma_start3A_85 = tpu.memref_slice %run_scoped3A[%rem3A_68, %dma_start3A_83, %dma_start3A_84] <%multiple_of3A> : memref<2x8x1024xf32, #tpu.memory_space<vmem>> -> memref<1x8x?xf32, #tpu.memory_space<vmem>>
      %dma_start3A_86 = tpu.memref_squeeze %dma_start3A_85 : memref<1x8x?xf32, #tpu.memory_space<vmem>> -> memref<8x?xf32, #tpu.memory_space<vmem>>
      %dma_start3A_87 = arith.constant 0 : i32
      %dma_start3A_88 = tpu.memref_slice %arg2[%mul3A_72, %dma_start3A_87] <%multiple_of3A> : memref<1024x100000xf32, #tpu.memory_space<hbm>> -> memref<8x?xf32, #tpu.memory_space<hbm>>
      tpu.enqueue_dma source(%dma_start3A_88 : memref<8x?xf32, #tpu.memory_space<hbm>>) target(%dma_start3A_86 : memref<8x?xf32, #tpu.memory_space<vmem>>) target_semaphore(%dma_start3A_82 : memref<!tpu.dma_semaphore, #tpu.memory_space<semaphore_mem>>)
      %add3A_89 = arith.constant 0 : i32
      %add3A_90 = arith.constant 1 : i32
      %add3A_91 = arith.addi %add3A_89, %add3A_90 : i32
      %select_n3A_92 = arith.constant true
      %select_n3A_93 = arith.constant 0 : i32
      %select_n3A_94 = arith.select %select_n3A_92, %add3A_91, %select_n3A_93 : i32
      "tpu.trace_stop"() : () -> ()
      %scan3A = arith.constant 0 : i32
      %scan3A_95 = arith.constant 0 : i32
      %scan3A_96 = arith.constant 0 : i32
      %scan3A_97 = arith.constant 0 : i32
      %scan3A_98 = arith.constant 0 : i32
      %scan3A_99 = arith.constant 0 : i32
      %scan3A_100 = arith.constant 97 : i32
      %scan3A_101 = arith.addi %scan3A_99, %scan3A_100 : i32
      %scan3A_102 = arith.constant 1 : i32
      %scan3A_103:6 = scf.for %scan3A_197 = %scan3A_99 to %scan3A_101 step %scan3A_102 iter_args(%scan3A_198 = %select_n3A_94, %scan3A_199 = %scan3A, %scan3A_200 = %scan3A_95, %scan3A_201 = %scan3A_96, %scan3A_202 = %scan3A_97, %scan3A_203 = %scan3A_98) -> (i32, i32, i32, i32, i32, i32)  : i32 {
        %eq3A_204 = arith.constant 0 : i32
        %eq3A_205 = arith.cmpi eq, %scan3A_197, %eq3A_204 : i32
        %eq3A_206 = arith.constant 96 : i32
        %eq3A_207 = arith.cmpi eq, %scan3A_197, %eq3A_206 : i32
        %add3A_208 = arith.constant 0 : i32
        %add3A_209 = arith.addi %add3A_208, %mul3A_6 : i32
        %add3A_210 = arith.constant 0 : i32
        %add3A_211 = arith.addi %scan3A_203, %add3A_210 : i32
        %sub3A_212 = arith.constant 1 : i32
        %sub3A_213 = arith.subi %scan3A_203, %sub3A_212 : i32
        %select_n3A_214 = arith.constant true
        %select_n3A_215 = arith.select %select_n3A_214, %sub3A_213, %scan3A_203 : i32
        %eq3A_216 = arith.constant -1 : i32
        %eq3A_217 = arith.cmpi eq, %select_n3A_215, %eq3A_216 : i32
        %select_n3A_218 = arith.constant 96 : i32
        %select_n3A_219 = arith.select %eq3A_217, %select_n3A_218, %select_n3A_215 : i32
        %select_n3A_220 = arith.constant 0 : i32
        %select_n3A_221 = arith.constant -1 : i32
        %select_n3A_222 = arith.select %eq3A_217, %select_n3A_221, %select_n3A_220 : i32
        %eq3A_223 = arith.constant -1 : i32
        %eq3A_224 = arith.cmpi eq, %select_n3A_222, %eq3A_223 : i32
        %select_n3A_225 = arith.constant 0 : i32
        %select_n3A_226 = arith.select %eq3A_224, %select_n3A_225, %select_n3A_222 : i32
        %add3A_227 = arith.constant 0 : i32
        %add3A_228 = arith.addi %add3A_227, %mul3A_6 : i32
        %add3A_229 = arith.constant 0 : i32
        %add3A_230 = arith.addi %select_n3A_219, %add3A_229 : i32
        %add3A_231 = arith.constant 1 : i32
        %add3A_232 = arith.addi %scan3A_203, %add3A_231 : i32
        %select_n3A_233 = arith.constant true
        %select_n3A_234 = arith.select %select_n3A_233, %add3A_232, %scan3A_203 : i32
        %eq3A_235 = arith.constant 97 : i32
        %eq3A_236 = arith.cmpi eq, %select_n3A_234, %eq3A_235 : i32
        %select_n3A_237 = arith.constant 0 : i32
        %select_n3A_238 = arith.select %eq3A_236, %select_n3A_237, %select_n3A_234 : i32
        %select_n3A_239 = arith.constant 0 : i32
        %select_n3A_240 = arith.constant 1 : i32
        %select_n3A_241 = arith.select %eq3A_236, %select_n3A_240, %select_n3A_239 : i32
        %eq3A_242 = arith.constant 1 : i32
        %eq3A_243 = arith.cmpi eq, %select_n3A_241, %eq3A_242 : i32
        %select_n3A_244 = arith.constant 0 : i32
        %select_n3A_245 = arith.select %eq3A_243, %select_n3A_244, %select_n3A_241 : i32
        %add3A_246 = arith.constant 0 : i32
        %add3A_247 = arith.addi %add3A_246, %mul3A_6 : i32
        %add3A_248 = arith.constant 0 : i32
        %add3A_249 = arith.addi %select_n3A_238, %add3A_248 : i32
        %add3A_250 = arith.constant 1 : i32
        %add3A_251 = arith.addi %select_n3A_238, %add3A_250 : i32
        %select_n3A_252 = arith.constant true
        %select_n3A_253 = arith.select %select_n3A_252, %add3A_251, %select_n3A_238 : i32
        %eq3A_254 = arith.constant 97 : i32
        %eq3A_255 = arith.cmpi eq, %select_n3A_253, %eq3A_254 : i32
        %select_n3A_256 = arith.constant 0 : i32
        %select_n3A_257 = arith.select %eq3A_255, %select_n3A_256, %select_n3A_253 : i32
        %select_n3A_258 = arith.constant 0 : i32
        %select_n3A_259 = arith.constant 1 : i32
        %select_n3A_260 = arith.select %eq3A_255, %select_n3A_259, %select_n3A_258 : i32
        %eq3A_261 = arith.constant 1 : i32
        %eq3A_262 = arith.cmpi eq, %select_n3A_260, %eq3A_261 : i32
        %select_n3A_263 = arith.constant 0 : i32
        %select_n3A_264 = arith.select %eq3A_262, %select_n3A_263, %select_n3A_260 : i32
        %add3A_265 = arith.constant 0 : i32
        %add3A_266 = arith.addi %add3A_265, %mul3A_6 : i32
        %add3A_267 = arith.constant 0 : i32
        %add3A_268 = arith.addi %select_n3A_257, %add3A_267 : i32
        %add3A_269 = arith.constant 96 : i32
        %add3A_270 = arith.addi %add3A_269, %add3A_209 : i32
        %add3A_271 = arith.constant 96 : i32
        %add3A_272 = arith.addi %add3A_271, %add3A_247 : i32
        %ne3A = arith.cmpi ne, %add3A_270, %add3A_272 : i32
        %ne3A_273 = arith.cmpi ne, %add3A_211, %add3A_249 : i32
        %or3A = arith.constant false
        %or3A_274 = arith.ori %or3A, %ne3A : i1
        %or3A_275 = arith.ori %or3A_274, %ne3A_273 : i1
        %ge3A = arith.constant 96 : i32
        %ge3A_276 = arith.cmpi sge, %scan3A_197, %ge3A : i32
        %not3A = arith.constant true
        %not3A_277 = arith.xori %ge3A_276, %not3A : i1
        %and3A = arith.andi %or3A_275, %not3A_277 : i1
        %convert_element_type3A = arith.extui %and3A : i1 to i32
        %cond3A = arith.constant 0 : i32
        %cond3A_278 = arith.cmpi ne, %convert_element_type3A, %cond3A : i32
        scf.if %cond3A_278 {
          "tpu.trace_start"() <{level = 10 : i32, message = "ep_copy_in"}> : () -> ()
          %rem3A_416 = arith.constant 2 : i32
          %rem3A_417 = arith.remui %scan3A_198, %rem3A_416 : i32
          %add3A_418 = arith.constant 96 : i32
          %add3A_419 = arith.addi %add3A_418, %add3A_247 : i32
          %mul3A_420 = arith.constant 8 : i32
          %mul3A_421 = arith.muli %mul3A_420, %add3A_419 : i32
          %mul3A_422 = arith.constant 1024 : i32
          %mul3A_423 = arith.muli %mul3A_422, %add3A_249 : i32
          %eq3A_424 = arith.constant 97 : i32
          %eq3A_425 = arith.cmpi eq, %add3A_249, %eq3A_424 : i32
          %jit3A_426 = arith.constant 768 : i32
          %jit3A_427 = arith.constant 1024 : i32
          %select_n3A_428 = arith.select %eq3A_425, %jit3A_426, %jit3A_427 : i32
          %multiple_of3A_429 = tpu.assume_multiple %select_n3A_428, 128 : i32
          %mul3A_430 = arith.constant 1024 : i32
          %mul3A_431 = arith.muli %add3A_249, %mul3A_430 : i32
          %dma_start3A_432 = arith.constant 0 : i32
          %dma_start3A_433 = arith.constant 0 : i32
          %dma_start3A_434 = tpu.memref_slice %run_scoped3A[%rem3A_417, %dma_start3A_432, %dma_start3A_433] <%multiple_of3A_429> : memref<2x8x1024xf32, #tpu.memory_space<vmem>> -> memref<1x8x?xf32, #tpu.memory_space<vmem>>
          %dma_start3A_435 = tpu.memref_squeeze %dma_start3A_434 : memref<1x8x?xf32, #tpu.memory_space<vmem>> -> memref<8x?xf32, #tpu.memory_space<vmem>>
          %dma_start3A_436 = tpu.memref_slice %arg2[%mul3A_421, %mul3A_431] <%multiple_of3A_429> : memref<1024x100000xf32, #tpu.memory_space<hbm>> -> memref<8x?xf32, #tpu.memory_space<hbm>>
          %dma_start3A_437 = tpu.memref_slice %run_scoped3A_7[%rem3A_417] : memref<2x!tpu.dma_semaphore, #tpu.memory_space<semaphore_mem>> -> memref<1x!tpu.dma_semaphore, #tpu.memory_space<semaphore_mem>>
          %dma_start3A_438 = tpu.memref_squeeze %dma_start3A_437 : memref<1x!tpu.dma_semaphore, #tpu.memory_space<semaphore_mem>> -> memref<!tpu.dma_semaphore, #tpu.memory_space<semaphore_mem>>
          %dma_start3A_439 = arith.constant 0 : i32
          %dma_start3A_440 = arith.constant 0 : i32
          %dma_start3A_441 = tpu.memref_slice %run_scoped3A[%rem3A_417, %dma_start3A_439, %dma_start3A_440] <%multiple_of3A_429> : memref<2x8x1024xf32, #tpu.memory_space<vmem>> -> memref<1x8x?xf32, #tpu.memory_space<vmem>>
          %dma_start3A_442 = tpu.memref_squeeze %dma_start3A_441 : memref<1x8x?xf32, #tpu.memory_space<vmem>> -> memref<8x?xf32, #tpu.memory_space<vmem>>
          %dma_start3A_443 = tpu.memref_slice %arg2[%mul3A_421, %mul3A_431] <%multiple_of3A_429> : memref<1024x100000xf32, #tpu.memory_space<hbm>> -> memref<8x?xf32, #tpu.memory_space<hbm>>
          tpu.enqueue_dma source(%dma_start3A_443 : memref<8x?xf32, #tpu.memory_space<hbm>>) target(%dma_start3A_442 : memref<8x?xf32, #tpu.memory_space<vmem>>) target_semaphore(%dma_start3A_438 : memref<!tpu.dma_semaphore, #tpu.memory_space<semaphore_mem>>)
          "tpu.trace_stop"() : () -> ()
        } else {
        }
        %and3A_279 = arith.constant true
        %and3A_280 = arith.andi %and3A, %and3A_279 : i1
        %add3A_281 = arith.constant 1 : i32
        %add3A_282 = arith.addi %scan3A_198, %add3A_281 : i32
        %select_n3A_283 = arith.select %and3A_280, %add3A_282, %scan3A_198 : i32
        %ne3A_284 = arith.cmpi ne, %add3A_209, %add3A_247 : i32
        %ne3A_285 = arith.cmpi ne, %add3A_211, %add3A_249 : i32
        %or3A_286 = arith.constant false
        %or3A_287 = arith.ori %or3A_286, %ne3A_284 : i1
        %or3A_288 = arith.ori %or3A_287, %ne3A_285 : i1
        %ge3A_289 = arith.constant 96 : i32
        %ge3A_290 = arith.cmpi sge, %scan3A_197, %ge3A_289 : i32
        %not3A_291 = arith.constant true
        %not3A_292 = arith.xori %ge3A_290, %not3A_291 : i1
        %and3A_293 = arith.andi %or3A_288, %not3A_292 : i1
        %add3A_294 = arith.constant 96 : i32
        %add3A_295 = arith.addi %add3A_294, %add3A_209 : i32
        %add3A_296 = arith.constant 96 : i32
        %add3A_297 = arith.addi %add3A_296, %add3A_228 : i32
        %ne3A_298 = arith.cmpi ne, %add3A_295, %add3A_297 : i32
        %ne3A_299 = arith.cmpi ne, %add3A_211, %add3A_230 : i32
        %or3A_300 = arith.constant false
        %or3A_301 = arith.ori %or3A_300, %ne3A_298 : i1
        %or3A_302 = arith.ori %or3A_301, %ne3A_299 : i1
        %or3A_303 = arith.ori %or3A_302, %eq3A_205 : i1
        %convert_element_type3A_304 = arith.extui %or3A_303 : i1 to i32
        %cond3A_305 = arith.constant 0 : i32
        %cond3A_306 = arith.cmpi ne, %convert_element_type3A_304, %cond3A_305 : i32
        scf.if %cond3A_306 {
          "tpu.trace_start"() <{level = 10 : i32, message = "ep_wait_in"}> : () -> ()
          %add3A_416 = arith.constant 96 : i32
          %add3A_417 = arith.addi %add3A_416, %add3A_209 : i32
          %mul3A_418 = arith.constant 8 : i32
          %mul3A_419 = arith.muli %mul3A_418, %add3A_417 : i32
          %mul3A_420 = arith.constant 1024 : i32
          %mul3A_421 = arith.muli %mul3A_420, %add3A_211 : i32
          %eq3A_422 = arith.constant 97 : i32
          %eq3A_423 = arith.cmpi eq, %add3A_211, %eq3A_422 : i32
          %jit3A_424 = arith.constant 768 : i32
          %jit3A_425 = arith.constant 1024 : i32
          %select_n3A_426 = arith.select %eq3A_423, %jit3A_424, %jit3A_425 : i32
          %multiple_of3A_427 = tpu.assume_multiple %select_n3A_426, 128 : i32
          %mul3A_428 = arith.constant 1024 : i32
          %mul3A_429 = arith.muli %add3A_211, %mul3A_428 : i32
          %rem3A_430 = arith.constant 2 : i32
          %rem3A_431 = arith.remui %scan3A_199, %rem3A_430 : i32
          %dma_wait3A_432 = arith.constant 0 : i32
          %dma_wait3A_433 = arith.constant 0 : i32
          %dma_wait3A_434 = tpu.memref_slice %run_scoped3A[%rem3A_431, %dma_wait3A_432, %dma_wait3A_433] <%multiple_of3A_427> : memref<2x8x1024xf32, #tpu.memory_space<vmem>> -> memref<1x8x?xf32, #tpu.memory_space<vmem>>
          %dma_wait3A_435 = tpu.memref_squeeze %dma_wait3A_434 : memref<1x8x?xf32, #tpu.memory_space<vmem>> -> memref<8x?xf32, #tpu.memory_space<vmem>>
          %dma_wait3A_436 = tpu.memref_slice %arg2[%mul3A_419, %mul3A_429] <%multiple_of3A_427> : memref<1024x100000xf32, #tpu.memory_space<hbm>> -> memref<8x?xf32, #tpu.memory_space<hbm>>
          %dma_wait3A_437 = tpu.memref_slice %run_scoped3A_7[%rem3A_431] : memref<2x!tpu.dma_semaphore, #tpu.memory_space<semaphore_mem>> -> memref<1x!tpu.dma_semaphore, #tpu.memory_space<semaphore_mem>>
          %dma_wait3A_438 = tpu.memref_squeeze %dma_wait3A_437 : memref<1x!tpu.dma_semaphore, #tpu.memory_space<semaphore_mem>> -> memref<!tpu.dma_semaphore, #tpu.memory_space<semaphore_mem>>
          %dma_wait3A_439 = arith.constant 0 : i32
          %dma_wait3A_440 = arith.constant 0 : i32
          %dma_wait3A_441 = tpu.memref_slice %run_scoped3A[%rem3A_431, %dma_wait3A_439, %dma_wait3A_440] <%multiple_of3A_427> : memref<2x8x1024xf32, #tpu.memory_space<vmem>> -> memref<1x8x?xf32, #tpu.memory_space<vmem>>
          %dma_wait3A_442 = tpu.memref_squeeze %dma_wait3A_441 : memref<1x8x?xf32, #tpu.memory_space<vmem>> -> memref<8x?xf32, #tpu.memory_space<vmem>>
          %dma_wait3A_443 = tpu.memref_slice %arg2[%mul3A_419, %mul3A_429] <%multiple_of3A_427> : memref<1024x100000xf32, #tpu.memory_space<hbm>> -> memref<8x?xf32, #tpu.memory_space<hbm>>
          tpu.wait_dma2 semaphore(%dma_wait3A_438 : memref<!tpu.dma_semaphore, #tpu.memory_space<semaphore_mem>>) src(%dma_wait3A_443 : memref<8x?xf32, #tpu.memory_space<hbm>>) dst(%dma_wait3A_442 : memref<8x?xf32, #tpu.memory_space<vmem>>)
          "tpu.trace_stop"() : () -> ()
        } else {
        }
        %ne3A_307 = arith.cmpi ne, %add3A_209, %add3A_228 : i32
        %ne3A_308 = arith.cmpi ne, %add3A_211, %add3A_230 : i32
        %or3A_309 = arith.constant false
        %or3A_310 = arith.ori %or3A_309, %ne3A_307 : i1
        %or3A_311 = arith.ori %or3A_310, %ne3A_308 : i1
        %or3A_312 = arith.ori %or3A_311, %eq3A_205 : i1
        %convert_element_type3A_313 = arith.extui %or3A_312 : i1 to i32
        %cond3A_314 = arith.constant 0 : i32
        %cond3A_315 = arith.cmpi ne, %convert_element_type3A_313, %cond3A_314 : i32
        scf.if %cond3A_315 {
        } else {
        }
        %rem3A_316 = arith.constant 2 : i32
        %rem3A_317 = arith.remui %scan3A_199, %rem3A_316 : i32
        %rem3A_318 = arith.constant 2 : i32
        %rem3A_319 = arith.remui %scan3A_200, %rem3A_318 : i32
        "tpu.trace_start"() <{level = 10 : i32, message = "ep_run_kernel"}> : () -> ()
        %scan3A_320 = arith.constant 0 : i32
        %scan3A_321 = arith.constant 8 : i32
        %scan3A_322 = arith.addi %scan3A_320, %scan3A_321 : i32
        %scan3A_323 = arith.constant 1 : i32
        scf.for %scan3A_416 = %scan3A_320 to %scan3A_322 step %scan3A_323  : i32 {
          %mul3A_417 = arith.constant 1 : i32
          %mul3A_418 = arith.muli %scan3A_416, %mul3A_417 : i32
          %add3A_419 = arith.constant 0 : i32
          %add3A_420 = arith.addi %add3A_419, %mul3A_418 : i32
          %get3A = arith.constant 0 : i32
          %get3A_421 = arith.constant 0 : i32
          %get3A_422 = tpu.memref_slice %run_scoped3A[%rem3A_317, %get3A, %get3A_421] : memref<2x8x1024xf32, #tpu.memory_space<vmem>> -> memref<1x8x1024xf32, #tpu.memory_space<vmem>>
          %get3A_423 = tpu.memref_squeeze %get3A_422 : memref<1x8x1024xf32, #tpu.memory_space<vmem>> -> memref<8x1024xf32, #tpu.memory_space<vmem>>
          %get3A_424 = arith.index_cast %add3A_420 : i32 to index
          %get3A_425 = arith.constant 0 : index
          %get3A_426 = tpu.vector_load %get3A_423[%get3A_424, %get3A_425] {strides = array<i32>} : memref<8x1024xf32, #tpu.memory_space<vmem>>, vector<1x16xf32>,
          %get3A_427 = vector.shape_cast %get3A_426 : vector<1x16xf32> to vector<1x16xf32>
          %jit3A_428 = arith.constant -1.000000e+00 : f32
          %jit3A_429 = arith.constant 1.000000e+00 : f32
          %max3A = vector.broadcast %jit3A_428 : f32 to vector<1x16xf32>
          %max3A_430 = arith.maximumf %max3A, %get3A_427 : vector<1x16xf32>
          %min3A = vector.broadcast %jit3A_429 : f32 to vector<1x16xf32>
          %min3A_431 = arith.minimumf %min3A, %max3A_430 : vector<1x16xf32>
          %mul3A_432 = arith.constant 6.400000e+01 : f32
          %mul3A_433 = vector.broadcast %mul3A_432 : f32 to vector<1x16xf32>
          %mul3A_434 = arith.mulf %min3A_431, %mul3A_433 : vector<1x16xf32>
          %sub3A_435 = arith.constant 6.400000e+01 : f32
          %sub3A_436 = vector.broadcast %sub3A_435 : f32 to vector<1x16xf32>
          %sub3A_437 = arith.subf %mul3A_434, %sub3A_436 : vector<1x16xf32>
          %exp3A = math.exp %sub3A_437 : vector<1x16xf32>
          %get3A_438 = arith.constant 0 : i32
          %get3A_439 = arith.constant 0 : i32
          %get3A_440 = tpu.memref_slice %run_scoped3A[%rem3A_317, %get3A_438, %get3A_439] : memref<2x8x1024xf32, #tpu.memory_space<vmem>> -> memref<1x8x1024xf32, #tpu.memory_space<vmem>>
          %get3A_441 = tpu.memref_squeeze %get3A_440 : memref<1x8x1024xf32, #tpu.memory_space<vmem>> -> memref<8x1024xf32, #tpu.memory_space<vmem>>
          %get3A_442 = arith.index_cast %add3A_420 : i32 to index
          %get3A_443 = arith.constant 128 : index
          %get3A_444 = tpu.vector_load %get3A_441[%get3A_442, %get3A_443] {strides = array<i32>} : memref<8x1024xf32, #tpu.memory_space<vmem>>, vector<1x16xf32>,
          %get3A_445 = vector.shape_cast %get3A_444 : vector<1x16xf32> to vector<1x16xf32>
          %jit3A_446 = arith.constant -1.000000e+00 : f32
          %jit3A_447 = arith.constant 1.000000e+00 : f32
          %max3A_448 = vector.broadcast %jit3A_446 : f32 to vector<1x16xf32>
          %max3A_449 = arith.maximumf %max3A_448, %get3A_445 : vector<1x16xf32>
          %min3A_450 = vector.broadcast %jit3A_447 : f32 to vector<1x16xf32>
          %min3A_451 = arith.minimumf %min3A_450, %max3A_449 : vector<1x16xf32>
          %mul3A_452 = arith.constant 6.400000e+01 : f32
          %mul3A_453 = vector.broadcast %mul3A_452 : f32 to vector<1x16xf32>
          %mul3A_454 = arith.mulf %min3A_451, %mul3A_453 : vector<1x16xf32>
          %sub3A_455 = arith.constant 6.400000e+01 : f32
          %sub3A_456 = vector.broadcast %sub3A_455 : f32 to vector<1x16xf32>
          %sub3A_457 = arith.subf %mul3A_454, %sub3A_456 : vector<1x16xf32>
          %exp3A_458 = math.exp %sub3A_457 : vector<1x16xf32>
          %add3A_459 = arith.addf %exp3A, %exp3A_458 : vector<1x16xf32>
          %get3A_460 = arith.constant 0 : i32
          %get3A_461 = arith.constant 0 : i32
          %get3A_462 = tpu.memref_slice %run_scoped3A[%rem3A_317, %get3A_460, %get3A_461] : memref<2x8x1024xf32, #tpu.memory_space<vmem>> -> memref<1x8x1024xf32, #tpu.memory_space<vmem>>
          %get3A_463 = tpu.memref_squeeze %get3A_462 : memref<1x8x1024xf32, #tpu.memory_space<vmem>> -> memref<8x1024xf32, #tpu.memory_space<vmem>>
          %get3A_464 = arith.index_cast %add3A_420 : i32 to index
          %get3A_465 = arith.constant 256 : index
          %get3A_466 = tpu.vector_load %get3A_463[%get3A_464, %get3A_465] {strides = array<i32>} : memref<8x1024xf32, #tpu.memory_space<vmem>>, vector<1x16xf32>,
          %get3A_467 = vector.shape_cast %get3A_466 : vector<1x16xf32> to vector<1x16xf32>
          %jit3A_468 = arith.constant -1.000000e+00 : f32
          %jit3A_469 = arith.constant 1.000000e+00 : f32
          %max3A_470 = vector.broadcast %jit3A_468 : f32 to vector<1x16xf32>
          %max3A_471 = arith.maximumf %max3A_470, %get3A_467 : vector<1x16xf32>
          %min3A_472 = vector.broadcast %jit3A_469 : f32 to vector<1x16xf32>
          %min3A_473 = arith.minimumf %min3A_472, %max3A_471 : vector<1x16xf32>
          %mul3A_474 = arith.constant 6.400000e+01 : f32
          %mul3A_475 = vector.broadcast %mul3A_474 : f32 to vector<1x16xf32>
          %mul3A_476 = arith.mulf %min3A_473, %mul3A_475 : vector<1x16xf32>
          %sub3A_477 = arith.constant 6.400000e+01 : f32
          %sub3A_478 = vector.broadcast %sub3A_477 : f32 to vector<1x16xf32>
          %sub3A_479 = arith.subf %mul3A_476, %sub3A_478 : vector<1x16xf32>
          %exp3A_480 = math.exp %sub3A_479 : vector<1x16xf32>
          %add3A_481 = arith.addf %add3A_459, %exp3A_480 : vector<1x16xf32>
          %get3A_482 = arith.constant 0 : i32
          %get3A_483 = arith.constant 0 : i32
          %get3A_484 = tpu.memref_slice %run_scoped3A[%rem3A_317, %get3A_482, %get3A_483] : memref<2x8x1024xf32, #tpu.memory_space<vmem>> -> memref<1x8x1024xf32, #tpu.memory_space<vmem>>
          %get3A_485 = tpu.memref_squeeze %get3A_484 : memref<1x8x1024xf32, #tpu.memory_space<vmem>> -> memref<8x1024xf32, #tpu.memory_space<vmem>>
          %get3A_486 = arith.index_cast %add3A_420 : i32 to index
          %get3A_487 = arith.constant 384 : index
          %get3A_488 = tpu.vector_load %get3A_485[%get3A_486, %get3A_487] {strides = array<i32>} : memref<8x1024xf32, #tpu.memory_space<vmem>>, vector<1x16xf32>,
          %get3A_489 = vector.shape_cast %get3A_488 : vector<1x16xf32> to vector<1x16xf32>
          %jit3A_490 = arith.constant -1.000000e+00 : f32
          %jit3A_491 = arith.constant 1.000000e+00 : f32
          %max3A_492 = vector.broadcast %jit3A_490 : f32 to vector<1x16xf32>
          %max3A_493 = arith.maximumf %max3A_492, %get3A_489 : vector<1x16xf32>
          %min3A_494 = vector.broadcast %jit3A_491 : f32 to vector<1x16xf32>
          %min3A_495 = arith.minimumf %min3A_494, %max3A_493 : vector<1x16xf32>
          %mul3A_496 = arith.constant 6.400000e+01 : f32
          %mul3A_497 = vector.broadcast %mul3A_496 : f32 to vector<1x16xf32>
          %mul3A_498 = arith.mulf %min3A_495, %mul3A_497 : vector<1x16xf32>
          %sub3A_499 = arith.constant 6.400000e+01 : f32
          %sub3A_500 = vector.broadcast %sub3A_499 : f32 to vector<1x16xf32>
          %sub3A_501 = arith.subf %mul3A_498, %sub3A_500 : vector<1x16xf32>
          %exp3A_502 = math.exp %sub3A_501 : vector<1x16xf32>
          %add3A_503 = arith.addf %add3A_481, %exp3A_502 : vector<1x16xf32>
          %get3A_504 = arith.constant 0 : i32
          %get3A_505 = arith.constant 0 : i32
          %get3A_506 = tpu.memref_slice %run_scoped3A[%rem3A_317, %get3A_504, %get3A_505] : memref<2x8x1024xf32, #tpu.memory_space<vmem>> -> memref<1x8x1024xf32, #tpu.memory_space<vmem>>
          %get3A_507 = tpu.memref_squeeze %get3A_506 : memref<1x8x1024xf32, #tpu.memory_space<vmem>> -> memref<8x1024xf32, #tpu.memory_space<vmem>>
          %get3A_508 = arith.index_cast %add3A_420 : i32 to index
          %get3A_509 = arith.constant 512 : index
          %get3A_510 = tpu.vector_load %get3A_507[%get3A_508, %get3A_509] {strides = array<i32>} : memref<8x1024xf32, #tpu.memory_space<vmem>>, vector<1x16xf32>,
          %get3A_511 = vector.shape_cast %get3A_510 : vector<1x16xf32> to vector<1x16xf32>
          %jit3A_512 = arith.constant -1.000000e+00 : f32
          %jit3A_513 = arith.constant 1.000000e+00 : f32
          %max3A_514 = vector.broadcast %jit3A_512 : f32 to vector<1x16xf32>
          %max3A_515 = arith.maximumf %max3A_514, %get3A_511 : vector<1x16xf32>
          %min3A_516 = vector.broadcast %jit3A_513 : f32 to vector<1x16xf32>
          %min3A_517 = arith.minimumf %min3A_516, %max3A_515 : vector<1x16xf32>
          %mul3A_518 = arith.constant 6.400000e+01 : f32
          %mul3A_519 = vector.broadcast %mul3A_518 : f32 to vector<1x16xf32>
          %mul3A_520 = arith.mulf %min3A_517, %mul3A_519 : vector<1x16xf32>
          %sub3A_521 = arith.constant 6.400000e+01 : f32
          %sub3A_522 = vector.broadcast %sub3A_521 : f32 to vector<1x16xf32>
          %sub3A_523 = arith.subf %mul3A_520, %sub3A_522 : vector<1x16xf32>
          %exp3A_524 = math.exp %sub3A_523 : vector<1x16xf32>
          %add3A_525 = arith.addf %add3A_503, %exp3A_524 : vector<1x16xf32>
          %get3A_526 = arith.constant 0 : i32
          %get3A_527 = arith.constant 0 : i32
          %get3A_528 = tpu.memref_slice %run_scoped3A[%rem3A_317, %get3A_526, %get3A_527] : memref<2x8x1024xf32, #tpu.memory_space<vmem>> -> memref<1x8x1024xf32, #tpu.memory_space<vmem>>
          %get3A_529 = tpu.memref_squeeze %get3A_528 : memref<1x8x1024xf32, #tpu.memory_space<vmem>> -> memref<8x1024xf32, #tpu.memory_space<vmem>>
          %get3A_530 = arith.index_cast %add3A_420 : i32 to index
          %get3A_531 = arith.constant 640 : index
          %get3A_532 = tpu.vector_load %get3A_529[%get3A_530, %get3A_531] {strides = array<i32>} : memref<8x1024xf32, #tpu.memory_space<vmem>>, vector<1x16xf32>,
          %get3A_533 = vector.shape_cast %get3A_532 : vector<1x16xf32> to vector<1x16xf32>
          %jit3A_534 = arith.constant -1.000000e+00 : f32
          %jit3A_535 = arith.constant 1.000000e+00 : f32
          %max3A_536 = vector.broadcast %jit3A_534 : f32 to vector<1x16xf32>
          %max3A_537 = arith.maximumf %max3A_536, %get3A_533 : vector<1x16xf32>
          %min3A_538 = vector.broadcast %jit3A_535 : f32 to vector<1x16xf32>
          %min3A_539 = arith.minimumf %min3A_538, %max3A_537 : vector<1x16xf32>
          %mul3A_540 = arith.constant 6.400000e+01 : f32
          %mul3A_541 = vector.broadcast %mul3A_540 : f32 to vector<1x16xf32>
          %mul3A_542 = arith.mulf %min3A_539, %mul3A_541 : vector<1x16xf32>
          %sub3A_543 = arith.constant 6.400000e+01 : f32
          %sub3A_544 = vector.broadcast %sub3A_543 : f32 to vector<1x16xf32>
          %sub3A_545 = arith.subf %mul3A_542, %sub3A_544 : vector<1x16xf32>
          %exp3A_546 = math.exp %sub3A_545 : vector<1x16xf32>
          %add3A_547 = arith.addf %add3A_525, %exp3A_546 : vector<1x16xf32>
          %get3A_548 = arith.constant 0 : i32
          %get3A_549 = arith.constant 0 : i32
          %get3A_550 = tpu.memref_slice %run_scoped3A[%rem3A_317, %get3A_548, %get3A_549] : memref<2x8x1024xf32, #tpu.memory_space<vmem>> -> memref<1x8x1024xf32, #tpu.memory_space<vmem>>
          %get3A_551 = tpu.memref_squeeze %get3A_550 : memref<1x8x1024xf32, #tpu.memory_space<vmem>> -> memref<8x1024xf32, #tpu.memory_space<vmem>>
          %get3A_552 = arith.index_cast %add3A_420 : i32 to index
          %get3A_553 = arith.constant 768 : index
          %get3A_554 = tpu.vector_load %get3A_551[%get3A_552, %get3A_553] {strides = array<i32>} : memref<8x1024xf32, #tpu.memory_space<vmem>>, vector<1x16xf32>,
          %get3A_555 = vector.shape_cast %get3A_554 : vector<1x16xf32> to vector<1x16xf32>
          %jit3A_556 = arith.constant -1.000000e+00 : f32
          %jit3A_557 = arith.constant 1.000000e+00 : f32
          %max3A_558 = vector.broadcast %jit3A_556 : f32 to vector<1x16xf32>
          %max3A_559 = arith.maximumf %max3A_558, %get3A_555 : vector<1x16xf32>
          %min3A_560 = vector.broadcast %jit3A_557 : f32 to vector<1x16xf32>
          %min3A_561 = arith.minimumf %min3A_560, %max3A_559 : vector<1x16xf32>
          %mul3A_562 = arith.constant 6.400000e+01 : f32
          %mul3A_563 = vector.broadcast %mul3A_562 : f32 to vector<1x16xf32>
          %mul3A_564 = arith.mulf %min3A_561, %mul3A_563 : vector<1x16xf32>
          %sub3A_565 = arith.constant 6.400000e+01 : f32
          %sub3A_566 = vector.broadcast %sub3A_565 : f32 to vector<1x16xf32>
          %sub3A_567 = arith.subf %mul3A_564, %sub3A_566 : vector<1x16xf32>
          %exp3A_568 = math.exp %sub3A_567 : vector<1x16xf32>
          %add3A_569 = arith.addf %add3A_547, %exp3A_568 : vector<1x16xf32>
          %get3A_570 = arith.constant 0 : i32
          %get3A_571 = arith.constant 0 : i32
          %get3A_572 = tpu.memref_slice %run_scoped3A[%rem3A_317, %get3A_570, %get3A_571] : memref<2x8x1024xf32, #tpu.memory_space<vmem>> -> memref<1x8x1024xf32, #tpu.memory_space<vmem>>
          %get3A_573 = tpu.memref_squeeze %get3A_572 : memref<1x8x1024xf32, #tpu.memory_space<vmem>> -> memref<8x1024xf32, #tpu.memory_space<vmem>>
          %get3A_574 = arith.index_cast %add3A_420 : i32 to index
          %get3A_575 = arith.constant 896 : index
          %get3A_576 = tpu.vector_load %get3A_573[%get3A_574, %get3A_575] {strides = array<i32>} : memref<8x1024xf32, #tpu.memory_space<vmem>>, vector<1x16xf32>,
          %get3A_577 = vector.shape_cast %get3A_576 : vector<1x16xf32> to vector<1x16xf32>
          %jit3A_578 = arith.constant -1.000000e+00 : f32
          %jit3A_579 = arith.constant 1.000000e+00 : f32
          %max3A_580 = vector.broadcast %jit3A_578 : f32 to vector<1x16xf32>
          %max3A_581 = arith.maximumf %max3A_580, %get3A_577 : vector<1x16xf32>
          %min3A_582 = vector.broadcast %jit3A_579 : f32 to vector<1x16xf32>
          %min3A_583 = arith.minimumf %min3A_582, %max3A_581 : vector<1x16xf32>
          %mul3A_584 = arith.constant 6.400000e+01 : f32
          %mul3A_585 = vector.broadcast %mul3A_584 : f32 to vector<1x16xf32>
          %mul3A_586 = arith.mulf %min3A_583, %mul3A_585 : vector<1x16xf32>
          %sub3A_587 = arith.constant 6.400000e+01 : f32
          %sub3A_588 = vector.broadcast %sub3A_587 : f32 to vector<1x16xf32>
          %sub3A_589 = arith.subf %mul3A_586, %sub3A_588 : vector<1x16xf32>
          %exp3A_590 = math.exp %sub3A_589 : vector<1x16xf32>
          %add3A_591 = arith.addf %add3A_569, %exp3A_590 : vector<1x16xf32>
          %swap3A = arith.constant 0 : i32
          %swap3A_592 = arith.constant 0 : i32
          %swap3A_593 = tpu.memref_slice %run_scoped3A_8[%rem3A_319, %swap3A, %swap3A_592] : memref<2x8x128xf32, #tpu.memory_space<vmem>> -> memref<1x8x128xf32, #tpu.memory_space<vmem>>
          %swap3A_594 = tpu.memref_squeeze %swap3A_593 : memref<1x8x128xf32, #tpu.memory_space<vmem>> -> memref<8x128xf32, #tpu.memory_space<vmem>>
          %swap3A_595 = arith.index_cast %add3A_420 : i32 to index
          %swap3A_596 = arith.constant 0 : index
          %swap3A_597 = tpu.vector_load %swap3A_594[%swap3A_595, %swap3A_596] {strides = array<i32>} : memref<8x128xf32, #tpu.memory_space<vmem>>, vector<1x16xf32>,
          %swap3A_598 = vector.shape_cast %swap3A_597 : vector<1x16xf32> to vector<1x16xf32>
          %swap3A_599 = vector.shape_cast %add3A_591 : vector<1x16xf32> to vector<1x16xf32>
          tpu.vector_store %swap3A_594[%swap3A_595, %swap3A_596], %swap3A_599 {strides = array<i32>} : memref<8x128xf32, #tpu.memory_space<vmem>>, vector<1x16xf32>,
          %get3A_600 = arith.constant 0 : i32
          %get3A_601 = arith.constant 0 : i32
          %get3A_602 = tpu.memref_slice %run_scoped3A[%rem3A_317, %get3A_600, %get3A_601] : memref<2x8x1024xf32, #tpu.memory_space<vmem>> -> memref<1x8x1024xf32, #tpu.memory_space<vmem>>
          %get3A_603 = tpu.memref_squeeze %get3A_602 : memref<1x8x1024xf32, #tpu.memory_space<vmem>> -> memref<8x1024xf32, #tpu.memory_space<vmem>>
          %get3A_604 = arith.index_cast %add3A_420 : i32 to index
          %get3A_605 = arith.constant 16 : index
          %get3A_606 = tpu.vector_load %get3A_603[%get3A_604, %get3A_605] {strides = array<i32>} : memref<8x1024xf32, #tpu.memory_space<vmem>>, vector<1x16xf32>,
          %get3A_607 = vector.shape_cast %get3A_606 : vector<1x16xf32> to vector<1x16xf32>
          %jit3A_608 = arith.constant -1.000000e+00 : f32
          %jit3A_609 = arith.constant 1.000000e+00 : f32
          %max3A_610 = vector.broadcast %jit3A_608 : f32 to vector<1x16xf32>
          %max3A_611 = arith.maximumf %max3A_610, %get3A_607 : vector<1x16xf32>
          %min3A_612 = vector.broadcast %jit3A_609 : f32 to vector<1x16xf32>
          %min3A_613 = arith.minimumf %min3A_612, %max3A_611 : vector<1x16xf32>
          %mul3A_614 = arith.constant 6.400000e+01 : f32
          %mul3A_615 = vector.broadcast %mul3A_614 : f32 to vector<1x16xf32>
          %mul3A_616 = arith.mulf %min3A_613, %mul3A_615 : vector<1x16xf32>
          %sub3A_617 = arith.constant 6.400000e+01 : f32
          %sub3A_618 = vector.broadcast %sub3A_617 : f32 to vector<1x16xf32>
          %sub3A_619 = arith.subf %mul3A_616, %sub3A_618 : vector<1x16xf32>
          %exp3A_620 = math.exp %sub3A_619 : vector<1x16xf32>
          %get3A_621 = arith.constant 0 : i32
          %get3A_622 = arith.constant 0 : i32
          %get3A_623 = tpu.memref_slice %run_scoped3A[%rem3A_317, %get3A_621, %get3A_622] : memref<2x8x1024xf32, #tpu.memory_space<vmem>> -> memref<1x8x1024xf32, #tpu.memory_space<vmem>>
          %get3A_624 = tpu.memref_squeeze %get3A_623 : memref<1x8x1024xf32, #tpu.memory_space<vmem>> -> memref<8x1024xf32, #tpu.memory_space<vmem>>
          %get3A_625 = arith.index_cast %add3A_420 : i32 to index
          %get3A_626 = arith.constant 144 : index
          %get3A_627 = tpu.vector_load %get3A_624[%get3A_625, %get3A_626] {strides = array<i32>} : memref<8x1024xf32, #tpu.memory_space<vmem>>, vector<1x16xf32>,
          %get3A_628 = vector.shape_cast %get3A_627 : vector<1x16xf32> to vector<1x16xf32>
          %jit3A_629 = arith.constant -1.000000e+00 : f32
          %jit3A_630 = arith.constant 1.000000e+00 : f32
          %max3A_631 = vector.broadcast %jit3A_629 : f32 to vector<1x16xf32>
          %max3A_632 = arith.maximumf %max3A_631, %get3A_628 : vector<1x16xf32>
          %min3A_633 = vector.broadcast %jit3A_630 : f32 to vector<1x16xf32>
          %min3A_634 = arith.minimumf %min3A_633, %max3A_632 : vector<1x16xf32>
          %mul3A_635 = arith.constant 6.400000e+01 : f32
          %mul3A_636 = vector.broadcast %mul3A_635 : f32 to vector<1x16xf32>
          %mul3A_637 = arith.mulf %min3A_634, %mul3A_636 : vector<1x16xf32>
          %sub3A_638 = arith.constant 6.400000e+01 : f32
          %sub3A_639 = vector.broadcast %sub3A_638 : f32 to vector<1x16xf32>
          %sub3A_640 = arith.subf %mul3A_637, %sub3A_639 : vector<1x16xf32>
          %exp3A_641 = math.exp %sub3A_640 : vector<1x16xf32>
          %add3A_642 = arith.addf %exp3A_620, %exp3A_641 : vector<1x16xf32>
          %get3A_643 = arith.constant 0 : i32
          %get3A_644 = arith.constant 0 : i32
          %get3A_645 = tpu.memref_slice %run_scoped3A[%rem3A_317, %get3A_643, %get3A_644] : memref<2x8x1024xf32, #tpu.memory_space<vmem>> -> memref<1x8x1024xf32, #tpu.memory_space<vmem>>
          %get3A_646 = tpu.memref_squeeze %get3A_645 : memref<1x8x1024xf32, #tpu.memory_space<vmem>> -> memref<8x1024xf32, #tpu.memory_space<vmem>>
          %get3A_647 = arith.index_cast %add3A_420 : i32 to index
          %get3A_648 = arith.constant 272 : index
          %get3A_649 = tpu.vector_load %get3A_646[%get3A_647, %get3A_648] {strides = array<i32>} : memref<8x1024xf32, #tpu.memory_space<vmem>>, vector<1x16xf32>,
          %get3A_650 = vector.shape_cast %get3A_649 : vector<1x16xf32> to vector<1x16xf32>
          %jit3A_651 = arith.constant -1.000000e+00 : f32
          %jit3A_652 = arith.constant 1.000000e+00 : f32
          %max3A_653 = vector.broadcast %jit3A_651 : f32 to vector<1x16xf32>
          %max3A_654 = arith.maximumf %max3A_653, %get3A_650 : vector<1x16xf32>
          %min3A_655 = vector.broadcast %jit3A_652 : f32 to vector<1x16xf32>
          %min3A_656 = arith.minimumf %min3A_655, %max3A_654 : vector<1x16xf32>
          %mul3A_657 = arith.constant 6.400000e+01 : f32
          %mul3A_658 = vector.broadcast %mul3A_657 : f32 to vector<1x16xf32>
          %mul3A_659 = arith.mulf %min3A_656, %mul3A_658 : vector<1x16xf32>
          %sub3A_660 = arith.constant 6.400000e+01 : f32
          %sub3A_661 = vector.broadcast %sub3A_660 : f32 to vector<1x16xf32>
          %sub3A_662 = arith.subf %mul3A_659, %sub3A_661 : vector<1x16xf32>
          %exp3A_663 = math.exp %sub3A_662 : vector<1x16xf32>
          %add3A_664 = arith.addf %add3A_642, %exp3A_663 : vector<1x16xf32>
          %get3A_665 = arith.constant 0 : i32
          %get3A_666 = arith.constant 0 : i32
          %get3A_667 = tpu.memref_slice %run_scoped3A[%rem3A_317, %get3A_665, %get3A_666] : memref<2x8x1024xf32, #tpu.memory_space<vmem>> -> memref<1x8x1024xf32, #tpu.memory_space<vmem>>
          %get3A_668 = tpu.memref_squeeze %get3A_667 : memref<1x8x1024xf32, #tpu.memory_space<vmem>> -> memref<8x1024xf32, #tpu.memory_space<vmem>>
          %get3A_669 = arith.index_cast %add3A_420 : i32 to index
          %get3A_670 = arith.constant 400 : index
          %get3A_671 = tpu.vector_load %get3A_668[%get3A_669, %get3A_670] {strides = array<i32>} : memref<8x1024xf32, #tpu.memory_space<vmem>>, vector<1x16xf32>,
          %get3A_672 = vector.shape_cast %get3A_671 : vector<1x16xf32> to vector<1x16xf32>
          %jit3A_673 = arith.constant -1.000000e+00 : f32
          %jit3A_674 = arith.constant 1.000000e+00 : f32
          %max3A_675 = vector.broadcast %jit3A_673 : f32 to vector<1x16xf32>
          %max3A_676 = arith.maximumf %max3A_675, %get3A_672 : vector<1x16xf32>
          %min3A_677 = vector.broadcast %jit3A_674 : f32 to vector<1x16xf32>
          %min3A_678 = arith.minimumf %min3A_677, %max3A_676 : vector<1x16xf32>
          %mul3A_679 = arith.constant 6.400000e+01 : f32
          %mul3A_680 = vector.broadcast %mul3A_679 : f32 to vector<1x16xf32>
          %mul3A_681 = arith.mulf %min3A_678, %mul3A_680 : vector<1x16xf32>
          %sub3A_682 = arith.constant 6.400000e+01 : f32
          %sub3A_683 = vector.broadcast %sub3A_682 : f32 to vector<1x16xf32>
          %sub3A_684 = arith.subf %mul3A_681, %sub3A_683 : vector<1x16xf32>
          %exp3A_685 = math.exp %sub3A_684 : vector<1x16xf32>
          %add3A_686 = arith.addf %add3A_664, %exp3A_685 : vector<1x16xf32>
          %get3A_687 = arith.constant 0 : i32
          %get3A_688 = arith.constant 0 : i32
          %get3A_689 = tpu.memref_slice %run_scoped3A[%rem3A_317, %get3A_687, %get3A_688] : memref<2x8x1024xf32, #tpu.memory_space<vmem>> -> memref<1x8x1024xf32, #tpu.memory_space<vmem>>
          %get3A_690 = tpu.memref_squeeze %get3A_689 : memref<1x8x1024xf32, #tpu.memory_space<vmem>> -> memref<8x1024xf32, #tpu.memory_space<vmem>>
          %get3A_691 = arith.index_cast %add3A_420 : i32 to index
          %get3A_692 = arith.constant 528 : index
          %get3A_693 = tpu.vector_load %get3A_690[%get3A_691, %get3A_692] {strides = array<i32>} : memref<8x1024xf32, #tpu.memory_space<vmem>>, vector<1x16xf32>,
          %get3A_694 = vector.shape_cast %get3A_693 : vector<1x16xf32> to vector<1x16xf32>
          %jit3A_695 = arith.constant -1.000000e+00 : f32
          %jit3A_696 = arith.constant 1.000000e+00 : f32
          %max3A_697 = vector.broadcast %jit3A_695 : f32 to vector<1x16xf32>
          %max3A_698 = arith.maximumf %max3A_697, %get3A_694 : vector<1x16xf32>
          %min3A_699 = vector.broadcast %jit3A_696 : f32 to vector<1x16xf32>
          %min3A_700 = arith.minimumf %min3A_699, %max3A_698 : vector<1x16xf32>
          %mul3A_701 = arith.constant 6.400000e+01 : f32
          %mul3A_702 = vector.broadcast %mul3A_701 : f32 to vector<1x16xf32>
          %mul3A_703 = arith.mulf %min3A_700, %mul3A_702 : vector<1x16xf32>
          %sub3A_704 = arith.constant 6.400000e+01 : f32
          %sub3A_705 = vector.broadcast %sub3A_704 : f32 to vector<1x16xf32>
          %sub3A_706 = arith.subf %mul3A_703, %sub3A_705 : vector<1x16xf32>
          %exp3A_707 = math.exp %sub3A_706 : vector<1x16xf32>
          %add3A_708 = arith.addf %add3A_686, %exp3A_707 : vector<1x16xf32>
          %get3A_709 = arith.constant 0 : i32
          %get3A_710 = arith.constant 0 : i32
          %get3A_711 = tpu.memref_slice %run_scoped3A[%rem3A_317, %get3A_709, %get3A_710] : memref<2x8x1024xf32, #tpu.memory_space<vmem>> -> memref<1x8x1024xf32, #tpu.memory_space<vmem>>
          %get3A_712 = tpu.memref_squeeze %get3A_711 : memref<1x8x1024xf32, #tpu.memory_space<vmem>> -> memref<8x1024xf32, #tpu.memory_space<vmem>>
          %get3A_713 = arith.index_cast %add3A_420 : i32 to index
          %get3A_714 = arith.constant 656 : index
          %get3A_715 = tpu.vector_load %get3A_712[%get3A_713, %get3A_714] {strides = array<i32>} : memref<8x1024xf32, #tpu.memory_space<vmem>>, vector<1x16xf32>,
          %get3A_716 = vector.shape_cast %get3A_715 : vector<1x16xf32> to vector<1x16xf32>
          %jit3A_717 = arith.constant -1.000000e+00 : f32
          %jit3A_718 = arith.constant 1.000000e+00 : f32
          %max3A_719 = vector.broadcast %jit3A_717 : f32 to vector<1x16xf32>
          %max3A_720 = arith.maximumf %max3A_719, %get3A_716 : vector<1x16xf32>
          %min3A_721 = vector.broadcast %jit3A_718 : f32 to vector<1x16xf32>
          %min3A_722 = arith.minimumf %min3A_721, %max3A_720 : vector<1x16xf32>
          %mul3A_723 = arith.constant 6.400000e+01 : f32
          %mul3A_724 = vector.broadcast %mul3A_723 : f32 to vector<1x16xf32>
          %mul3A_725 = arith.mulf %min3A_722, %mul3A_724 : vector<1x16xf32>
          %sub3A_726 = arith.constant 6.400000e+01 : f32
          %sub3A_727 = vector.broadcast %sub3A_726 : f32 to vector<1x16xf32>
          %sub3A_728 = arith.subf %mul3A_725, %sub3A_727 : vector<1x16xf32>
          %exp3A_729 = math.exp %sub3A_728 : vector<1x16xf32>
          %add3A_730 = arith.addf %add3A_708, %exp3A_729 : vector<1x16xf32>
          %get3A_731 = arith.constant 0 : i32
          %get3A_732 = arith.constant 0 : i32
          %get3A_733 = tpu.memref_slice %run_scoped3A[%rem3A_317, %get3A_731, %get3A_732] : memref<2x8x1024xf32, #tpu.memory_space<vmem>> -> memref<1x8x1024xf32, #tpu.memory_space<vmem>>
          %get3A_734 = tpu.memref_squeeze %get3A_733 : memref<1x8x1024xf32, #tpu.memory_space<vmem>> -> memref<8x1024xf32, #tpu.memory_space<vmem>>
          %get3A_735 = arith.index_cast %add3A_420 : i32 to index
          %get3A_736 = arith.constant 784 : index
          %get3A_737 = tpu.vector_load %get3A_734[%get3A_735, %get3A_736] {strides = array<i32>} : memref<8x1024xf32, #tpu.memory_space<vmem>>, vector<1x16xf32>,
          %get3A_738 = vector.shape_cast %get3A_737 : vector<1x16xf32> to vector<1x16xf32>
          %jit3A_739 = arith.constant -1.000000e+00 : f32
          %jit3A_740 = arith.constant 1.000000e+00 : f32
          %max3A_741 = vector.broadcast %jit3A_739 : f32 to vector<1x16xf32>
          %max3A_742 = arith.maximumf %max3A_741, %get3A_738 : vector<1x16xf32>
          %min3A_743 = vector.broadcast %jit3A_740 : f32 to vector<1x16xf32>
          %min3A_744 = arith.minimumf %min3A_743, %max3A_742 : vector<1x16xf32>
          %mul3A_745 = arith.constant 6.400000e+01 : f32
          %mul3A_746 = vector.broadcast %mul3A_745 : f32 to vector<1x16xf32>
          %mul3A_747 = arith.mulf %min3A_744, %mul3A_746 : vector<1x16xf32>
          %sub3A_748 = arith.constant 6.400000e+01 : f32
          %sub3A_749 = vector.broadcast %sub3A_748 : f32 to vector<1x16xf32>
          %sub3A_750 = arith.subf %mul3A_747, %sub3A_749 : vector<1x16xf32>
          %exp3A_751 = math.exp %sub3A_750 : vector<1x16xf32>
          %add3A_752 = arith.addf %add3A_730, %exp3A_751 : vector<1x16xf32>
          %get3A_753 = arith.constant 0 : i32
          %get3A_754 = arith.constant 0 : i32
          %get3A_755 = tpu.memref_slice %run_scoped3A[%rem3A_317, %get3A_753, %get3A_754] : memref<2x8x1024xf32, #tpu.memory_space<vmem>> -> memref<1x8x1024xf32, #tpu.memory_space<vmem>>
          %get3A_756 = tpu.memref_squeeze %get3A_755 : memref<1x8x1024xf32, #tpu.memory_space<vmem>> -> memref<8x1024xf32, #tpu.memory_space<vmem>>
          %get3A_757 = arith.index_cast %add3A_420 : i32 to index
          %get3A_758 = arith.constant 912 : index
          %get3A_759 = tpu.vector_load %get3A_756[%get3A_757, %get3A_758] {strides = array<i32>} : memref<8x1024xf32, #tpu.memory_space<vmem>>, vector<1x16xf32>,
          %get3A_760 = vector.shape_cast %get3A_759 : vector<1x16xf32> to vector<1x16xf32>
          %jit3A_761 = arith.constant -1.000000e+00 : f32
          %jit3A_762 = arith.constant 1.000000e+00 : f32
          %max3A_763 = vector.broadcast %jit3A_761 : f32 to vector<1x16xf32>
          %max3A_764 = arith.maximumf %max3A_763, %get3A_760 : vector<1x16xf32>
          %min3A_765 = vector.broadcast %jit3A_762 : f32 to vector<1x16xf32>
          %min3A_766 = arith.minimumf %min3A_765, %max3A_764 : vector<1x16xf32>
          %mul3A_767 = arith.constant 6.400000e+01 : f32
          %mul3A_768 = vector.broadcast %mul3A_767 : f32 to vector<1x16xf32>
          %mul3A_769 = arith.mulf %min3A_766, %mul3A_768 : vector<1x16xf32>
          %sub3A_770 = arith.constant 6.400000e+01 : f32
          %sub3A_771 = vector.broadcast %sub3A_770 : f32 to vector<1x16xf32>
          %sub3A_772 = arith.subf %mul3A_769, %sub3A_771 : vector<1x16xf32>
          %exp3A_773 = math.exp %sub3A_772 : vector<1x16xf32>
          %add3A_774 = arith.addf %add3A_752, %exp3A_773 : vector<1x16xf32>
          %swap3A_775 = arith.constant 0 : i32
          %swap3A_776 = arith.constant 0 : i32
          %swap3A_777 = tpu.memref_slice %run_scoped3A_8[%rem3A_319, %swap3A_775, %swap3A_776] : memref<2x8x128xf32, #tpu.memory_space<vmem>> -> memref<1x8x128xf32, #tpu.memory_space<vmem>>
          %swap3A_778 = tpu.memref_squeeze %swap3A_777 : memref<1x8x128xf32, #tpu.memory_space<vmem>> -> memref<8x128xf32, #tpu.memory_space<vmem>>
          %swap3A_779 = arith.index_cast %add3A_420 : i32 to index
          %swap3A_780 = arith.constant 16 : index
          %swap3A_781 = tpu.vector_load %swap3A_778[%swap3A_779, %swap3A_780] {strides = array<i32>} : memref<8x128xf32, #tpu.memory_space<vmem>>, vector<1x16xf32>,
          %swap3A_782 = vector.shape_cast %swap3A_781 : vector<1x16xf32> to vector<1x16xf32>
          %swap3A_783 = vector.shape_cast %add3A_774 : vector<1x16xf32> to vector<1x16xf32>
          tpu.vector_store %swap3A_778[%swap3A_779, %swap3A_780], %swap3A_783 {strides = array<i32>} : memref<8x128xf32, #tpu.memory_space<vmem>>, vector<1x16xf32>,
          %get3A_784 = arith.constant 0 : i32
          %get3A_785 = arith.constant 0 : i32
          %get3A_786 = tpu.memref_slice %run_scoped3A[%rem3A_317, %get3A_784, %get3A_785] : memref<2x8x1024xf32, #tpu.memory_space<vmem>> -> memref<1x8x1024xf32, #tpu.memory_space<vmem>>
          %get3A_787 = tpu.memref_squeeze %get3A_786 : memref<1x8x1024xf32, #tpu.memory_space<vmem>> -> memref<8x1024xf32, #tpu.memory_space<vmem>>
          %get3A_788 = arith.index_cast %add3A_420 : i32 to index
          %get3A_789 = arith.constant 32 : index
          %get3A_790 = tpu.vector_load %get3A_787[%get3A_788, %get3A_789] {strides = array<i32>} : memref<8x1024xf32, #tpu.memory_space<vmem>>, vector<1x16xf32>,
          %get3A_791 = vector.shape_cast %get3A_790 : vector<1x16xf32> to vector<1x16xf32>
          %jit3A_792 = arith.constant -1.000000e+00 : f32
          %jit3A_793 = arith.constant 1.000000e+00 : f32
          %max3A_794 = vector.broadcast %jit3A_792 : f32 to vector<1x16xf32>
          %max3A_795 = arith.maximumf %max3A_794, %get3A_791 : vector<1x16xf32>
          %min3A_796 = vector.broadcast %jit3A_793 : f32 to vector<1x16xf32>
          %min3A_797 = arith.minimumf %min3A_796, %max3A_795 : vector<1x16xf32>
          %mul3A_798 = arith.constant 6.400000e+01 : f32
          %mul3A_799 = vector.broadcast %mul3A_798 : f32 to vector<1x16xf32>
          %mul3A_800 = arith.mulf %min3A_797, %mul3A_799 : vector<1x16xf32>
          %sub3A_801 = arith.constant 6.400000e+01 : f32
          %sub3A_802 = vector.broadcast %sub3A_801 : f32 to vector<1x16xf32>
          %sub3A_803 = arith.subf %mul3A_800, %sub3A_802 : vector<1x16xf32>
          %exp3A_804 = math.exp %sub3A_803 : vector<1x16xf32>
          %get3A_805 = arith.constant 0 : i32
          %get3A_806 = arith.constant 0 : i32
          %get3A_807 = tpu.memref_slice %run_scoped3A[%rem3A_317, %get3A_805, %get3A_806] : memref<2x8x1024xf32, #tpu.memory_space<vmem>> -> memref<1x8x1024xf32, #tpu.memory_space<vmem>>
          %get3A_808 = tpu.memref_squeeze %get3A_807 : memref<1x8x1024xf32, #tpu.memory_space<vmem>> -> memref<8x1024xf32, #tpu.memory_space<vmem>>
          %get3A_809 = arith.index_cast %add3A_420 : i32 to index
          %get3A_810 = arith.constant 160 : index
          %get3A_811 = tpu.vector_load %get3A_808[%get3A_809, %get3A_810] {strides = array<i32>} : memref<8x1024xf32, #tpu.memory_space<vmem>>, vector<1x16xf32>,
          %get3A_812 = vector.shape_cast %get3A_811 : vector<1x16xf32> to vector<1x16xf32>
          %jit3A_813 = arith.constant -1.000000e+00 : f32
          %jit3A_814 = arith.constant 1.000000e+00 : f32
          %max3A_815 = vector.broadcast %jit3A_813 : f32 to vector<1x16xf32>
          %max3A_816 = arith.maximumf %max3A_815, %get3A_812 : vector<1x16xf32>
          %min3A_817 = vector.broadcast %jit3A_814 : f32 to vector<1x16xf32>
          %min3A_818 = arith.minimumf %min3A_817, %max3A_816 : vector<1x16xf32>
          %mul3A_819 = arith.constant 6.400000e+01 : f32
          %mul3A_820 = vector.broadcast %mul3A_819 : f32 to vector<1x16xf32>
          %mul3A_821 = arith.mulf %min3A_818, %mul3A_820 : vector<1x16xf32>
          %sub3A_822 = arith.constant 6.400000e+01 : f32
          %sub3A_823 = vector.broadcast %sub3A_822 : f32 to vector<1x16xf32>
          %sub3A_824 = arith.subf %mul3A_821, %sub3A_823 : vector<1x16xf32>
          %exp3A_825 = math.exp %sub3A_824 : vector<1x16xf32>
          %add3A_826 = arith.addf %exp3A_804, %exp3A_825 : vector<1x16xf32>
          %get3A_827 = arith.constant 0 : i32
          %get3A_828 = arith.constant 0 : i32
          %get3A_829 = tpu.memref_slice %run_scoped3A[%rem3A_317, %get3A_827, %get3A_828] : memref<2x8x1024xf32, #tpu.memory_space<vmem>> -> memref<1x8x1024xf32, #tpu.memory_space<vmem>>
          %get3A_830 = tpu.memref_squeeze %get3A_829 : memref<1x8x1024xf32, #tpu.memory_space<vmem>> -> memref<8x1024xf32, #tpu.memory_space<vmem>>
          %get3A_831 = arith.index_cast %add3A_420 : i32 to index
          %get3A_832 = arith.constant 288 : index
          %get3A_833 = tpu.vector_load %get3A_830[%get3A_831, %get3A_832] {strides = array<i32>} : memref<8x1024xf32, #tpu.memory_space<vmem>>, vector<1x16xf32>,
          %get3A_834 = vector.shape_cast %get3A_833 : vector<1x16xf32> to vector<1x16xf32>
          %jit3A_835 = arith.constant -1.000000e+00 : f32
          %jit3A_836 = arith.constant 1.000000e+00 : f32
          %max3A_837 = vector.broadcast %jit3A_835 : f32 to vector<1x16xf32>
          %max3A_838 = arith.maximumf %max3A_837, %get3A_834 : vector<1x16xf32>
          %min3A_839 = vector.broadcast %jit3A_836 : f32 to vector<1x16xf32>
          %min3A_840 = arith.minimumf %min3A_839, %max3A_838 : vector<1x16xf32>
          %mul3A_841 = arith.constant 6.400000e+01 : f32
          %mul3A_842 = vector.broadcast %mul3A_841 : f32 to vector<1x16xf32>
          %mul3A_843 = arith.mulf %min3A_840, %mul3A_842 : vector<1x16xf32>
          %sub3A_844 = arith.constant 6.400000e+01 : f32
          %sub3A_845 = vector.broadcast %sub3A_844 : f32 to vector<1x16xf32>
          %sub3A_846 = arith.subf %mul3A_843, %sub3A_845 : vector<1x16xf32>
          %exp3A_847 = math.exp %sub3A_846 : vector<1x16xf32>
          %add3A_848 = arith.addf %add3A_826, %exp3A_847 : vector<1x16xf32>
          %get3A_849 = arith.constant 0 : i32
          %get3A_850 = arith.constant 0 : i32
          %get3A_851 = tpu.memref_slice %run_scoped3A[%rem3A_317, %get3A_849, %get3A_850] : memref<2x8x1024xf32, #tpu.memory_space<vmem>> -> memref<1x8x1024xf32, #tpu.memory_space<vmem>>
          %get3A_852 = tpu.memref_squeeze %get3A_851 : memref<1x8x1024xf32, #tpu.memory_space<vmem>> -> memref<8x1024xf32, #tpu.memory_space<vmem>>
          %get3A_853 = arith.index_cast %add3A_420 : i32 to index
          %get3A_854 = arith.constant 416 : index
          %get3A_855 = tpu.vector_load %get3A_852[%get3A_853, %get3A_854] {strides = array<i32>} : memref<8x1024xf32, #tpu.memory_space<vmem>>, vector<1x16xf32>,
          %get3A_856 = vector.shape_cast %get3A_855 : vector<1x16xf32> to vector<1x16xf32>
          %jit3A_857 = arith.constant -1.000000e+00 : f32
          %jit3A_858 = arith.constant 1.000000e+00 : f32
          %max3A_859 = vector.broadcast %jit3A_857 : f32 to vector<1x16xf32>
          %max3A_860 = arith.maximumf %max3A_859, %get3A_856 : vector<1x16xf32>
          %min3A_861 = vector.broadcast %jit3A_858 : f32 to vector<1x16xf32>
          %min3A_862 = arith.minimumf %min3A_861, %max3A_860 : vector<1x16xf32>
          %mul3A_863 = arith.constant 6.400000e+01 : f32
          %mul3A_864 = vector.broadcast %mul3A_863 : f32 to vector<1x16xf32>
          %mul3A_865 = arith.mulf %min3A_862, %mul3A_864 : vector<1x16xf32>
          %sub3A_866 = arith.constant 6.400000e+01 : f32
          %sub3A_867 = vector.broadcast %sub3A_866 : f32 to vector<1x16xf32>
          %sub3A_868 = arith.subf %mul3A_865, %sub3A_867 : vector<1x16xf32>
          %exp3A_869 = math.exp %sub3A_868 : vector<1x16xf32>
          %add3A_870 = arith.addf %add3A_848, %exp3A_869 : vector<1x16xf32>
          %get3A_871 = arith.constant 0 : i32
          %get3A_872 = arith.constant 0 : i32
          %get3A_873 = tpu.memref_slice %run_scoped3A[%rem3A_317, %get3A_871, %get3A_872] : memref<2x8x1024xf32, #tpu.memory_space<vmem>> -> memref<1x8x1024xf32, #tpu.memory_space<vmem>>
          %get3A_874 = tpu.memref_squeeze %get3A_873 : memref<1x8x1024xf32, #tpu.memory_space<vmem>> -> memref<8x1024xf32, #tpu.memory_space<vmem>>
          %get3A_875 = arith.index_cast %add3A_420 : i32 to index
          %get3A_876 = arith.constant 544 : index
          %get3A_877 = tpu.vector_load %get3A_874[%get3A_875, %get3A_876] {strides = array<i32>} : memref<8x1024xf32, #tpu.memory_space<vmem>>, vector<1x16xf32>,
          %get3A_878 = vector.shape_cast %get3A_877 : vector<1x16xf32> to vector<1x16xf32>
          %jit3A_879 = arith.constant -1.000000e+00 : f32
          %jit3A_880 = arith.constant 1.000000e+00 : f32
          %max3A_881 = vector.broadcast %jit3A_879 : f32 to vector<1x16xf32>
          %max3A_882 = arith.maximumf %max3A_881, %get3A_878 : vector<1x16xf32>
          %min3A_883 = vector.broadcast %jit3A_880 : f32 to vector<1x16xf32>
          %min3A_884 = arith.minimumf %min3A_883, %max3A_882 : vector<1x16xf32>
          %mul3A_885 = arith.constant 6.400000e+01 : f32
          %mul3A_886 = vector.broadcast %mul3A_885 : f32 to vector<1x16xf32>
          %mul3A_887 = arith.mulf %min3A_884, %mul3A_886 : vector<1x16xf32>
          %sub3A_888 = arith.constant 6.400000e+01 : f32
          %sub3A_889 = vector.broadcast %sub3A_888 : f32 to vector<1x16xf32>
          %sub3A_890 = arith.subf %mul3A_887, %sub3A_889 : vector<1x16xf32>
          %exp3A_891 = math.exp %sub3A_890 : vector<1x16xf32>
          %add3A_892 = arith.addf %add3A_870, %exp3A_891 : vector<1x16xf32>
          %get3A_893 = arith.constant 0 : i32
          %get3A_894 = arith.constant 0 : i32
          %get3A_895 = tpu.memref_slice %run_scoped3A[%rem3A_317, %get3A_893, %get3A_894] : memref<2x8x1024xf32, #tpu.memory_space<vmem>> -> memref<1x8x1024xf32, #tpu.memory_space<vmem>>
          %get3A_896 = tpu.memref_squeeze %get3A_895 : memref<1x8x1024xf32, #tpu.memory_space<vmem>> -> memref<8x1024xf32, #tpu.memory_space<vmem>>
          %get3A_897 = arith.index_cast %add3A_420 : i32 to index
          %get3A_898 = arith.constant 672 : index
          %get3A_899 = tpu.vector_load %get3A_896[%get3A_897, %get3A_898] {strides = array<i32>} : memref<8x1024xf32, #tpu.memory_space<vmem>>, vector<1x16xf32>,
          %get3A_900 = vector.shape_cast %get3A_899 : vector<1x16xf32> to vector<1x16xf32>
          %jit3A_901 = arith.constant -1.000000e+00 : f32
          %jit3A_902 = arith.constant 1.000000e+00 : f32
          %max3A_903 = vector.broadcast %jit3A_901 : f32 to vector<1x16xf32>
          %max3A_904 = arith.maximumf %max3A_903, %get3A_900 : vector<1x16xf32>
          %min3A_905 = vector.broadcast %jit3A_902 : f32 to vector<1x16xf32>
          %min3A_906 = arith.minimumf %min3A_905, %max3A_904 : vector<1x16xf32>
          %mul3A_907 = arith.constant 6.400000e+01 : f32
          %mul3A_908 = vector.broadcast %mul3A_907 : f32 to vector<1x16xf32>
          %mul3A_909 = arith.mulf %min3A_906, %mul3A_908 : vector<1x16xf32>
          %sub3A_910 = arith.constant 6.400000e+01 : f32
          %sub3A_911 = vector.broadcast %sub3A_910 : f32 to vector<1x16xf32>
          %sub3A_912 = arith.subf %mul3A_909, %sub3A_911 : vector<1x16xf32>
          %exp3A_913 = math.exp %sub3A_912 : vector<1x16xf32>
          %add3A_914 = arith.addf %add3A_892, %exp3A_913 : vector<1x16xf32>
          %get3A_915 = arith.constant 0 : i32
          %get3A_916 = arith.constant 0 : i32
          %get3A_917 = tpu.memref_slice %run_scoped3A[%rem3A_317, %get3A_915, %get3A_916] : memref<2x8x1024xf32, #tpu.memory_space<vmem>> -> memref<1x8x1024xf32, #tpu.memory_space<vmem>>
          %get3A_918 = tpu.memref_squeeze %get3A_917 : memref<1x8x1024xf32, #tpu.memory_space<vmem>> -> memref<8x1024xf32, #tpu.memory_space<vmem>>
          %get3A_919 = arith.index_cast %add3A_420 : i32 to index
          %get3A_920 = arith.constant 800 : index
          %get3A_921 = tpu.vector_load %get3A_918[%get3A_919, %get3A_920] {strides = array<i32>} : memref<8x1024xf32, #tpu.memory_space<vmem>>, vector<1x16xf32>,
          %get3A_922 = vector.shape_cast %get3A_921 : vector<1x16xf32> to vector<1x16xf32>
          %jit3A_923 = arith.constant -1.000000e+00 : f32
          %jit3A_924 = arith.constant 1.000000e+00 : f32
          %max3A_925 = vector.broadcast %jit3A_923 : f32 to vector<1x16xf32>
          %max3A_926 = arith.maximumf %max3A_925, %get3A_922 : vector<1x16xf32>
          %min3A_927 = vector.broadcast %jit3A_924 : f32 to vector<1x16xf32>
          %min3A_928 = arith.minimumf %min3A_927, %max3A_926 : vector<1x16xf32>
          %mul3A_929 = arith.constant 6.400000e+01 : f32
          %mul3A_930 = vector.broadcast %mul3A_929 : f32 to vector<1x16xf32>
          %mul3A_931 = arith.mulf %min3A_928, %mul3A_930 : vector<1x16xf32>
          %sub3A_932 = arith.constant 6.400000e+01 : f32
          %sub3A_933 = vector.broadcast %sub3A_932 : f32 to vector<1x16xf32>
          %sub3A_934 = arith.subf %mul3A_931, %sub3A_933 : vector<1x16xf32>
          %exp3A_935 = math.exp %sub3A_934 : vector<1x16xf32>
          %add3A_936 = arith.addf %add3A_914, %exp3A_935 : vector<1x16xf32>
          %get3A_937 = arith.constant 0 : i32
          %get3A_938 = arith.constant 0 : i32
          %get3A_939 = tpu.memref_slice %run_scoped3A[%rem3A_317, %get3A_937, %get3A_938] : memref<2x8x1024xf32, #tpu.memory_space<vmem>> -> memref<1x8x1024xf32, #tpu.memory_space<vmem>>
          %get3A_940 = tpu.memref_squeeze %get3A_939 : memref<1x8x1024xf32, #tpu.memory_space<vmem>> -> memref<8x1024xf32, #tpu.memory_space<vmem>>
          %get3A_941 = arith.index_cast %add3A_420 : i32 to index
          %get3A_942 = arith.constant 928 : index
          %get3A_943 = tpu.vector_load %get3A_940[%get3A_941, %get3A_942] {strides = array<i32>} : memref<8x1024xf32, #tpu.memory_space<vmem>>, vector<1x16xf32>,
          %get3A_944 = vector.shape_cast %get3A_943 : vector<1x16xf32> to vector<1x16xf32>
          %jit3A_945 = arith.constant -1.000000e+00 : f32
          %jit3A_946 = arith.constant 1.000000e+00 : f32
          %max3A_947 = vector.broadcast %jit3A_945 : f32 to vector<1x16xf32>
          %max3A_948 = arith.maximumf %max3A_947, %get3A_944 : vector<1x16xf32>
          %min3A_949 = vector.broadcast %jit3A_946 : f32 to vector<1x16xf32>
          %min3A_950 = arith.minimumf %min3A_949, %max3A_948 : vector<1x16xf32>
          %mul3A_951 = arith.constant 6.400000e+01 : f32
          %mul3A_952 = vector.broadcast %mul3A_951 : f32 to vector<1x16xf32>
          %mul3A_953 = arith.mulf %min3A_950, %mul3A_952 : vector<1x16xf32>
          %sub3A_954 = arith.constant 6.400000e+01 : f32
          %sub3A_955 = vector.broadcast %sub3A_954 : f32 to vector<1x16xf32>
          %sub3A_956 = arith.subf %mul3A_953, %sub3A_955 : vector<1x16xf32>
          %exp3A_957 = math.exp %sub3A_956 : vector<1x16xf32>
          %add3A_958 = arith.addf %add3A_936, %exp3A_957 : vector<1x16xf32>
          %swap3A_959 = arith.constant 0 : i32
          %swap3A_960 = arith.constant 0 : i32
          %swap3A_961 = tpu.memref_slice %run_scoped3A_8[%rem3A_319, %swap3A_959, %swap3A_960] : memref<2x8x128xf32, #tpu.memory_space<vmem>> -> memref<1x8x128xf32, #tpu.memory_space<vmem>>
          %swap3A_962 = tpu.memref_squeeze %swap3A_961 : memref<1x8x128xf32, #tpu.memory_space<vmem>> -> memref<8x128xf32, #tpu.memory_space<vmem>>
          %swap3A_963 = arith.index_cast %add3A_420 : i32 to index
          %swap3A_964 = arith.constant 32 : index
          %swap3A_965 = tpu.vector_load %swap3A_962[%swap3A_963, %swap3A_964] {strides = array<i32>} : memref<8x128xf32, #tpu.memory_space<vmem>>, vector<1x16xf32>,
          %swap3A_966 = vector.shape_cast %swap3A_965 : vector<1x16xf32> to vector<1x16xf32>
          %swap3A_967 = vector.shape_cast %add3A_958 : vector<1x16xf32> to vector<1x16xf32>
          tpu.vector_store %swap3A_962[%swap3A_963, %swap3A_964], %swap3A_967 {strides = array<i32>} : memref<8x128xf32, #tpu.memory_space<vmem>>, vector<1x16xf32>,
          %get3A_968 = arith.constant 0 : i32
          %get3A_969 = arith.constant 0 : i32
          %get3A_970 = tpu.memref_slice %run_scoped3A[%rem3A_317, %get3A_968, %get3A_969] : memref<2x8x1024xf32, #tpu.memory_space<vmem>> -> memref<1x8x1024xf32, #tpu.memory_space<vmem>>
          %get3A_971 = tpu.memref_squeeze %get3A_970 : memref<1x8x1024xf32, #tpu.memory_space<vmem>> -> memref<8x1024xf32, #tpu.memory_space<vmem>>
          %get3A_972 = arith.index_cast %add3A_420 : i32 to index
          %get3A_973 = arith.constant 48 : index
          %get3A_974 = tpu.vector_load %get3A_971[%get3A_972, %get3A_973] {strides = array<i32>} : memref<8x1024xf32, #tpu.memory_space<vmem>>, vector<1x16xf32>,
          %get3A_975 = vector.shape_cast %get3A_974 : vector<1x16xf32> to vector<1x16xf32>
          %jit3A_976 = arith.constant -1.000000e+00 : f32
          %jit3A_977 = arith.constant 1.000000e+00 : f32
          %max3A_978 = vector.broadcast %jit3A_976 : f32 to vector<1x16xf32>
          %max3A_979 = arith.maximumf %max3A_978, %get3A_975 : vector<1x16xf32>
          %min3A_980 = vector.broadcast %jit3A_977 : f32 to vector<1x16xf32>
          %min3A_981 = arith.minimumf %min3A_980, %max3A_979 : vector<1x16xf32>
          %mul3A_982 = arith.constant 6.400000e+01 : f32
          %mul3A_983 = vector.broadcast %mul3A_982 : f32 to vector<1x16xf32>
          %mul3A_984 = arith.mulf %min3A_981, %mul3A_983 : vector<1x16xf32>
          %sub3A_985 = arith.constant 6.400000e+01 : f32
          %sub3A_986 = vector.broadcast %sub3A_985 : f32 to vector<1x16xf32>
          %sub3A_987 = arith.subf %mul3A_984, %sub3A_986 : vector<1x16xf32>
          %exp3A_988 = math.exp %sub3A_987 : vector<1x16xf32>
          %get3A_989 = arith.constant 0 : i32
          %get3A_990 = arith.constant 0 : i32
          %get3A_991 = tpu.memref_slice %run_scoped3A[%rem3A_317, %get3A_989, %get3A_990] : memref<2x8x1024xf32, #tpu.memory_space<vmem>> -> memref<1x8x1024xf32, #tpu.memory_space<vmem>>
          %get3A_992 = tpu.memref_squeeze %get3A_991 : memref<1x8x1024xf32, #tpu.memory_space<vmem>> -> memref<8x1024xf32, #tpu.memory_space<vmem>>
          %get3A_993 = arith.index_cast %add3A_420 : i32 to index
          %get3A_994 = arith.constant 176 : index
          %get3A_995 = tpu.vector_load %get3A_992[%get3A_993, %get3A_994] {strides = array<i32>} : memref<8x1024xf32, #tpu.memory_space<vmem>>, vector<1x16xf32>,
          %get3A_996 = vector.shape_cast %get3A_995 : vector<1x16xf32> to vector<1x16xf32>
          %jit3A_997 = arith.constant -1.000000e+00 : f32
          %jit3A_998 = arith.constant 1.000000e+00 : f32
          %max3A_999 = vector.broadcast %jit3A_997 : f32 to vector<1x16xf32>
          %max3A_1000 = arith.maximumf %max3A_999, %get3A_996 : vector<1x16xf32>
          %min3A_1001 = vector.broadcast %jit3A_998 : f32 to vector<1x16xf32>
          %min3A_1002 = arith.minimumf %min3A_1001, %max3A_1000 : vector<1x16xf32>
          %mul3A_1003 = arith.constant 6.400000e+01 : f32
          %mul3A_1004 = vector.broadcast %mul3A_1003 : f32 to vector<1x16xf32>
          %mul3A_1005 = arith.mulf %min3A_1002, %mul3A_1004 : vector<1x16xf32>
          %sub3A_1006 = arith.constant 6.400000e+01 : f32
          %sub3A_1007 = vector.broadcast %sub3A_1006 : f32 to vector<1x16xf32>
          %sub3A_1008 = arith.subf %mul3A_1005, %sub3A_1007 : vector<1x16xf32>
          %exp3A_1009 = math.exp %sub3A_1008 : vector<1x16xf32>
          %add3A_1010 = arith.addf %exp3A_988, %exp3A_1009 : vector<1x16xf32>
          %get3A_1011 = arith.constant 0 : i32
          %get3A_1012 = arith.constant 0 : i32
          %get3A_1013 = tpu.memref_slice %run_scoped3A[%rem3A_317, %get3A_1011, %get3A_1012] : memref<2x8x1024xf32, #tpu.memory_space<vmem>> -> memref<1x8x1024xf32, #tpu.memory_space<vmem>>
          %get3A_1014 = tpu.memref_squeeze %get3A_1013 : memref<1x8x1024xf32, #tpu.memory_space<vmem>> -> memref<8x1024xf32, #tpu.memory_space<vmem>>
          %get3A_1015 = arith.index_cast %add3A_420 : i32 to index
          %get3A_1016 = arith.constant 304 : index
          %get3A_1017 = tpu.vector_load %get3A_1014[%get3A_1015, %get3A_1016] {strides = array<i32>} : memref<8x1024xf32, #tpu.memory_space<vmem>>, vector<1x16xf32>,
          %get3A_1018 = vector.shape_cast %get3A_1017 : vector<1x16xf32> to vector<1x16xf32>
          %jit3A_1019 = arith.constant -1.000000e+00 : f32
          %jit3A_1020 = arith.constant 1.000000e+00 : f32
          %max3A_1021 = vector.broadcast %jit3A_1019 : f32 to vector<1x16xf32>
          %max3A_1022 = arith.maximumf %max3A_1021, %get3A_1018 : vector<1x16xf32>
          %min3A_1023 = vector.broadcast %jit3A_1020 : f32 to vector<1x16xf32>
          %min3A_1024 = arith.minimumf %min3A_1023, %max3A_1022 : vector<1x16xf32>
          %mul3A_1025 = arith.constant 6.400000e+01 : f32
          %mul3A_1026 = vector.broadcast %mul3A_1025 : f32 to vector<1x16xf32>
          %mul3A_1027 = arith.mulf %min3A_1024, %mul3A_1026 : vector<1x16xf32>
          %sub3A_1028 = arith.constant 6.400000e+01 : f32
          %sub3A_1029 = vector.broadcast %sub3A_1028 : f32 to vector<1x16xf32>
          %sub3A_1030 = arith.subf %mul3A_1027, %sub3A_1029 : vector<1x16xf32>
          %exp3A_1031 = math.exp %sub3A_1030 : vector<1x16xf32>
          %add3A_1032 = arith.addf %add3A_1010, %exp3A_1031 : vector<1x16xf32>
          %get3A_1033 = arith.constant 0 : i32
          %get3A_1034 = arith.constant 0 : i32
          %get3A_1035 = tpu.memref_slice %run_scoped3A[%rem3A_317, %get3A_1033, %get3A_1034] : memref<2x8x1024xf32, #tpu.memory_space<vmem>> -> memref<1x8x1024xf32, #tpu.memory_space<vmem>>
          %get3A_1036 = tpu.memref_squeeze %get3A_1035 : memref<1x8x1024xf32, #tpu.memory_space<vmem>> -> memref<8x1024xf32, #tpu.memory_space<vmem>>
          %get3A_1037 = arith.index_cast %add3A_420 : i32 to index
          %get3A_1038 = arith.constant 432 : index
          %get3A_1039 = tpu.vector_load %get3A_1036[%get3A_1037, %get3A_1038] {strides = array<i32>} : memref<8x1024xf32, #tpu.memory_space<vmem>>, vector<1x16xf32>,
          %get3A_1040 = vector.shape_cast %get3A_1039 : vector<1x16xf32> to vector<1x16xf32>
          %jit3A_1041 = arith.constant -1.000000e+00 : f32
          %jit3A_1042 = arith.constant 1.000000e+00 : f32
          %max3A_1043 = vector.broadcast %jit3A_1041 : f32 to vector<1x16xf32>
          %max3A_1044 = arith.maximumf %max3A_1043, %get3A_1040 : vector<1x16xf32>
          %min3A_1045 = vector.broadcast %jit3A_1042 : f32 to vector<1x16xf32>
          %min3A_1046 = arith.minimumf %min3A_1045, %max3A_1044 : vector<1x16xf32>
          %mul3A_1047 = arith.constant 6.400000e+01 : f32
          %mul3A_1048 = vector.broadcast %mul3A_1047 : f32 to vector<1x16xf32>
          %mul3A_1049 = arith.mulf %min3A_1046, %mul3A_1048 : vector<1x16xf32>
          %sub3A_1050 = arith.constant 6.400000e+01 : f32
          %sub3A_1051 = vector.broadcast %sub3A_1050 : f32 to vector<1x16xf32>
          %sub3A_1052 = arith.subf %mul3A_1049, %sub3A_1051 : vector<1x16xf32>
          %exp3A_1053 = math.exp %sub3A_1052 : vector<1x16xf32>
          %add3A_1054 = arith.addf %add3A_1032, %exp3A_1053 : vector<1x16xf32>
          %get3A_1055 = arith.constant 0 : i32
          %get3A_1056 = arith.constant 0 : i32
          %get3A_1057 = tpu.memref_slice %run_scoped3A[%rem3A_317, %get3A_1055, %get3A_1056] : memref<2x8x1024xf32, #tpu.memory_space<vmem>> -> memref<1x8x1024xf32, #tpu.memory_space<vmem>>
          %get3A_1058 = tpu.memref_squeeze %get3A_1057 : memref<1x8x1024xf32, #tpu.memory_space<vmem>> -> memref<8x1024xf32, #tpu.memory_space<vmem>>
          %get3A_1059 = arith.index_cast %add3A_420 : i32 to index
          %get3A_1060 = arith.constant 560 : index
          %get3A_1061 = tpu.vector_load %get3A_1058[%get3A_1059, %get3A_1060] {strides = array<i32>} : memref<8x1024xf32, #tpu.memory_space<vmem>>, vector<1x16xf32>,
          %get3A_1062 = vector.shape_cast %get3A_1061 : vector<1x16xf32> to vector<1x16xf32>
          %jit3A_1063 = arith.constant -1.000000e+00 : f32
          %jit3A_1064 = arith.constant 1.000000e+00 : f32
          %max3A_1065 = vector.broadcast %jit3A_1063 : f32 to vector<1x16xf32>
          %max3A_1066 = arith.maximumf %max3A_1065, %get3A_1062 : vector<1x16xf32>
          %min3A_1067 = vector.broadcast %jit3A_1064 : f32 to vector<1x16xf32>
          %min3A_1068 = arith.minimumf %min3A_1067, %max3A_1066 : vector<1x16xf32>
          %mul3A_1069 = arith.constant 6.400000e+01 : f32
          %mul3A_1070 = vector.broadcast %mul3A_1069 : f32 to vector<1x16xf32>
          %mul3A_1071 = arith.mulf %min3A_1068, %mul3A_1070 : vector<1x16xf32>
          %sub3A_1072 = arith.constant 6.400000e+01 : f32
          %sub3A_1073 = vector.broadcast %sub3A_1072 : f32 to vector<1x16xf32>
          %sub3A_1074 = arith.subf %mul3A_1071, %sub3A_1073 : vector<1x16xf32>
          %exp3A_1075 = math.exp %sub3A_1074 : vector<1x16xf32>
          %add3A_1076 = arith.addf %add3A_1054, %exp3A_1075 : vector<1x16xf32>
          %get3A_1077 = arith.constant 0 : i32
          %get3A_1078 = arith.constant 0 : i32
          %get3A_1079 = tpu.memref_slice %run_scoped3A[%rem3A_317, %get3A_1077, %get3A_1078] : memref<2x8x1024xf32, #tpu.memory_space<vmem>> -> memref<1x8x1024xf32, #tpu.memory_space<vmem>>
          %get3A_1080 = tpu.memref_squeeze %get3A_1079 : memref<1x8x1024xf32, #tpu.memory_space<vmem>> -> memref<8x1024xf32, #tpu.memory_space<vmem>>
          %get3A_1081 = arith.index_cast %add3A_420 : i32 to index
          %get3A_1082 = arith.constant 688 : index
          %get3A_1083 = tpu.vector_load %get3A_1080[%get3A_1081, %get3A_1082] {strides = array<i32>} : memref<8x1024xf32, #tpu.memory_space<vmem>>, vector<1x16xf32>,
          %get3A_1084 = vector.shape_cast %get3A_1083 : vector<1x16xf32> to vector<1x16xf32>
          %jit3A_1085 = arith.constant -1.000000e+00 : f32
          %jit3A_1086 = arith.constant 1.000000e+00 : f32
          %max3A_1087 = vector.broadcast %jit3A_1085 : f32 to vector<1x16xf32>
          %max3A_1088 = arith.maximumf %max3A_1087, %get3A_1084 : vector<1x16xf32>
          %min3A_1089 = vector.broadcast %jit3A_1086 : f32 to vector<1x16xf32>
          %min3A_1090 = arith.minimumf %min3A_1089, %max3A_1088 : vector<1x16xf32>
          %mul3A_1091 = arith.constant 6.400000e+01 : f32
          %mul3A_1092 = vector.broadcast %mul3A_1091 : f32 to vector<1x16xf32>
          %mul3A_1093 = arith.mulf %min3A_1090, %mul3A_1092 : vector<1x16xf32>
          %sub3A_1094 = arith.constant 6.400000e+01 : f32
          %sub3A_1095 = vector.broadcast %sub3A_1094 : f32 to vector<1x16xf32>
          %sub3A_1096 = arith.subf %mul3A_1093, %sub3A_1095 : vector<1x16xf32>
          %exp3A_1097 = math.exp %sub3A_1096 : vector<1x16xf32>
          %add3A_1098 = arith.addf %add3A_1076, %exp3A_1097 : vector<1x16xf32>
          %get3A_1099 = arith.constant 0 : i32
          %get3A_1100 = arith.constant 0 : i32
          %get3A_1101 = tpu.memref_slice %run_scoped3A[%rem3A_317, %get3A_1099, %get3A_1100] : memref<2x8x1024xf32, #tpu.memory_space<vmem>> -> memref<1x8x1024xf32, #tpu.memory_space<vmem>>
          %get3A_1102 = tpu.memref_squeeze %get3A_1101 : memref<1x8x1024xf32, #tpu.memory_space<vmem>> -> memref<8x1024xf32, #tpu.memory_space<vmem>>
          %get3A_1103 = arith.index_cast %add3A_420 : i32 to index
          %get3A_1104 = arith.constant 816 : index
          %get3A_1105 = tpu.vector_load %get3A_1102[%get3A_1103, %get3A_1104] {strides = array<i32>} : memref<8x1024xf32, #tpu.memory_space<vmem>>, vector<1x16xf32>,
          %get3A_1106 = vector.shape_cast %get3A_1105 : vector<1x16xf32> to vector<1x16xf32>
          %jit3A_1107 = arith.constant -1.000000e+00 : f32
          %jit3A_1108 = arith.constant 1.000000e+00 : f32
          %max3A_1109 = vector.broadcast %jit3A_1107 : f32 to vector<1x16xf32>
          %max3A_1110 = arith.maximumf %max3A_1109, %get3A_1106 : vector<1x16xf32>
          %min3A_1111 = vector.broadcast %jit3A_1108 : f32 to vector<1x16xf32>
          %min3A_1112 = arith.minimumf %min3A_1111, %max3A_1110 : vector<1x16xf32>
          %mul3A_1113 = arith.constant 6.400000e+01 : f32
          %mul3A_1114 = vector.broadcast %mul3A_1113 : f32 to vector<1x16xf32>
          %mul3A_1115 = arith.mulf %min3A_1112, %mul3A_1114 : vector<1x16xf32>
          %sub3A_1116 = arith.constant 6.400000e+01 : f32
          %sub3A_1117 = vector.broadcast %sub3A_1116 : f32 to vector<1x16xf32>
          %sub3A_1118 = arith.subf %mul3A_1115, %sub3A_1117 : vector<1x16xf32>
          %exp3A_1119 = math.exp %sub3A_1118 : vector<1x16xf32>
          %add3A_1120 = arith.addf %add3A_1098, %exp3A_1119 : vector<1x16xf32>
          %get3A_1121 = arith.constant 0 : i32
          %get3A_1122 = arith.constant 0 : i32
          %get3A_1123 = tpu.memref_slice %run_scoped3A[%rem3A_317, %get3A_1121, %get3A_1122] : memref<2x8x1024xf32, #tpu.memory_space<vmem>> -> memref<1x8x1024xf32, #tpu.memory_space<vmem>>
          %get3A_1124 = tpu.memref_squeeze %get3A_1123 : memref<1x8x1024xf32, #tpu.memory_space<vmem>> -> memref<8x1024xf32, #tpu.memory_space<vmem>>
          %get3A_1125 = arith.index_cast %add3A_420 : i32 to index
          %get3A_1126 = arith.constant 944 : index
          %get3A_1127 = tpu.vector_load %get3A_1124[%get3A_1125, %get3A_1126] {strides = array<i32>} : memref<8x1024xf32, #tpu.memory_space<vmem>>, vector<1x16xf32>,
          %get3A_1128 = vector.shape_cast %get3A_1127 : vector<1x16xf32> to vector<1x16xf32>
          %jit3A_1129 = arith.constant -1.000000e+00 : f32
          %jit3A_1130 = arith.constant 1.000000e+00 : f32
          %max3A_1131 = vector.broadcast %jit3A_1129 : f32 to vector<1x16xf32>
          %max3A_1132 = arith.maximumf %max3A_1131, %get3A_1128 : vector<1x16xf32>
          %min3A_1133 = vector.broadcast %jit3A_1130 : f32 to vector<1x16xf32>
          %min3A_1134 = arith.minimumf %min3A_1133, %max3A_1132 : vector<1x16xf32>
          %mul3A_1135 = arith.constant 6.400000e+01 : f32
          %mul3A_1136 = vector.broadcast %mul3A_1135 : f32 to vector<1x16xf32>
          %mul3A_1137 = arith.mulf %min3A_1134, %mul3A_1136 : vector<1x16xf32>
          %sub3A_1138 = arith.constant 6.400000e+01 : f32
          %sub3A_1139 = vector.broadcast %sub3A_1138 : f32 to vector<1x16xf32>
          %sub3A_1140 = arith.subf %mul3A_1137, %sub3A_1139 : vector<1x16xf32>
          %exp3A_1141 = math.exp %sub3A_1140 : vector<1x16xf32>
          %add3A_1142 = arith.addf %add3A_1120, %exp3A_1141 : vector<1x16xf32>
          %swap3A_1143 = arith.constant 0 : i32
          %swap3A_1144 = arith.constant 0 : i32
          %swap3A_1145 = tpu.memref_slice %run_scoped3A_8[%rem3A_319, %swap3A_1143, %swap3A_1144] : memref<2x8x128xf32, #tpu.memory_space<vmem>> -> memref<1x8x128xf32, #tpu.memory_space<vmem>>
          %swap3A_1146 = tpu.memref_squeeze %swap3A_1145 : memref<1x8x128xf32, #tpu.memory_space<vmem>> -> memref<8x128xf32, #tpu.memory_space<vmem>>
          %swap3A_1147 = arith.index_cast %add3A_420 : i32 to index
          %swap3A_1148 = arith.constant 48 : index
          %swap3A_1149 = tpu.vector_load %swap3A_1146[%swap3A_1147, %swap3A_1148] {strides = array<i32>} : memref<8x128xf32, #tpu.memory_space<vmem>>, vector<1x16xf32>,
          %swap3A_1150 = vector.shape_cast %swap3A_1149 : vector<1x16xf32> to vector<1x16xf32>
          %swap3A_1151 = vector.shape_cast %add3A_1142 : vector<1x16xf32> to vector<1x16xf32>
          tpu.vector_store %swap3A_1146[%swap3A_1147, %swap3A_1148], %swap3A_1151 {strides = array<i32>} : memref<8x128xf32, #tpu.memory_space<vmem>>, vector<1x16xf32>,
          %get3A_1152 = arith.constant 0 : i32
          %get3A_1153 = arith.constant 0 : i32
          %get3A_1154 = tpu.memref_slice %run_scoped3A[%rem3A_317, %get3A_1152, %get3A_1153] : memref<2x8x1024xf32, #tpu.memory_space<vmem>> -> memref<1x8x1024xf32, #tpu.memory_space<vmem>>
          %get3A_1155 = tpu.memref_squeeze %get3A_1154 : memref<1x8x1024xf32, #tpu.memory_space<vmem>> -> memref<8x1024xf32, #tpu.memory_space<vmem>>
          %get3A_1156 = arith.index_cast %add3A_420 : i32 to index
          %get3A_1157 = arith.constant 64 : index
          %get3A_1158 = tpu.vector_load %get3A_1155[%get3A_1156, %get3A_1157] {strides = array<i32>} : memref<8x1024xf32, #tpu.memory_space<vmem>>, vector<1x16xf32>,
          %get3A_1159 = vector.shape_cast %get3A_1158 : vector<1x16xf32> to vector<1x16xf32>
          %jit3A_1160 = arith.constant -1.000000e+00 : f32
          %jit3A_1161 = arith.constant 1.000000e+00 : f32
          %max3A_1162 = vector.broadcast %jit3A_1160 : f32 to vector<1x16xf32>
          %max3A_1163 = arith.maximumf %max3A_1162, %get3A_1159 : vector<1x16xf32>
          %min3A_1164 = vector.broadcast %jit3A_1161 : f32 to vector<1x16xf32>
          %min3A_1165 = arith.minimumf %min3A_1164, %max3A_1163 : vector<1x16xf32>
          %mul3A_1166 = arith.constant 6.400000e+01 : f32
          %mul3A_1167 = vector.broadcast %mul3A_1166 : f32 to vector<1x16xf32>
          %mul3A_1168 = arith.mulf %min3A_1165, %mul3A_1167 : vector<1x16xf32>
          %sub3A_1169 = arith.constant 6.400000e+01 : f32
          %sub3A_1170 = vector.broadcast %sub3A_1169 : f32 to vector<1x16xf32>
          %sub3A_1171 = arith.subf %mul3A_1168, %sub3A_1170 : vector<1x16xf32>
          %exp3A_1172 = math.exp %sub3A_1171 : vector<1x16xf32>
          %get3A_1173 = arith.constant 0 : i32
          %get3A_1174 = arith.constant 0 : i32
          %get3A_1175 = tpu.memref_slice %run_scoped3A[%rem3A_317, %get3A_1173, %get3A_1174] : memref<2x8x1024xf32, #tpu.memory_space<vmem>> -> memref<1x8x1024xf32, #tpu.memory_space<vmem>>
          %get3A_1176 = tpu.memref_squeeze %get3A_1175 : memref<1x8x1024xf32, #tpu.memory_space<vmem>> -> memref<8x1024xf32, #tpu.memory_space<vmem>>
          %get3A_1177 = arith.index_cast %add3A_420 : i32 to index
          %get3A_1178 = arith.constant 192 : index
          %get3A_1179 = tpu.vector_load %get3A_1176[%get3A_1177, %get3A_1178] {strides = array<i32>} : memref<8x1024xf32, #tpu.memory_space<vmem>>, vector<1x16xf32>,
          %get3A_1180 = vector.shape_cast %get3A_1179 : vector<1x16xf32> to vector<1x16xf32>
          %jit3A_1181 = arith.constant -1.000000e+00 : f32
          %jit3A_1182 = arith.constant 1.000000e+00 : f32
          %max3A_1183 = vector.broadcast %jit3A_1181 : f32 to vector<1x16xf32>
          %max3A_1184 = arith.maximumf %max3A_1183, %get3A_1180 : vector<1x16xf32>
          %min3A_1185 = vector.broadcast %jit3A_1182 : f32 to vector<1x16xf32>
          %min3A_1186 = arith.minimumf %min3A_1185, %max3A_1184 : vector<1x16xf32>
          %mul3A_1187 = arith.constant 6.400000e+01 : f32
          %mul3A_1188 = vector.broadcast %mul3A_1187 : f32 to vector<1x16xf32>
          %mul3A_1189 = arith.mulf %min3A_1186, %mul3A_1188 : vector<1x16xf32>
          %sub3A_1190 = arith.constant 6.400000e+01 : f32
          %sub3A_1191 = vector.broadcast %sub3A_1190 : f32 to vector<1x16xf32>
          %sub3A_1192 = arith.subf %mul3A_1189, %sub3A_1191 : vector<1x16xf32>
          %exp3A_1193 = math.exp %sub3A_1192 : vector<1x16xf32>
          %add3A_1194 = arith.addf %exp3A_1172, %exp3A_1193 : vector<1x16xf32>
          %get3A_1195 = arith.constant 0 : i32
          %get3A_1196 = arith.constant 0 : i32
          %get3A_1197 = tpu.memref_slice %run_scoped3A[%rem3A_317, %get3A_1195, %get3A_1196] : memref<2x8x1024xf32, #tpu.memory_space<vmem>> -> memref<1x8x1024xf32, #tpu.memory_space<vmem>>
          %get3A_1198 = tpu.memref_squeeze %get3A_1197 : memref<1x8x1024xf32, #tpu.memory_space<vmem>> -> memref<8x1024xf32, #tpu.memory_space<vmem>>
          %get3A_1199 = arith.index_cast %add3A_420 : i32 to index
          %get3A_1200 = arith.constant 320 : index
          %get3A_1201 = tpu.vector_load %get3A_1198[%get3A_1199, %get3A_1200] {strides = array<i32>} : memref<8x1024xf32, #tpu.memory_space<vmem>>, vector<1x16xf32>,
          %get3A_1202 = vector.shape_cast %get3A_1201 : vector<1x16xf32> to vector<1x16xf32>
          %jit3A_1203 = arith.constant -1.000000e+00 : f32
          %jit3A_1204 = arith.constant 1.000000e+00 : f32
          %max3A_1205 = vector.broadcast %jit3A_1203 : f32 to vector<1x16xf32>
          %max3A_1206 = arith.maximumf %max3A_1205, %get3A_1202 : vector<1x16xf32>
          %min3A_1207 = vector.broadcast %jit3A_1204 : f32 to vector<1x16xf32>
          %min3A_1208 = arith.minimumf %min3A_1207, %max3A_1206 : vector<1x16xf32>
          %mul3A_1209 = arith.constant 6.400000e+01 : f32
          %mul3A_1210 = vector.broadcast %mul3A_1209 : f32 to vector<1x16xf32>
          %mul3A_1211 = arith.mulf %min3A_1208, %mul3A_1210 : vector<1x16xf32>
          %sub3A_1212 = arith.constant 6.400000e+01 : f32
          %sub3A_1213 = vector.broadcast %sub3A_1212 : f32 to vector<1x16xf32>
          %sub3A_1214 = arith.subf %mul3A_1211, %sub3A_1213 : vector<1x16xf32>
          %exp3A_1215 = math.exp %sub3A_1214 : vector<1x16xf32>
          %add3A_1216 = arith.addf %add3A_1194, %exp3A_1215 : vector<1x16xf32>
          %get3A_1217 = arith.constant 0 : i32
          %get3A_1218 = arith.constant 0 : i32
          %get3A_1219 = tpu.memref_slice %run_scoped3A[%rem3A_317, %get3A_1217, %get3A_1218] : memref<2x8x1024xf32, #tpu.memory_space<vmem>> -> memref<1x8x1024xf32, #tpu.memory_space<vmem>>
          %get3A_1220 = tpu.memref_squeeze %get3A_1219 : memref<1x8x1024xf32, #tpu.memory_space<vmem>> -> memref<8x1024xf32, #tpu.memory_space<vmem>>
          %get3A_1221 = arith.index_cast %add3A_420 : i32 to index
          %get3A_1222 = arith.constant 448 : index
          %get3A_1223 = tpu.vector_load %get3A_1220[%get3A_1221, %get3A_1222] {strides = array<i32>} : memref<8x1024xf32, #tpu.memory_space<vmem>>, vector<1x16xf32>,
          %get3A_1224 = vector.shape_cast %get3A_1223 : vector<1x16xf32> to vector<1x16xf32>
          %jit3A_1225 = arith.constant -1.000000e+00 : f32
          %jit3A_1226 = arith.constant 1.000000e+00 : f32
          %max3A_1227 = vector.broadcast %jit3A_1225 : f32 to vector<1x16xf32>
          %max3A_1228 = arith.maximumf %max3A_1227, %get3A_1224 : vector<1x16xf32>
          %min3A_1229 = vector.broadcast %jit3A_1226 : f32 to vector<1x16xf32>
          %min3A_1230 = arith.minimumf %min3A_1229, %max3A_1228 : vector<1x16xf32>
          %mul3A_1231 = arith.constant 6.400000e+01 : f32
          %mul3A_1232 = vector.broadcast %mul3A_1231 : f32 to vector<1x16xf32>
          %mul3A_1233 = arith.mulf %min3A_1230, %mul3A_1232 : vector<1x16xf32>
          %sub3A_1234 = arith.constant 6.400000e+01 : f32
          %sub3A_1235 = vector.broadcast %sub3A_1234 : f32 to vector<1x16xf32>
          %sub3A_1236 = arith.subf %mul3A_1233, %sub3A_1235 : vector<1x16xf32>
          %exp3A_1237 = math.exp %sub3A_1236 : vector<1x16xf32>
          %add3A_1238 = arith.addf %add3A_1216, %exp3A_1237 : vector<1x16xf32>
          %get3A_1239 = arith.constant 0 : i32
          %get3A_1240 = arith.constant 0 : i32
          %get3A_1241 = tpu.memref_slice %run_scoped3A[%rem3A_317, %get3A_1239, %get3A_1240] : memref<2x8x1024xf32, #tpu.memory_space<vmem>> -> memref<1x8x1024xf32, #tpu.memory_space<vmem>>
          %get3A_1242 = tpu.memref_squeeze %get3A_1241 : memref<1x8x1024xf32, #tpu.memory_space<vmem>> -> memref<8x1024xf32, #tpu.memory_space<vmem>>
          %get3A_1243 = arith.index_cast %add3A_420 : i32 to index
          %get3A_1244 = arith.constant 576 : index
          %get3A_1245 = tpu.vector_load %get3A_1242[%get3A_1243, %get3A_1244] {strides = array<i32>} : memref<8x1024xf32, #tpu.memory_space<vmem>>, vector<1x16xf32>,
          %get3A_1246 = vector.shape_cast %get3A_1245 : vector<1x16xf32> to vector<1x16xf32>
          %jit3A_1247 = arith.constant -1.000000e+00 : f32
          %jit3A_1248 = arith.constant 1.000000e+00 : f32
          %max3A_1249 = vector.broadcast %jit3A_1247 : f32 to vector<1x16xf32>
          %max3A_1250 = arith.maximumf %max3A_1249, %get3A_1246 : vector<1x16xf32>
          %min3A_1251 = vector.broadcast %jit3A_1248 : f32 to vector<1x16xf32>
          %min3A_1252 = arith.minimumf %min3A_1251, %max3A_1250 : vector<1x16xf32>
          %mul3A_1253 = arith.constant 6.400000e+01 : f32
          %mul3A_1254 = vector.broadcast %mul3A_1253 : f32 to vector<1x16xf32>
          %mul3A_1255 = arith.mulf %min3A_1252, %mul3A_1254 : vector<1x16xf32>
          %sub3A_1256 = arith.constant 6.400000e+01 : f32
          %sub3A_1257 = vector.broadcast %sub3A_1256 : f32 to vector<1x16xf32>
          %sub3A_1258 = arith.subf %mul3A_1255, %sub3A_1257 : vector<1x16xf32>
          %exp3A_1259 = math.exp %sub3A_1258 : vector<1x16xf32>
          %add3A_1260 = arith.addf %add3A_1238, %exp3A_1259 : vector<1x16xf32>
          %get3A_1261 = arith.constant 0 : i32
          %get3A_1262 = arith.constant 0 : i32
          %get3A_1263 = tpu.memref_slice %run_scoped3A[%rem3A_317, %get3A_1261, %get3A_1262] : memref<2x8x1024xf32, #tpu.memory_space<vmem>> -> memref<1x8x1024xf32, #tpu.memory_space<vmem>>
          %get3A_1264 = tpu.memref_squeeze %get3A_1263 : memref<1x8x1024xf32, #tpu.memory_space<vmem>> -> memref<8x1024xf32, #tpu.memory_space<vmem>>
          %get3A_1265 = arith.index_cast %add3A_420 : i32 to index
          %get3A_1266 = arith.constant 704 : index
          %get3A_1267 = tpu.vector_load %get3A_1264[%get3A_1265, %get3A_1266] {strides = array<i32>} : memref<8x1024xf32, #tpu.memory_space<vmem>>, vector<1x16xf32>,
          %get3A_1268 = vector.shape_cast %get3A_1267 : vector<1x16xf32> to vector<1x16xf32>
          %jit3A_1269 = arith.constant -1.000000e+00 : f32
          %jit3A_1270 = arith.constant 1.000000e+00 : f32
          %max3A_1271 = vector.broadcast %jit3A_1269 : f32 to vector<1x16xf32>
          %max3A_1272 = arith.maximumf %max3A_1271, %get3A_1268 : vector<1x16xf32>
          %min3A_1273 = vector.broadcast %jit3A_1270 : f32 to vector<1x16xf32>
          %min3A_1274 = arith.minimumf %min3A_1273, %max3A_1272 : vector<1x16xf32>
          %mul3A_1275 = arith.constant 6.400000e+01 : f32
          %mul3A_1276 = vector.broadcast %mul3A_1275 : f32 to vector<1x16xf32>
          %mul3A_1277 = arith.mulf %min3A_1274, %mul3A_1276 : vector<1x16xf32>
          %sub3A_1278 = arith.constant 6.400000e+01 : f32
          %sub3A_1279 = vector.broadcast %sub3A_1278 : f32 to vector<1x16xf32>
          %sub3A_1280 = arith.subf %mul3A_1277, %sub3A_1279 : vector<1x16xf32>
          %exp3A_1281 = math.exp %sub3A_1280 : vector<1x16xf32>
          %add3A_1282 = arith.addf %add3A_1260, %exp3A_1281 : vector<1x16xf32>
          %get3A_1283 = arith.constant 0 : i32
          %get3A_1284 = arith.constant 0 : i32
          %get3A_1285 = tpu.memref_slice %run_scoped3A[%rem3A_317, %get3A_1283, %get3A_1284] : memref<2x8x1024xf32, #tpu.memory_space<vmem>> -> memref<1x8x1024xf32, #tpu.memory_space<vmem>>
          %get3A_1286 = tpu.memref_squeeze %get3A_1285 : memref<1x8x1024xf32, #tpu.memory_space<vmem>> -> memref<8x1024xf32, #tpu.memory_space<vmem>>
          %get3A_1287 = arith.index_cast %add3A_420 : i32 to index
          %get3A_1288 = arith.constant 832 : index
          %get3A_1289 = tpu.vector_load %get3A_1286[%get3A_1287, %get3A_1288] {strides = array<i32>} : memref<8x1024xf32, #tpu.memory_space<vmem>>, vector<1x16xf32>,
          %get3A_1290 = vector.shape_cast %get3A_1289 : vector<1x16xf32> to vector<1x16xf32>
          %jit3A_1291 = arith.constant -1.000000e+00 : f32
          %jit3A_1292 = arith.constant 1.000000e+00 : f32
          %max3A_1293 = vector.broadcast %jit3A_1291 : f32 to vector<1x16xf32>
          %max3A_1294 = arith.maximumf %max3A_1293, %get3A_1290 : vector<1x16xf32>
          %min3A_1295 = vector.broadcast %jit3A_1292 : f32 to vector<1x16xf32>
          %min3A_1296 = arith.minimumf %min3A_1295, %max3A_1294 : vector<1x16xf32>
          %mul3A_1297 = arith.constant 6.400000e+01 : f32
          %mul3A_1298 = vector.broadcast %mul3A_1297 : f32 to vector<1x16xf32>
          %mul3A_1299 = arith.mulf %min3A_1296, %mul3A_1298 : vector<1x16xf32>
          %sub3A_1300 = arith.constant 6.400000e+01 : f32
          %sub3A_1301 = vector.broadcast %sub3A_1300 : f32 to vector<1x16xf32>
          %sub3A_1302 = arith.subf %mul3A_1299, %sub3A_1301 : vector<1x16xf32>
          %exp3A_1303 = math.exp %sub3A_1302 : vector<1x16xf32>
          %add3A_1304 = arith.addf %add3A_1282, %exp3A_1303 : vector<1x16xf32>
          %get3A_1305 = arith.constant 0 : i32
          %get3A_1306 = arith.constant 0 : i32
          %get3A_1307 = tpu.memref_slice %run_scoped3A[%rem3A_317, %get3A_1305, %get3A_1306] : memref<2x8x1024xf32, #tpu.memory_space<vmem>> -> memref<1x8x1024xf32, #tpu.memory_space<vmem>>
          %get3A_1308 = tpu.memref_squeeze %get3A_1307 : memref<1x8x1024xf32, #tpu.memory_space<vmem>> -> memref<8x1024xf32, #tpu.memory_space<vmem>>
          %get3A_1309 = arith.index_cast %add3A_420 : i32 to index
          %get3A_1310 = arith.constant 960 : index
          %get3A_1311 = tpu.vector_load %get3A_1308[%get3A_1309, %get3A_1310] {strides = array<i32>} : memref<8x1024xf32, #tpu.memory_space<vmem>>, vector<1x16xf32>,
          %get3A_1312 = vector.shape_cast %get3A_1311 : vector<1x16xf32> to vector<1x16xf32>
          %jit3A_1313 = arith.constant -1.000000e+00 : f32
          %jit3A_1314 = arith.constant 1.000000e+00 : f32
          %max3A_1315 = vector.broadcast %jit3A_1313 : f32 to vector<1x16xf32>
          %max3A_1316 = arith.maximumf %max3A_1315, %get3A_1312 : vector<1x16xf32>
          %min3A_1317 = vector.broadcast %jit3A_1314 : f32 to vector<1x16xf32>
          %min3A_1318 = arith.minimumf %min3A_1317, %max3A_1316 : vector<1x16xf32>
          %mul3A_1319 = arith.constant 6.400000e+01 : f32
          %mul3A_1320 = vector.broadcast %mul3A_1319 : f32 to vector<1x16xf32>
          %mul3A_1321 = arith.mulf %min3A_1318, %mul3A_1320 : vector<1x16xf32>
          %sub3A_1322 = arith.constant 6.400000e+01 : f32
          %sub3A_1323 = vector.broadcast %sub3A_1322 : f32 to vector<1x16xf32>
          %sub3A_1324 = arith.subf %mul3A_1321, %sub3A_1323 : vector<1x16xf32>
          %exp3A_1325 = math.exp %sub3A_1324 : vector<1x16xf32>
          %add3A_1326 = arith.addf %add3A_1304, %exp3A_1325 : vector<1x16xf32>
          %swap3A_1327 = arith.constant 0 : i32
          %swap3A_1328 = arith.constant 0 : i32
          %swap3A_1329 = tpu.memref_slice %run_scoped3A_8[%rem3A_319, %swap3A_1327, %swap3A_1328] : memref<2x8x128xf32, #tpu.memory_space<vmem>> -> memref<1x8x128xf32, #tpu.memory_space<vmem>>
          %swap3A_1330 = tpu.memref_squeeze %swap3A_1329 : memref<1x8x128xf32, #tpu.memory_space<vmem>> -> memref<8x128xf32, #tpu.memory_space<vmem>>
          %swap3A_1331 = arith.index_cast %add3A_420 : i32 to index
          %swap3A_1332 = arith.constant 64 : index
          %swap3A_1333 = tpu.vector_load %swap3A_1330[%swap3A_1331, %swap3A_1332] {strides = array<i32>} : memref<8x128xf32, #tpu.memory_space<vmem>>, vector<1x16xf32>,
          %swap3A_1334 = vector.shape_cast %swap3A_1333 : vector<1x16xf32> to vector<1x16xf32>
          %swap3A_1335 = vector.shape_cast %add3A_1326 : vector<1x16xf32> to vector<1x16xf32>
          tpu.vector_store %swap3A_1330[%swap3A_1331, %swap3A_1332], %swap3A_1335 {strides = array<i32>} : memref<8x128xf32, #tpu.memory_space<vmem>>, vector<1x16xf32>,
          %get3A_1336 = arith.constant 0 : i32
          %get3A_1337 = arith.constant 0 : i32
          %get3A_1338 = tpu.memref_slice %run_scoped3A[%rem3A_317, %get3A_1336, %get3A_1337] : memref<2x8x1024xf32, #tpu.memory_space<vmem>> -> memref<1x8x1024xf32, #tpu.memory_space<vmem>>
          %get3A_1339 = tpu.memref_squeeze %get3A_1338 : memref<1x8x1024xf32, #tpu.memory_space<vmem>> -> memref<8x1024xf32, #tpu.memory_space<vmem>>
          %get3A_1340 = arith.index_cast %add3A_420 : i32 to index
          %get3A_1341 = arith.constant 80 : index
          %get3A_1342 = tpu.vector_load %get3A_1339[%get3A_1340, %get3A_1341] {strides = array<i32>} : memref<8x1024xf32, #tpu.memory_space<vmem>>, vector<1x16xf32>,
          %get3A_1343 = vector.shape_cast %get3A_1342 : vector<1x16xf32> to vector<1x16xf32>
          %jit3A_1344 = arith.constant -1.000000e+00 : f32
          %jit3A_1345 = arith.constant 1.000000e+00 : f32
          %max3A_1346 = vector.broadcast %jit3A_1344 : f32 to vector<1x16xf32>
          %max3A_1347 = arith.maximumf %max3A_1346, %get3A_1343 : vector<1x16xf32>
          %min3A_1348 = vector.broadcast %jit3A_1345 : f32 to vector<1x16xf32>
          %min3A_1349 = arith.minimumf %min3A_1348, %max3A_1347 : vector<1x16xf32>
          %mul3A_1350 = arith.constant 6.400000e+01 : f32
          %mul3A_1351 = vector.broadcast %mul3A_1350 : f32 to vector<1x16xf32>
          %mul3A_1352 = arith.mulf %min3A_1349, %mul3A_1351 : vector<1x16xf32>
          %sub3A_1353 = arith.constant 6.400000e+01 : f32
          %sub3A_1354 = vector.broadcast %sub3A_1353 : f32 to vector<1x16xf32>
          %sub3A_1355 = arith.subf %mul3A_1352, %sub3A_1354 : vector<1x16xf32>
          %exp3A_1356 = math.exp %sub3A_1355 : vector<1x16xf32>
          %get3A_1357 = arith.constant 0 : i32
          %get3A_1358 = arith.constant 0 : i32
          %get3A_1359 = tpu.memref_slice %run_scoped3A[%rem3A_317, %get3A_1357, %get3A_1358] : memref<2x8x1024xf32, #tpu.memory_space<vmem>> -> memref<1x8x1024xf32, #tpu.memory_space<vmem>>
          %get3A_1360 = tpu.memref_squeeze %get3A_1359 : memref<1x8x1024xf32, #tpu.memory_space<vmem>> -> memref<8x1024xf32, #tpu.memory_space<vmem>>
          %get3A_1361 = arith.index_cast %add3A_420 : i32 to index
          %get3A_1362 = arith.constant 208 : index
          %get3A_1363 = tpu.vector_load %get3A_1360[%get3A_1361, %get3A_1362] {strides = array<i32>} : memref<8x1024xf32, #tpu.memory_space<vmem>>, vector<1x16xf32>,
          %get3A_1364 = vector.shape_cast %get3A_1363 : vector<1x16xf32> to vector<1x16xf32>
          %jit3A_1365 = arith.constant -1.000000e+00 : f32
          %jit3A_1366 = arith.constant 1.000000e+00 : f32
          %max3A_1367 = vector.broadcast %jit3A_1365 : f32 to vector<1x16xf32>
          %max3A_1368 = arith.maximumf %max3A_1367, %get3A_1364 : vector<1x16xf32>
          %min3A_1369 = vector.broadcast %jit3A_1366 : f32 to vector<1x16xf32>
          %min3A_1370 = arith.minimumf %min3A_1369, %max3A_1368 : vector<1x16xf32>
          %mul3A_1371 = arith.constant 6.400000e+01 : f32
          %mul3A_1372 = vector.broadcast %mul3A_1371 : f32 to vector<1x16xf32>
          %mul3A_1373 = arith.mulf %min3A_1370, %mul3A_1372 : vector<1x16xf32>
          %sub3A_1374 = arith.constant 6.400000e+01 : f32
          %sub3A_1375 = vector.broadcast %sub3A_1374 : f32 to vector<1x16xf32>
          %sub3A_1376 = arith.subf %mul3A_1373, %sub3A_1375 : vector<1x16xf32>
          %exp3A_1377 = math.exp %sub3A_1376 : vector<1x16xf32>
          %add3A_1378 = arith.addf %exp3A_1356, %exp3A_1377 : vector<1x16xf32>
          %get3A_1379 = arith.constant 0 : i32
          %get3A_1380 = arith.constant 0 : i32
          %get3A_1381 = tpu.memref_slice %run_scoped3A[%rem3A_317, %get3A_1379, %get3A_1380] : memref<2x8x1024xf32, #tpu.memory_space<vmem>> -> memref<1x8x1024xf32, #tpu.memory_space<vmem>>
          %get3A_1382 = tpu.memref_squeeze %get3A_1381 : memref<1x8x1024xf32, #tpu.memory_space<vmem>> -> memref<8x1024xf32, #tpu.memory_space<vmem>>
          %get3A_1383 = arith.index_cast %add3A_420 : i32 to index
          %get3A_1384 = arith.constant 336 : index
          %get3A_1385 = tpu.vector_load %get3A_1382[%get3A_1383, %get3A_1384] {strides = array<i32>} : memref<8x1024xf32, #tpu.memory_space<vmem>>, vector<1x16xf32>,
          %get3A_1386 = vector.shape_cast %get3A_1385 : vector<1x16xf32> to vector<1x16xf32>
          %jit3A_1387 = arith.constant -1.000000e+00 : f32
          %jit3A_1388 = arith.constant 1.000000e+00 : f32
          %max3A_1389 = vector.broadcast %jit3A_1387 : f32 to vector<1x16xf32>
          %max3A_1390 = arith.maximumf %max3A_1389, %get3A_1386 : vector<1x16xf32>
          %min3A_1391 = vector.broadcast %jit3A_1388 : f32 to vector<1x16xf32>
          %min3A_1392 = arith.minimumf %min3A_1391, %max3A_1390 : vector<1x16xf32>
          %mul3A_1393 = arith.constant 6.400000e+01 : f32
          %mul3A_1394 = vector.broadcast %mul3A_1393 : f32 to vector<1x16xf32>
          %mul3A_1395 = arith.mulf %min3A_1392, %mul3A_1394 : vector<1x16xf32>
          %sub3A_1396 = arith.constant 6.400000e+01 : f32
          %sub3A_1397 = vector.broadcast %sub3A_1396 : f32 to vector<1x16xf32>
          %sub3A_1398 = arith.subf %mul3A_1395, %sub3A_1397 : vector<1x16xf32>
          %exp3A_1399 = math.exp %sub3A_1398 : vector<1x16xf32>
          %add3A_1400 = arith.addf %add3A_1378, %exp3A_1399 : vector<1x16xf32>
          %get3A_1401 = arith.constant 0 : i32
          %get3A_1402 = arith.constant 0 : i32
          %get3A_1403 = tpu.memref_slice %run_scoped3A[%rem3A_317, %get3A_1401, %get3A_1402] : memref<2x8x1024xf32, #tpu.memory_space<vmem>> -> memref<1x8x1024xf32, #tpu.memory_space<vmem>>
          %get3A_1404 = tpu.memref_squeeze %get3A_1403 : memref<1x8x1024xf32, #tpu.memory_space<vmem>> -> memref<8x1024xf32, #tpu.memory_space<vmem>>
          %get3A_1405 = arith.index_cast %add3A_420 : i32 to index
          %get3A_1406 = arith.constant 464 : index
          %get3A_1407 = tpu.vector_load %get3A_1404[%get3A_1405, %get3A_1406] {strides = array<i32>} : memref<8x1024xf32, #tpu.memory_space<vmem>>, vector<1x16xf32>,
          %get3A_1408 = vector.shape_cast %get3A_1407 : vector<1x16xf32> to vector<1x16xf32>
          %jit3A_1409 = arith.constant -1.000000e+00 : f32
          %jit3A_1410 = arith.constant 1.000000e+00 : f32
          %max3A_1411 = vector.broadcast %jit3A_1409 : f32 to vector<1x16xf32>
          %max3A_1412 = arith.maximumf %max3A_1411, %get3A_1408 : vector<1x16xf32>
          %min3A_1413 = vector.broadcast %jit3A_1410 : f32 to vector<1x16xf32>
          %min3A_1414 = arith.minimumf %min3A_1413, %max3A_1412 : vector<1x16xf32>
          %mul3A_1415 = arith.constant 6.400000e+01 : f32
          %mul3A_1416 = vector.broadcast %mul3A_1415 : f32 to vector<1x16xf32>
          %mul3A_1417 = arith.mulf %min3A_1414, %mul3A_1416 : vector<1x16xf32>
          %sub3A_1418 = arith.constant 6.400000e+01 : f32
          %sub3A_1419 = vector.broadcast %sub3A_1418 : f32 to vector<1x16xf32>
          %sub3A_1420 = arith.subf %mul3A_1417, %sub3A_1419 : vector<1x16xf32>
          %exp3A_1421 = math.exp %sub3A_1420 : vector<1x16xf32>
          %add3A_1422 = arith.addf %add3A_1400, %exp3A_1421 : vector<1x16xf32>
          %get3A_1423 = arith.constant 0 : i32
          %get3A_1424 = arith.constant 0 : i32
          %get3A_1425 = tpu.memref_slice %run_scoped3A[%rem3A_317, %get3A_1423, %get3A_1424] : memref<2x8x1024xf32, #tpu.memory_space<vmem>> -> memref<1x8x1024xf32, #tpu.memory_space<vmem>>
          %get3A_1426 = tpu.memref_squeeze %get3A_1425 : memref<1x8x1024xf32, #tpu.memory_space<vmem>> -> memref<8x1024xf32, #tpu.memory_space<vmem>>
          %get3A_1427 = arith.index_cast %add3A_420 : i32 to index
          %get3A_1428 = arith.constant 592 : index
          %get3A_1429 = tpu.vector_load %get3A_1426[%get3A_1427, %get3A_1428] {strides = array<i32>} : memref<8x1024xf32, #tpu.memory_space<vmem>>, vector<1x16xf32>,
          %get3A_1430 = vector.shape_cast %get3A_1429 : vector<1x16xf32> to vector<1x16xf32>
          %jit3A_1431 = arith.constant -1.000000e+00 : f32
          %jit3A_1432 = arith.constant 1.000000e+00 : f32
          %max3A_1433 = vector.broadcast %jit3A_1431 : f32 to vector<1x16xf32>
          %max3A_1434 = arith.maximumf %max3A_1433, %get3A_1430 : vector<1x16xf32>
          %min3A_1435 = vector.broadcast %jit3A_1432 : f32 to vector<1x16xf32>
          %min3A_1436 = arith.minimumf %min3A_1435, %max3A_1434 : vector<1x16xf32>
          %mul3A_1437 = arith.constant 6.400000e+01 : f32
          %mul3A_1438 = vector.broadcast %mul3A_1437 : f32 to vector<1x16xf32>
          %mul3A_1439 = arith.mulf %min3A_1436, %mul3A_1438 : vector<1x16xf32>
          %sub3A_1440 = arith.constant 6.400000e+01 : f32
          %sub3A_1441 = vector.broadcast %sub3A_1440 : f32 to vector<1x16xf32>
          %sub3A_1442 = arith.subf %mul3A_1439, %sub3A_1441 : vector<1x16xf32>
          %exp3A_1443 = math.exp %sub3A_1442 : vector<1x16xf32>
          %add3A_1444 = arith.addf %add3A_1422, %exp3A_1443 : vector<1x16xf32>
          %get3A_1445 = arith.constant 0 : i32
          %get3A_1446 = arith.constant 0 : i32
          %get3A_1447 = tpu.memref_slice %run_scoped3A[%rem3A_317, %get3A_1445, %get3A_1446] : memref<2x8x1024xf32, #tpu.memory_space<vmem>> -> memref<1x8x1024xf32, #tpu.memory_space<vmem>>
          %get3A_1448 = tpu.memref_squeeze %get3A_1447 : memref<1x8x1024xf32, #tpu.memory_space<vmem>> -> memref<8x1024xf32, #tpu.memory_space<vmem>>
          %get3A_1449 = arith.index_cast %add3A_420 : i32 to index
          %get3A_1450 = arith.constant 720 : index
          %get3A_1451 = tpu.vector_load %get3A_1448[%get3A_1449, %get3A_1450] {strides = array<i32>} : memref<8x1024xf32, #tpu.memory_space<vmem>>, vector<1x16xf32>,
          %get3A_1452 = vector.shape_cast %get3A_1451 : vector<1x16xf32> to vector<1x16xf32>
          %jit3A_1453 = arith.constant -1.000000e+00 : f32
          %jit3A_1454 = arith.constant 1.000000e+00 : f32
          %max3A_1455 = vector.broadcast %jit3A_1453 : f32 to vector<1x16xf32>
          %max3A_1456 = arith.maximumf %max3A_1455, %get3A_1452 : vector<1x16xf32>
          %min3A_1457 = vector.broadcast %jit3A_1454 : f32 to vector<1x16xf32>
          %min3A_1458 = arith.minimumf %min3A_1457, %max3A_1456 : vector<1x16xf32>
          %mul3A_1459 = arith.constant 6.400000e+01 : f32
          %mul3A_1460 = vector.broadcast %mul3A_1459 : f32 to vector<1x16xf32>
          %mul3A_1461 = arith.mulf %min3A_1458, %mul3A_1460 : vector<1x16xf32>
          %sub3A_1462 = arith.constant 6.400000e+01 : f32
          %sub3A_1463 = vector.broadcast %sub3A_1462 : f32 to vector<1x16xf32>
          %sub3A_1464 = arith.subf %mul3A_1461, %sub3A_1463 : vector<1x16xf32>
          %exp3A_1465 = math.exp %sub3A_1464 : vector<1x16xf32>
          %add3A_1466 = arith.addf %add3A_1444, %exp3A_1465 : vector<1x16xf32>
          %get3A_1467 = arith.constant 0 : i32
          %get3A_1468 = arith.constant 0 : i32
          %get3A_1469 = tpu.memref_slice %run_scoped3A[%rem3A_317, %get3A_1467, %get3A_1468] : memref<2x8x1024xf32, #tpu.memory_space<vmem>> -> memref<1x8x1024xf32, #tpu.memory_space<vmem>>
          %get3A_1470 = tpu.memref_squeeze %get3A_1469 : memref<1x8x1024xf32, #tpu.memory_space<vmem>> -> memref<8x1024xf32, #tpu.memory_space<vmem>>
          %get3A_1471 = arith.index_cast %add3A_420 : i32 to index
          %get3A_1472 = arith.constant 848 : index
          %get3A_1473 = tpu.vector_load %get3A_1470[%get3A_1471, %get3A_1472] {strides = array<i32>} : memref<8x1024xf32, #tpu.memory_space<vmem>>, vector<1x16xf32>,
          %get3A_1474 = vector.shape_cast %get3A_1473 : vector<1x16xf32> to vector<1x16xf32>
          %jit3A_1475 = arith.constant -1.000000e+00 : f32
          %jit3A_1476 = arith.constant 1.000000e+00 : f32
          %max3A_1477 = vector.broadcast %jit3A_1475 : f32 to vector<1x16xf32>
          %max3A_1478 = arith.maximumf %max3A_1477, %get3A_1474 : vector<1x16xf32>
          %min3A_1479 = vector.broadcast %jit3A_1476 : f32 to vector<1x16xf32>
          %min3A_1480 = arith.minimumf %min3A_1479, %max3A_1478 : vector<1x16xf32>
          %mul3A_1481 = arith.constant 6.400000e+01 : f32
          %mul3A_1482 = vector.broadcast %mul3A_1481 : f32 to vector<1x16xf32>
          %mul3A_1483 = arith.mulf %min3A_1480, %mul3A_1482 : vector<1x16xf32>
          %sub3A_1484 = arith.constant 6.400000e+01 : f32
          %sub3A_1485 = vector.broadcast %sub3A_1484 : f32 to vector<1x16xf32>
          %sub3A_1486 = arith.subf %mul3A_1483, %sub3A_1485 : vector<1x16xf32>
          %exp3A_1487 = math.exp %sub3A_1486 : vector<1x16xf32>
          %add3A_1488 = arith.addf %add3A_1466, %exp3A_1487 : vector<1x16xf32>
          %get3A_1489 = arith.constant 0 : i32
          %get3A_1490 = arith.constant 0 : i32
          %get3A_1491 = tpu.memref_slice %run_scoped3A[%rem3A_317, %get3A_1489, %get3A_1490] : memref<2x8x1024xf32, #tpu.memory_space<vmem>> -> memref<1x8x1024xf32, #tpu.memory_space<vmem>>
          %get3A_1492 = tpu.memref_squeeze %get3A_1491 : memref<1x8x1024xf32, #tpu.memory_space<vmem>> -> memref<8x1024xf32, #tpu.memory_space<vmem>>
          %get3A_1493 = arith.index_cast %add3A_420 : i32 to index
          %get3A_1494 = arith.constant 976 : index
          %get3A_1495 = tpu.vector_load %get3A_1492[%get3A_1493, %get3A_1494] {strides = array<i32>} : memref<8x1024xf32, #tpu.memory_space<vmem>>, vector<1x16xf32>,
          %get3A_1496 = vector.shape_cast %get3A_1495 : vector<1x16xf32> to vector<1x16xf32>
          %jit3A_1497 = arith.constant -1.000000e+00 : f32
          %jit3A_1498 = arith.constant 1.000000e+00 : f32
          %max3A_1499 = vector.broadcast %jit3A_1497 : f32 to vector<1x16xf32>
          %max3A_1500 = arith.maximumf %max3A_1499, %get3A_1496 : vector<1x16xf32>
          %min3A_1501 = vector.broadcast %jit3A_1498 : f32 to vector<1x16xf32>
          %min3A_1502 = arith.minimumf %min3A_1501, %max3A_1500 : vector<1x16xf32>
          %mul3A_1503 = arith.constant 6.400000e+01 : f32
          %mul3A_1504 = vector.broadcast %mul3A_1503 : f32 to vector<1x16xf32>
          %mul3A_1505 = arith.mulf %min3A_1502, %mul3A_1504 : vector<1x16xf32>
          %sub3A_1506 = arith.constant 6.400000e+01 : f32
          %sub3A_1507 = vector.broadcast %sub3A_1506 : f32 to vector<1x16xf32>
          %sub3A_1508 = arith.subf %mul3A_1505, %sub3A_1507 : vector<1x16xf32>
          %exp3A_1509 = math.exp %sub3A_1508 : vector<1x16xf32>
          %add3A_1510 = arith.addf %add3A_1488, %exp3A_1509 : vector<1x16xf32>
          %swap3A_1511 = arith.constant 0 : i32
          %swap3A_1512 = arith.constant 0 : i32
          %swap3A_1513 = tpu.memref_slice %run_scoped3A_8[%rem3A_319, %swap3A_1511, %swap3A_1512] : memref<2x8x128xf32, #tpu.memory_space<vmem>> -> memref<1x8x128xf32, #tpu.memory_space<vmem>>
          %swap3A_1514 = tpu.memref_squeeze %swap3A_1513 : memref<1x8x128xf32, #tpu.memory_space<vmem>> -> memref<8x128xf32, #tpu.memory_space<vmem>>
          %swap3A_1515 = arith.index_cast %add3A_420 : i32 to index
          %swap3A_1516 = arith.constant 80 : index
          %swap3A_1517 = tpu.vector_load %swap3A_1514[%swap3A_1515, %swap3A_1516] {strides = array<i32>} : memref<8x128xf32, #tpu.memory_space<vmem>>, vector<1x16xf32>,
          %swap3A_1518 = vector.shape_cast %swap3A_1517 : vector<1x16xf32> to vector<1x16xf32>
          %swap3A_1519 = vector.shape_cast %add3A_1510 : vector<1x16xf32> to vector<1x16xf32>
          tpu.vector_store %swap3A_1514[%swap3A_1515, %swap3A_1516], %swap3A_1519 {strides = array<i32>} : memref<8x128xf32, #tpu.memory_space<vmem>>, vector<1x16xf32>,
          %get3A_1520 = arith.constant 0 : i32
          %get3A_1521 = arith.constant 0 : i32
          %get3A_1522 = tpu.memref_slice %run_scoped3A[%rem3A_317, %get3A_1520, %get3A_1521] : memref<2x8x1024xf32, #tpu.memory_space<vmem>> -> memref<1x8x1024xf32, #tpu.memory_space<vmem>>
          %get3A_1523 = tpu.memref_squeeze %get3A_1522 : memref<1x8x1024xf32, #tpu.memory_space<vmem>> -> memref<8x1024xf32, #tpu.memory_space<vmem>>
          %get3A_1524 = arith.index_cast %add3A_420 : i32 to index
          %get3A_1525 = arith.constant 96 : index
          %get3A_1526 = tpu.vector_load %get3A_1523[%get3A_1524, %get3A_1525] {strides = array<i32>} : memref<8x1024xf32, #tpu.memory_space<vmem>>, vector<1x16xf32>,
          %get3A_1527 = vector.shape_cast %get3A_1526 : vector<1x16xf32> to vector<1x16xf32>
          %jit3A_1528 = arith.constant -1.000000e+00 : f32
          %jit3A_1529 = arith.constant 1.000000e+00 : f32
          %max3A_1530 = vector.broadcast %jit3A_1528 : f32 to vector<1x16xf32>
          %max3A_1531 = arith.maximumf %max3A_1530, %get3A_1527 : vector<1x16xf32>
          %min3A_1532 = vector.broadcast %jit3A_1529 : f32 to vector<1x16xf32>
          %min3A_1533 = arith.minimumf %min3A_1532, %max3A_1531 : vector<1x16xf32>
          %mul3A_1534 = arith.constant 6.400000e+01 : f32
          %mul3A_1535 = vector.broadcast %mul3A_1534 : f32 to vector<1x16xf32>
          %mul3A_1536 = arith.mulf %min3A_1533, %mul3A_1535 : vector<1x16xf32>
          %sub3A_1537 = arith.constant 6.400000e+01 : f32
          %sub3A_1538 = vector.broadcast %sub3A_1537 : f32 to vector<1x16xf32>
          %sub3A_1539 = arith.subf %mul3A_1536, %sub3A_1538 : vector<1x16xf32>
          %exp3A_1540 = math.exp %sub3A_1539 : vector<1x16xf32>
          %get3A_1541 = arith.constant 0 : i32
          %get3A_1542 = arith.constant 0 : i32
          %get3A_1543 = tpu.memref_slice %run_scoped3A[%rem3A_317, %get3A_1541, %get3A_1542] : memref<2x8x1024xf32, #tpu.memory_space<vmem>> -> memref<1x8x1024xf32, #tpu.memory_space<vmem>>
          %get3A_1544 = tpu.memref_squeeze %get3A_1543 : memref<1x8x1024xf32, #tpu.memory_space<vmem>> -> memref<8x1024xf32, #tpu.memory_space<vmem>>
          %get3A_1545 = arith.index_cast %add3A_420 : i32 to index
          %get3A_1546 = arith.constant 224 : index
          %get3A_1547 = tpu.vector_load %get3A_1544[%get3A_1545, %get3A_1546] {strides = array<i32>} : memref<8x1024xf32, #tpu.memory_space<vmem>>, vector<1x16xf32>,
          %get3A_1548 = vector.shape_cast %get3A_1547 : vector<1x16xf32> to vector<1x16xf32>
          %jit3A_1549 = arith.constant -1.000000e+00 : f32
          %jit3A_1550 = arith.constant 1.000000e+00 : f32
          %max3A_1551 = vector.broadcast %jit3A_1549 : f32 to vector<1x16xf32>
          %max3A_1552 = arith.maximumf %max3A_1551, %get3A_1548 : vector<1x16xf32>
          %min3A_1553 = vector.broadcast %jit3A_1550 : f32 to vector<1x16xf32>
          %min3A_1554 = arith.minimumf %min3A_1553, %max3A_1552 : vector<1x16xf32>
          %mul3A_1555 = arith.constant 6.400000e+01 : f32
          %mul3A_1556 = vector.broadcast %mul3A_1555 : f32 to vector<1x16xf32>
          %mul3A_1557 = arith.mulf %min3A_1554, %mul3A_1556 : vector<1x16xf32>
          %sub3A_1558 = arith.constant 6.400000e+01 : f32
          %sub3A_1559 = vector.broadcast %sub3A_1558 : f32 to vector<1x16xf32>
          %sub3A_1560 = arith.subf %mul3A_1557, %sub3A_1559 : vector<1x16xf32>
          %exp3A_1561 = math.exp %sub3A_1560 : vector<1x16xf32>
          %add3A_1562 = arith.addf %exp3A_1540, %exp3A_1561 : vector<1x16xf32>
          %get3A_1563 = arith.constant 0 : i32
          %get3A_1564 = arith.constant 0 : i32
          %get3A_1565 = tpu.memref_slice %run_scoped3A[%rem3A_317, %get3A_1563, %get3A_1564] : memref<2x8x1024xf32, #tpu.memory_space<vmem>> -> memref<1x8x1024xf32, #tpu.memory_space<vmem>>
          %get3A_1566 = tpu.memref_squeeze %get3A_1565 : memref<1x8x1024xf32, #tpu.memory_space<vmem>> -> memref<8x1024xf32, #tpu.memory_space<vmem>>
          %get3A_1567 = arith.index_cast %add3A_420 : i32 to index
          %get3A_1568 = arith.constant 352 : index
          %get3A_1569 = tpu.vector_load %get3A_1566[%get3A_1567, %get3A_1568] {strides = array<i32>} : memref<8x1024xf32, #tpu.memory_space<vmem>>, vector<1x16xf32>,
          %get3A_1570 = vector.shape_cast %get3A_1569 : vector<1x16xf32> to vector<1x16xf32>
          %jit3A_1571 = arith.constant -1.000000e+00 : f32
          %jit3A_1572 = arith.constant 1.000000e+00 : f32
          %max3A_1573 = vector.broadcast %jit3A_1571 : f32 to vector<1x16xf32>
          %max3A_1574 = arith.maximumf %max3A_1573, %get3A_1570 : vector<1x16xf32>
          %min3A_1575 = vector.broadcast %jit3A_1572 : f32 to vector<1x16xf32>
          %min3A_1576 = arith.minimumf %min3A_1575, %max3A_1574 : vector<1x16xf32>
          %mul3A_1577 = arith.constant 6.400000e+01 : f32
          %mul3A_1578 = vector.broadcast %mul3A_1577 : f32 to vector<1x16xf32>
          %mul3A_1579 = arith.mulf %min3A_1576, %mul3A_1578 : vector<1x16xf32>
          %sub3A_1580 = arith.constant 6.400000e+01 : f32
          %sub3A_1581 = vector.broadcast %sub3A_1580 : f32 to vector<1x16xf32>
          %sub3A_1582 = arith.subf %mul3A_1579, %sub3A_1581 : vector<1x16xf32>
          %exp3A_1583 = math.exp %sub3A_1582 : vector<1x16xf32>
          %add3A_1584 = arith.addf %add3A_1562, %exp3A_1583 : vector<1x16xf32>
          %get3A_1585 = arith.constant 0 : i32
          %get3A_1586 = arith.constant 0 : i32
          %get3A_1587 = tpu.memref_slice %run_scoped3A[%rem3A_317, %get3A_1585, %get3A_1586] : memref<2x8x1024xf32, #tpu.memory_space<vmem>> -> memref<1x8x1024xf32, #tpu.memory_space<vmem>>
          %get3A_1588 = tpu.memref_squeeze %get3A_1587 : memref<1x8x1024xf32, #tpu.memory_space<vmem>> -> memref<8x1024xf32, #tpu.memory_space<vmem>>
          %get3A_1589 = arith.index_cast %add3A_420 : i32 to index
          %get3A_1590 = arith.constant 480 : index
          %get3A_1591 = tpu.vector_load %get3A_1588[%get3A_1589, %get3A_1590] {strides = array<i32>} : memref<8x1024xf32, #tpu.memory_space<vmem>>, vector<1x16xf32>,
          %get3A_1592 = vector.shape_cast %get3A_1591 : vector<1x16xf32> to vector<1x16xf32>
          %jit3A_1593 = arith.constant -1.000000e+00 : f32
          %jit3A_1594 = arith.constant 1.000000e+00 : f32
          %max3A_1595 = vector.broadcast %jit3A_1593 : f32 to vector<1x16xf32>
          %max3A_1596 = arith.maximumf %max3A_1595, %get3A_1592 : vector<1x16xf32>
          %min3A_1597 = vector.broadcast %jit3A_1594 : f32 to vector<1x16xf32>
          %min3A_1598 = arith.minimumf %min3A_1597, %max3A_1596 : vector<1x16xf32>
          %mul3A_1599 = arith.constant 6.400000e+01 : f32
          %mul3A_1600 = vector.broadcast %mul3A_1599 : f32 to vector<1x16xf32>
          %mul3A_1601 = arith.mulf %min3A_1598, %mul3A_1600 : vector<1x16xf32>
          %sub3A_1602 = arith.constant 6.400000e+01 : f32
          %sub3A_1603 = vector.broadcast %sub3A_1602 : f32 to vector<1x16xf32>
          %sub3A_1604 = arith.subf %mul3A_1601, %sub3A_1603 : vector<1x16xf32>
          %exp3A_1605 = math.exp %sub3A_1604 : vector<1x16xf32>
          %add3A_1606 = arith.addf %add3A_1584, %exp3A_1605 : vector<1x16xf32>
          %get3A_1607 = arith.constant 0 : i32
          %get3A_1608 = arith.constant 0 : i32
          %get3A_1609 = tpu.memref_slice %run_scoped3A[%rem3A_317, %get3A_1607, %get3A_1608] : memref<2x8x1024xf32, #tpu.memory_space<vmem>> -> memref<1x8x1024xf32, #tpu.memory_space<vmem>>
          %get3A_1610 = tpu.memref_squeeze %get3A_1609 : memref<1x8x1024xf32, #tpu.memory_space<vmem>> -> memref<8x1024xf32, #tpu.memory_space<vmem>>
          %get3A_1611 = arith.index_cast %add3A_420 : i32 to index
          %get3A_1612 = arith.constant 608 : index
          %get3A_1613 = tpu.vector_load %get3A_1610[%get3A_1611, %get3A_1612] {strides = array<i32>} : memref<8x1024xf32, #tpu.memory_space<vmem>>, vector<1x16xf32>,
          %get3A_1614 = vector.shape_cast %get3A_1613 : vector<1x16xf32> to vector<1x16xf32>
          %jit3A_1615 = arith.constant -1.000000e+00 : f32
          %jit3A_1616 = arith.constant 1.000000e+00 : f32
          %max3A_1617 = vector.broadcast %jit3A_1615 : f32 to vector<1x16xf32>
          %max3A_1618 = arith.maximumf %max3A_1617, %get3A_1614 : vector<1x16xf32>
          %min3A_1619 = vector.broadcast %jit3A_1616 : f32 to vector<1x16xf32>
          %min3A_1620 = arith.minimumf %min3A_1619, %max3A_1618 : vector<1x16xf32>
          %mul3A_1621 = arith.constant 6.400000e+01 : f32
          %mul3A_1622 = vector.broadcast %mul3A_1621 : f32 to vector<1x16xf32>
          %mul3A_1623 = arith.mulf %min3A_1620, %mul3A_1622 : vector<1x16xf32>
          %sub3A_1624 = arith.constant 6.400000e+01 : f32
          %sub3A_1625 = vector.broadcast %sub3A_1624 : f32 to vector<1x16xf32>
          %sub3A_1626 = arith.subf %mul3A_1623, %sub3A_1625 : vector<1x16xf32>
          %exp3A_1627 = math.exp %sub3A_1626 : vector<1x16xf32>
          %add3A_1628 = arith.addf %add3A_1606, %exp3A_1627 : vector<1x16xf32>
          %get3A_1629 = arith.constant 0 : i32
          %get3A_1630 = arith.constant 0 : i32
          %get3A_1631 = tpu.memref_slice %run_scoped3A[%rem3A_317, %get3A_1629, %get3A_1630] : memref<2x8x1024xf32, #tpu.memory_space<vmem>> -> memref<1x8x1024xf32, #tpu.memory_space<vmem>>
          %get3A_1632 = tpu.memref_squeeze %get3A_1631 : memref<1x8x1024xf32, #tpu.memory_space<vmem>> -> memref<8x1024xf32, #tpu.memory_space<vmem>>
          %get3A_1633 = arith.index_cast %add3A_420 : i32 to index
          %get3A_1634 = arith.constant 736 : index
          %get3A_1635 = tpu.vector_load %get3A_1632[%get3A_1633, %get3A_1634] {strides = array<i32>} : memref<8x1024xf32, #tpu.memory_space<vmem>>, vector<1x16xf32>,
          %get3A_1636 = vector.shape_cast %get3A_1635 : vector<1x16xf32> to vector<1x16xf32>
          %jit3A_1637 = arith.constant -1.000000e+00 : f32
          %jit3A_1638 = arith.constant 1.000000e+00 : f32
          %max3A_1639 = vector.broadcast %jit3A_1637 : f32 to vector<1x16xf32>
          %max3A_1640 = arith.maximumf %max3A_1639, %get3A_1636 : vector<1x16xf32>
          %min3A_1641 = vector.broadcast %jit3A_1638 : f32 to vector<1x16xf32>
          %min3A_1642 = arith.minimumf %min3A_1641, %max3A_1640 : vector<1x16xf32>
          %mul3A_1643 = arith.constant 6.400000e+01 : f32
          %mul3A_1644 = vector.broadcast %mul3A_1643 : f32 to vector<1x16xf32>
          %mul3A_1645 = arith.mulf %min3A_1642, %mul3A_1644 : vector<1x16xf32>
          %sub3A_1646 = arith.constant 6.400000e+01 : f32
          %sub3A_1647 = vector.broadcast %sub3A_1646 : f32 to vector<1x16xf32>
          %sub3A_1648 = arith.subf %mul3A_1645, %sub3A_1647 : vector<1x16xf32>
          %exp3A_1649 = math.exp %sub3A_1648 : vector<1x16xf32>
          %add3A_1650 = arith.addf %add3A_1628, %exp3A_1649 : vector<1x16xf32>
          %get3A_1651 = arith.constant 0 : i32
          %get3A_1652 = arith.constant 0 : i32
          %get3A_1653 = tpu.memref_slice %run_scoped3A[%rem3A_317, %get3A_1651, %get3A_1652] : memref<2x8x1024xf32, #tpu.memory_space<vmem>> -> memref<1x8x1024xf32, #tpu.memory_space<vmem>>
          %get3A_1654 = tpu.memref_squeeze %get3A_1653 : memref<1x8x1024xf32, #tpu.memory_space<vmem>> -> memref<8x1024xf32, #tpu.memory_space<vmem>>
          %get3A_1655 = arith.index_cast %add3A_420 : i32 to index
          %get3A_1656 = arith.constant 864 : index
          %get3A_1657 = tpu.vector_load %get3A_1654[%get3A_1655, %get3A_1656] {strides = array<i32>} : memref<8x1024xf32, #tpu.memory_space<vmem>>, vector<1x16xf32>,
          %get3A_1658 = vector.shape_cast %get3A_1657 : vector<1x16xf32> to vector<1x16xf32>
          %jit3A_1659 = arith.constant -1.000000e+00 : f32
          %jit3A_1660 = arith.constant 1.000000e+00 : f32
          %max3A_1661 = vector.broadcast %jit3A_1659 : f32 to vector<1x16xf32>
          %max3A_1662 = arith.maximumf %max3A_1661, %get3A_1658 : vector<1x16xf32>
          %min3A_1663 = vector.broadcast %jit3A_1660 : f32 to vector<1x16xf32>
          %min3A_1664 = arith.minimumf %min3A_1663, %max3A_1662 : vector<1x16xf32>
          %mul3A_1665 = arith.constant 6.400000e+01 : f32
          %mul3A_1666 = vector.broadcast %mul3A_1665 : f32 to vector<1x16xf32>
          %mul3A_1667 = arith.mulf %min3A_1664, %mul3A_1666 : vector<1x16xf32>
          %sub3A_1668 = arith.constant 6.400000e+01 : f32
          %sub3A_1669 = vector.broadcast %sub3A_1668 : f32 to vector<1x16xf32>
          %sub3A_1670 = arith.subf %mul3A_1667, %sub3A_1669 : vector<1x16xf32>
          %exp3A_1671 = math.exp %sub3A_1670 : vector<1x16xf32>
          %add3A_1672 = arith.addf %add3A_1650, %exp3A_1671 : vector<1x16xf32>
          %get3A_1673 = arith.constant 0 : i32
          %get3A_1674 = arith.constant 0 : i32
          %get3A_1675 = tpu.memref_slice %run_scoped3A[%rem3A_317, %get3A_1673, %get3A_1674] : memref<2x8x1024xf32, #tpu.memory_space<vmem>> -> memref<1x8x1024xf32, #tpu.memory_space<vmem>>
          %get3A_1676 = tpu.memref_squeeze %get3A_1675 : memref<1x8x1024xf32, #tpu.memory_space<vmem>> -> memref<8x1024xf32, #tpu.memory_space<vmem>>
          %get3A_1677 = arith.index_cast %add3A_420 : i32 to index
          %get3A_1678 = arith.constant 992 : index
          %get3A_1679 = tpu.vector_load %get3A_1676[%get3A_1677, %get3A_1678] {strides = array<i32>} : memref<8x1024xf32, #tpu.memory_space<vmem>>, vector<1x16xf32>,
          %get3A_1680 = vector.shape_cast %get3A_1679 : vector<1x16xf32> to vector<1x16xf32>
          %jit3A_1681 = arith.constant -1.000000e+00 : f32
          %jit3A_1682 = arith.constant 1.000000e+00 : f32
          %max3A_1683 = vector.broadcast %jit3A_1681 : f32 to vector<1x16xf32>
          %max3A_1684 = arith.maximumf %max3A_1683, %get3A_1680 : vector<1x16xf32>
          %min3A_1685 = vector.broadcast %jit3A_1682 : f32 to vector<1x16xf32>
          %min3A_1686 = arith.minimumf %min3A_1685, %max3A_1684 : vector<1x16xf32>
          %mul3A_1687 = arith.constant 6.400000e+01 : f32
          %mul3A_1688 = vector.broadcast %mul3A_1687 : f32 to vector<1x16xf32>
          %mul3A_1689 = arith.mulf %min3A_1686, %mul3A_1688 : vector<1x16xf32>
          %sub3A_1690 = arith.constant 6.400000e+01 : f32
          %sub3A_1691 = vector.broadcast %sub3A_1690 : f32 to vector<1x16xf32>
          %sub3A_1692 = arith.subf %mul3A_1689, %sub3A_1691 : vector<1x16xf32>
          %exp3A_1693 = math.exp %sub3A_1692 : vector<1x16xf32>
          %add3A_1694 = arith.addf %add3A_1672, %exp3A_1693 : vector<1x16xf32>
          %swap3A_1695 = arith.constant 0 : i32
          %swap3A_1696 = arith.constant 0 : i32
          %swap3A_1697 = tpu.memref_slice %run_scoped3A_8[%rem3A_319, %swap3A_1695, %swap3A_1696] : memref<2x8x128xf32, #tpu.memory_space<vmem>> -> memref<1x8x128xf32, #tpu.memory_space<vmem>>
          %swap3A_1698 = tpu.memref_squeeze %swap3A_1697 : memref<1x8x128xf32, #tpu.memory_space<vmem>> -> memref<8x128xf32, #tpu.memory_space<vmem>>
          %swap3A_1699 = arith.index_cast %add3A_420 : i32 to index
          %swap3A_1700 = arith.constant 96 : index
          %swap3A_1701 = tpu.vector_load %swap3A_1698[%swap3A_1699, %swap3A_1700] {strides = array<i32>} : memref<8x128xf32, #tpu.memory_space<vmem>>, vector<1x16xf32>,
          %swap3A_1702 = vector.shape_cast %swap3A_1701 : vector<1x16xf32> to vector<1x16xf32>
          %swap3A_1703 = vector.shape_cast %add3A_1694 : vector<1x16xf32> to vector<1x16xf32>
          tpu.vector_store %swap3A_1698[%swap3A_1699, %swap3A_1700], %swap3A_1703 {strides = array<i32>} : memref<8x128xf32, #tpu.memory_space<vmem>>, vector<1x16xf32>,
          %get3A_1704 = arith.constant 0 : i32
          %get3A_1705 = arith.constant 0 : i32
          %get3A_1706 = tpu.memref_slice %run_scoped3A[%rem3A_317, %get3A_1704, %get3A_1705] : memref<2x8x1024xf32, #tpu.memory_space<vmem>> -> memref<1x8x1024xf32, #tpu.memory_space<vmem>>
          %get3A_1707 = tpu.memref_squeeze %get3A_1706 : memref<1x8x1024xf32, #tpu.memory_space<vmem>> -> memref<8x1024xf32, #tpu.memory_space<vmem>>
          %get3A_1708 = arith.index_cast %add3A_420 : i32 to index
          %get3A_1709 = arith.constant 112 : index
          %get3A_1710 = tpu.vector_load %get3A_1707[%get3A_1708, %get3A_1709] {strides = array<i32>} : memref<8x1024xf32, #tpu.memory_space<vmem>>, vector<1x16xf32>,
          %get3A_1711 = vector.shape_cast %get3A_1710 : vector<1x16xf32> to vector<1x16xf32>
          %jit3A_1712 = arith.constant -1.000000e+00 : f32
          %jit3A_1713 = arith.constant 1.000000e+00 : f32
          %max3A_1714 = vector.broadcast %jit3A_1712 : f32 to vector<1x16xf32>
          %max3A_1715 = arith.maximumf %max3A_1714, %get3A_1711 : vector<1x16xf32>
          %min3A_1716 = vector.broadcast %jit3A_1713 : f32 to vector<1x16xf32>
          %min3A_1717 = arith.minimumf %min3A_1716, %max3A_1715 : vector<1x16xf32>
          %mul3A_1718 = arith.constant 6.400000e+01 : f32
          %mul3A_1719 = vector.broadcast %mul3A_1718 : f32 to vector<1x16xf32>
          %mul3A_1720 = arith.mulf %min3A_1717, %mul3A_1719 : vector<1x16xf32>
          %sub3A_1721 = arith.constant 6.400000e+01 : f32
          %sub3A_1722 = vector.broadcast %sub3A_1721 : f32 to vector<1x16xf32>
          %sub3A_1723 = arith.subf %mul3A_1720, %sub3A_1722 : vector<1x16xf32>
          %exp3A_1724 = math.exp %sub3A_1723 : vector<1x16xf32>
          %get3A_1725 = arith.constant 0 : i32
          %get3A_1726 = arith.constant 0 : i32
          %get3A_1727 = tpu.memref_slice %run_scoped3A[%rem3A_317, %get3A_1725, %get3A_1726] : memref<2x8x1024xf32, #tpu.memory_space<vmem>> -> memref<1x8x1024xf32, #tpu.memory_space<vmem>>
          %get3A_1728 = tpu.memref_squeeze %get3A_1727 : memref<1x8x1024xf32, #tpu.memory_space<vmem>> -> memref<8x1024xf32, #tpu.memory_space<vmem>>
          %get3A_1729 = arith.index_cast %add3A_420 : i32 to index
          %get3A_1730 = arith.constant 240 : index
          %get3A_1731 = tpu.vector_load %get3A_1728[%get3A_1729, %get3A_1730] {strides = array<i32>} : memref<8x1024xf32, #tpu.memory_space<vmem>>, vector<1x16xf32>,
          %get3A_1732 = vector.shape_cast %get3A_1731 : vector<1x16xf32> to vector<1x16xf32>
          %jit3A_1733 = arith.constant -1.000000e+00 : f32
          %jit3A_1734 = arith.constant 1.000000e+00 : f32
          %max3A_1735 = vector.broadcast %jit3A_1733 : f32 to vector<1x16xf32>
          %max3A_1736 = arith.maximumf %max3A_1735, %get3A_1732 : vector<1x16xf32>
          %min3A_1737 = vector.broadcast %jit3A_1734 : f32 to vector<1x16xf32>
          %min3A_1738 = arith.minimumf %min3A_1737, %max3A_1736 : vector<1x16xf32>
          %mul3A_1739 = arith.constant 6.400000e+01 : f32
          %mul3A_1740 = vector.broadcast %mul3A_1739 : f32 to vector<1x16xf32>
          %mul3A_1741 = arith.mulf %min3A_1738, %mul3A_1740 : vector<1x16xf32>
          %sub3A_1742 = arith.constant 6.400000e+01 : f32
          %sub3A_1743 = vector.broadcast %sub3A_1742 : f32 to vector<1x16xf32>
          %sub3A_1744 = arith.subf %mul3A_1741, %sub3A_1743 : vector<1x16xf32>
          %exp3A_1745 = math.exp %sub3A_1744 : vector<1x16xf32>
          %add3A_1746 = arith.addf %exp3A_1724, %exp3A_1745 : vector<1x16xf32>
          %get3A_1747 = arith.constant 0 : i32
          %get3A_1748 = arith.constant 0 : i32
          %get3A_1749 = tpu.memref_slice %run_scoped3A[%rem3A_317, %get3A_1747, %get3A_1748] : memref<2x8x1024xf32, #tpu.memory_space<vmem>> -> memref<1x8x1024xf32, #tpu.memory_space<vmem>>
          %get3A_1750 = tpu.memref_squeeze %get3A_1749 : memref<1x8x1024xf32, #tpu.memory_space<vmem>> -> memref<8x1024xf32, #tpu.memory_space<vmem>>
          %get3A_1751 = arith.index_cast %add3A_420 : i32 to index
          %get3A_1752 = arith.constant 368 : index
          %get3A_1753 = tpu.vector_load %get3A_1750[%get3A_1751, %get3A_1752] {strides = array<i32>} : memref<8x1024xf32, #tpu.memory_space<vmem>>, vector<1x16xf32>,
          %get3A_1754 = vector.shape_cast %get3A_1753 : vector<1x16xf32> to vector<1x16xf32>
          %jit3A_1755 = arith.constant -1.000000e+00 : f32
          %jit3A_1756 = arith.constant 1.000000e+00 : f32
          %max3A_1757 = vector.broadcast %jit3A_1755 : f32 to vector<1x16xf32>
          %max3A_1758 = arith.maximumf %max3A_1757, %get3A_1754 : vector<1x16xf32>
          %min3A_1759 = vector.broadcast %jit3A_1756 : f32 to vector<1x16xf32>
          %min3A_1760 = arith.minimumf %min3A_1759, %max3A_1758 : vector<1x16xf32>
          %mul3A_1761 = arith.constant 6.400000e+01 : f32
          %mul3A_1762 = vector.broadcast %mul3A_1761 : f32 to vector<1x16xf32>
          %mul3A_1763 = arith.mulf %min3A_1760, %mul3A_1762 : vector<1x16xf32>
          %sub3A_1764 = arith.constant 6.400000e+01 : f32
          %sub3A_1765 = vector.broadcast %sub3A_1764 : f32 to vector<1x16xf32>
          %sub3A_1766 = arith.subf %mul3A_1763, %sub3A_1765 : vector<1x16xf32>
          %exp3A_1767 = math.exp %sub3A_1766 : vector<1x16xf32>
          %add3A_1768 = arith.addf %add3A_1746, %exp3A_1767 : vector<1x16xf32>
          %get3A_1769 = arith.constant 0 : i32
          %get3A_1770 = arith.constant 0 : i32
          %get3A_1771 = tpu.memref_slice %run_scoped3A[%rem3A_317, %get3A_1769, %get3A_1770] : memref<2x8x1024xf32, #tpu.memory_space<vmem>> -> memref<1x8x1024xf32, #tpu.memory_space<vmem>>
          %get3A_1772 = tpu.memref_squeeze %get3A_1771 : memref<1x8x1024xf32, #tpu.memory_space<vmem>> -> memref<8x1024xf32, #tpu.memory_space<vmem>>
          %get3A_1773 = arith.index_cast %add3A_420 : i32 to index
          %get3A_1774 = arith.constant 496 : index
          %get3A_1775 = tpu.vector_load %get3A_1772[%get3A_1773, %get3A_1774] {strides = array<i32>} : memref<8x1024xf32, #tpu.memory_space<vmem>>, vector<1x16xf32>,
          %get3A_1776 = vector.shape_cast %get3A_1775 : vector<1x16xf32> to vector<1x16xf32>
          %jit3A_1777 = arith.constant -1.000000e+00 : f32
          %jit3A_1778 = arith.constant 1.000000e+00 : f32
          %max3A_1779 = vector.broadcast %jit3A_1777 : f32 to vector<1x16xf32>
          %max3A_1780 = arith.maximumf %max3A_1779, %get3A_1776 : vector<1x16xf32>
          %min3A_1781 = vector.broadcast %jit3A_1778 : f32 to vector<1x16xf32>
          %min3A_1782 = arith.minimumf %min3A_1781, %max3A_1780 : vector<1x16xf32>
          %mul3A_1783 = arith.constant 6.400000e+01 : f32
          %mul3A_1784 = vector.broadcast %mul3A_1783 : f32 to vector<1x16xf32>
          %mul3A_1785 = arith.mulf %min3A_1782, %mul3A_1784 : vector<1x16xf32>
          %sub3A_1786 = arith.constant 6.400000e+01 : f32
          %sub3A_1787 = vector.broadcast %sub3A_1786 : f32 to vector<1x16xf32>
          %sub3A_1788 = arith.subf %mul3A_1785, %sub3A_1787 : vector<1x16xf32>
          %exp3A_1789 = math.exp %sub3A_1788 : vector<1x16xf32>
          %add3A_1790 = arith.addf %add3A_1768, %exp3A_1789 : vector<1x16xf32>
          %get3A_1791 = arith.constant 0 : i32
          %get3A_1792 = arith.constant 0 : i32
          %get3A_1793 = tpu.memref_slice %run_scoped3A[%rem3A_317, %get3A_1791, %get3A_1792] : memref<2x8x1024xf32, #tpu.memory_space<vmem>> -> memref<1x8x1024xf32, #tpu.memory_space<vmem>>
          %get3A_1794 = tpu.memref_squeeze %get3A_1793 : memref<1x8x1024xf32, #tpu.memory_space<vmem>> -> memref<8x1024xf32, #tpu.memory_space<vmem>>
          %get3A_1795 = arith.index_cast %add3A_420 : i32 to index
          %get3A_1796 = arith.constant 624 : index
          %get3A_1797 = tpu.vector_load %get3A_1794[%get3A_1795, %get3A_1796] {strides = array<i32>} : memref<8x1024xf32, #tpu.memory_space<vmem>>, vector<1x16xf32>,
          %get3A_1798 = vector.shape_cast %get3A_1797 : vector<1x16xf32> to vector<1x16xf32>
          %jit3A_1799 = arith.constant -1.000000e+00 : f32
          %jit3A_1800 = arith.constant 1.000000e+00 : f32
          %max3A_1801 = vector.broadcast %jit3A_1799 : f32 to vector<1x16xf32>
          %max3A_1802 = arith.maximumf %max3A_1801, %get3A_1798 : vector<1x16xf32>
          %min3A_1803 = vector.broadcast %jit3A_1800 : f32 to vector<1x16xf32>
          %min3A_1804 = arith.minimumf %min3A_1803, %max3A_1802 : vector<1x16xf32>
          %mul3A_1805 = arith.constant 6.400000e+01 : f32
          %mul3A_1806 = vector.broadcast %mul3A_1805 : f32 to vector<1x16xf32>
          %mul3A_1807 = arith.mulf %min3A_1804, %mul3A_1806 : vector<1x16xf32>
          %sub3A_1808 = arith.constant 6.400000e+01 : f32
          %sub3A_1809 = vector.broadcast %sub3A_1808 : f32 to vector<1x16xf32>
          %sub3A_1810 = arith.subf %mul3A_1807, %sub3A_1809 : vector<1x16xf32>
          %exp3A_1811 = math.exp %sub3A_1810 : vector<1x16xf32>
          %add3A_1812 = arith.addf %add3A_1790, %exp3A_1811 : vector<1x16xf32>
          %get3A_1813 = arith.constant 0 : i32
          %get3A_1814 = arith.constant 0 : i32
          %get3A_1815 = tpu.memref_slice %run_scoped3A[%rem3A_317, %get3A_1813, %get3A_1814] : memref<2x8x1024xf32, #tpu.memory_space<vmem>> -> memref<1x8x1024xf32, #tpu.memory_space<vmem>>
          %get3A_1816 = tpu.memref_squeeze %get3A_1815 : memref<1x8x1024xf32, #tpu.memory_space<vmem>> -> memref<8x1024xf32, #tpu.memory_space<vmem>>
          %get3A_1817 = arith.index_cast %add3A_420 : i32 to index
          %get3A_1818 = arith.constant 752 : index
          %get3A_1819 = tpu.vector_load %get3A_1816[%get3A_1817, %get3A_1818] {strides = array<i32>} : memref<8x1024xf32, #tpu.memory_space<vmem>>, vector<1x16xf32>,
          %get3A_1820 = vector.shape_cast %get3A_1819 : vector<1x16xf32> to vector<1x16xf32>
          %jit3A_1821 = arith.constant -1.000000e+00 : f32
          %jit3A_1822 = arith.constant 1.000000e+00 : f32
          %max3A_1823 = vector.broadcast %jit3A_1821 : f32 to vector<1x16xf32>
          %max3A_1824 = arith.maximumf %max3A_1823, %get3A_1820 : vector<1x16xf32>
          %min3A_1825 = vector.broadcast %jit3A_1822 : f32 to vector<1x16xf32>
          %min3A_1826 = arith.minimumf %min3A_1825, %max3A_1824 : vector<1x16xf32>
          %mul3A_1827 = arith.constant 6.400000e+01 : f32
          %mul3A_1828 = vector.broadcast %mul3A_1827 : f32 to vector<1x16xf32>
          %mul3A_1829 = arith.mulf %min3A_1826, %mul3A_1828 : vector<1x16xf32>
          %sub3A_1830 = arith.constant 6.400000e+01 : f32
          %sub3A_1831 = vector.broadcast %sub3A_1830 : f32 to vector<1x16xf32>
          %sub3A_1832 = arith.subf %mul3A_1829, %sub3A_1831 : vector<1x16xf32>
          %exp3A_1833 = math.exp %sub3A_1832 : vector<1x16xf32>
          %add3A_1834 = arith.addf %add3A_1812, %exp3A_1833 : vector<1x16xf32>
          %get3A_1835 = arith.constant 0 : i32
          %get3A_1836 = arith.constant 0 : i32
          %get3A_1837 = tpu.memref_slice %run_scoped3A[%rem3A_317, %get3A_1835, %get3A_1836] : memref<2x8x1024xf32, #tpu.memory_space<vmem>> -> memref<1x8x1024xf32, #tpu.memory_space<vmem>>
          %get3A_1838 = tpu.memref_squeeze %get3A_1837 : memref<1x8x1024xf32, #tpu.memory_space<vmem>> -> memref<8x1024xf32, #tpu.memory_space<vmem>>
          %get3A_1839 = arith.index_cast %add3A_420 : i32 to index
          %get3A_1840 = arith.constant 880 : index
          %get3A_1841 = tpu.vector_load %get3A_1838[%get3A_1839, %get3A_1840] {strides = array<i32>} : memref<8x1024xf32, #tpu.memory_space<vmem>>, vector<1x16xf32>,
          %get3A_1842 = vector.shape_cast %get3A_1841 : vector<1x16xf32> to vector<1x16xf32>
          %jit3A_1843 = arith.constant -1.000000e+00 : f32
          %jit3A_1844 = arith.constant 1.000000e+00 : f32
          %max3A_1845 = vector.broadcast %jit3A_1843 : f32 to vector<1x16xf32>
          %max3A_1846 = arith.maximumf %max3A_1845, %get3A_1842 : vector<1x16xf32>
          %min3A_1847 = vector.broadcast %jit3A_1844 : f32 to vector<1x16xf32>
          %min3A_1848 = arith.minimumf %min3A_1847, %max3A_1846 : vector<1x16xf32>
          %mul3A_1849 = arith.constant 6.400000e+01 : f32
          %mul3A_1850 = vector.broadcast %mul3A_1849 : f32 to vector<1x16xf32>
          %mul3A_1851 = arith.mulf %min3A_1848, %mul3A_1850 : vector<1x16xf32>
          %sub3A_1852 = arith.constant 6.400000e+01 : f32
          %sub3A_1853 = vector.broadcast %sub3A_1852 : f32 to vector<1x16xf32>
          %sub3A_1854 = arith.subf %mul3A_1851, %sub3A_1853 : vector<1x16xf32>
          %exp3A_1855 = math.exp %sub3A_1854 : vector<1x16xf32>
          %add3A_1856 = arith.addf %add3A_1834, %exp3A_1855 : vector<1x16xf32>
          %get3A_1857 = arith.constant 0 : i32
          %get3A_1858 = arith.constant 0 : i32
          %get3A_1859 = tpu.memref_slice %run_scoped3A[%rem3A_317, %get3A_1857, %get3A_1858] : memref<2x8x1024xf32, #tpu.memory_space<vmem>> -> memref<1x8x1024xf32, #tpu.memory_space<vmem>>
          %get3A_1860 = tpu.memref_squeeze %get3A_1859 : memref<1x8x1024xf32, #tpu.memory_space<vmem>> -> memref<8x1024xf32, #tpu.memory_space<vmem>>
          %get3A_1861 = arith.index_cast %add3A_420 : i32 to index
          %get3A_1862 = arith.constant 1008 : index
          %get3A_1863 = tpu.vector_load %get3A_1860[%get3A_1861, %get3A_1862] {strides = array<i32>} : memref<8x1024xf32, #tpu.memory_space<vmem>>, vector<1x16xf32>,
          %get3A_1864 = vector.shape_cast %get3A_1863 : vector<1x16xf32> to vector<1x16xf32>
          %jit3A_1865 = arith.constant -1.000000e+00 : f32
          %jit3A_1866 = arith.constant 1.000000e+00 : f32
          %max3A_1867 = vector.broadcast %jit3A_1865 : f32 to vector<1x16xf32>
          %max3A_1868 = arith.maximumf %max3A_1867, %get3A_1864 : vector<1x16xf32>
          %min3A_1869 = vector.broadcast %jit3A_1866 : f32 to vector<1x16xf32>
          %min3A_1870 = arith.minimumf %min3A_1869, %max3A_1868 : vector<1x16xf32>
          %mul3A_1871 = arith.constant 6.400000e+01 : f32
          %mul3A_1872 = vector.broadcast %mul3A_1871 : f32 to vector<1x16xf32>
          %mul3A_1873 = arith.mulf %min3A_1870, %mul3A_1872 : vector<1x16xf32>
          %sub3A_1874 = arith.constant 6.400000e+01 : f32
          %sub3A_1875 = vector.broadcast %sub3A_1874 : f32 to vector<1x16xf32>
          %sub3A_1876 = arith.subf %mul3A_1873, %sub3A_1875 : vector<1x16xf32>
          %exp3A_1877 = math.exp %sub3A_1876 : vector<1x16xf32>
          %add3A_1878 = arith.addf %add3A_1856, %exp3A_1877 : vector<1x16xf32>
          %swap3A_1879 = arith.constant 0 : i32
          %swap3A_1880 = arith.constant 0 : i32
          %swap3A_1881 = tpu.memref_slice %run_scoped3A_8[%rem3A_319, %swap3A_1879, %swap3A_1880] : memref<2x8x128xf32, #tpu.memory_space<vmem>> -> memref<1x8x128xf32, #tpu.memory_space<vmem>>
          %swap3A_1882 = tpu.memref_squeeze %swap3A_1881 : memref<1x8x128xf32, #tpu.memory_space<vmem>> -> memref<8x128xf32, #tpu.memory_space<vmem>>
          %swap3A_1883 = arith.index_cast %add3A_420 : i32 to index
          %swap3A_1884 = arith.constant 112 : index
          %swap3A_1885 = tpu.vector_load %swap3A_1882[%swap3A_1883, %swap3A_1884] {strides = array<i32>} : memref<8x128xf32, #tpu.memory_space<vmem>>, vector<1x16xf32>,
          %swap3A_1886 = vector.shape_cast %swap3A_1885 : vector<1x16xf32> to vector<1x16xf32>
          %swap3A_1887 = vector.shape_cast %add3A_1878 : vector<1x16xf32> to vector<1x16xf32>
          tpu.vector_store %swap3A_1882[%swap3A_1883, %swap3A_1884], %swap3A_1887 {strides = array<i32>} : memref<8x128xf32, #tpu.memory_space<vmem>>, vector<1x16xf32>,
        }
        %scan3A_324 = arith.constant 8 : i32
        "tpu.trace_stop"() : () -> ()
        %add3A_325 = arith.constant 96 : i32
        %add3A_326 = arith.addi %add3A_325, %add3A_209 : i32
        %add3A_327 = arith.constant 96 : i32
        %add3A_328 = arith.addi %add3A_327, %add3A_247 : i32
        %ne3A_329 = arith.cmpi ne, %add3A_326, %add3A_328 : i32
        %ne3A_330 = arith.cmpi ne, %add3A_211, %add3A_249 : i32
        %or3A_331 = arith.constant false
        %or3A_332 = arith.ori %or3A_331, %ne3A_329 : i1
        %or3A_333 = arith.ori %or3A_332, %ne3A_330 : i1
        %or3A_334 = arith.ori %or3A_333, %eq3A_207 : i1
        %convert_element_type3A_335 = arith.extui %or3A_334 : i1 to i32
        %cond3A_336 = arith.constant 0 : i32
        %cond3A_337 = arith.cmpi ne, %convert_element_type3A_335, %cond3A_336 : i32
        scf.if %cond3A_337 {
        } else {
        }
        %and3A_338 = arith.constant false
        %and3A_339 = arith.andi %or3A_334, %and3A_338 : i1
        %ne3A_340 = arith.cmpi ne, %add3A_209, %add3A_247 : i32
        %ne3A_341 = arith.cmpi ne, %add3A_211, %add3A_249 : i32
        %or3A_342 = arith.constant false
        %or3A_343 = arith.ori %or3A_342, %ne3A_340 : i1
        %or3A_344 = arith.ori %or3A_343, %ne3A_341 : i1
        %or3A_345 = arith.ori %or3A_344, %eq3A_207 : i1
        %convert_element_type3A_346 = arith.extui %or3A_345 : i1 to i32
        %cond3A_347 = arith.constant 0 : i32
        %cond3A_348 = arith.cmpi ne, %convert_element_type3A_346, %cond3A_347 : i32
        scf.if %cond3A_348 {
          "tpu.trace_start"() <{level = 10 : i32, message = "ep_copy_out"}> : () -> ()
          %rem3A_416 = arith.constant 2 : i32
          %rem3A_417 = arith.remui %scan3A_200, %rem3A_416 : i32
          %mul3A_418 = arith.constant 8 : i32
          %mul3A_419 = arith.muli %mul3A_418, %add3A_209 : i32
          %mul3A_420 = arith.constant 128 : i32
          %mul3A_421 = arith.muli %mul3A_420, %add3A_211 : i32
          %dma_start3A_422 = arith.constant 0 : i32
          %dma_start3A_423 = arith.constant 0 : i32
          %dma_start3A_424 = tpu.memref_slice %run_scoped3A_8[%rem3A_417, %dma_start3A_422, %dma_start3A_423] : memref<2x8x128xf32, #tpu.memory_space<vmem>> -> memref<1x8x128xf32, #tpu.memory_space<vmem>>
          %dma_start3A_425 = tpu.memref_squeeze %dma_start3A_424 : memref<1x8x128xf32, #tpu.memory_space<vmem>> -> memref<8x128xf32, #tpu.memory_space<vmem>>
          %dma_start3A_426 = tpu.memref_slice %arg3[%mul3A_419, %mul3A_421] : memref<256x12416xf32, #tpu.memory_space<hbm>> -> memref<8x128xf32, #tpu.memory_space<hbm>>
          %dma_start3A_427 = tpu.memref_slice %run_scoped3A_9[%rem3A_417] : memref<2x!tpu.dma_semaphore, #tpu.memory_space<semaphore_mem>> -> memref<1x!tpu.dma_semaphore, #tpu.memory_space<semaphore_mem>>
          %dma_start3A_428 = tpu.memref_squeeze %dma_start3A_427 : memref<1x!tpu.dma_semaphore, #tpu.memory_space<semaphore_mem>> -> memref<!tpu.dma_semaphore, #tpu.memory_space<semaphore_mem>>
          %dma_start3A_429 = tpu.memref_slice %arg3[%mul3A_419, %mul3A_421] : memref<256x12416xf32, #tpu.memory_space<hbm>> -> memref<8x128xf32, #tpu.memory_space<hbm>>
          %dma_start3A_430 = arith.constant 0 : i32
          %dma_start3A_431 = arith.constant 0 : i32
          %dma_start3A_432 = tpu.memref_slice %run_scoped3A_8[%rem3A_417, %dma_start3A_430, %dma_start3A_431] : memref<2x8x128xf32, #tpu.memory_space<vmem>> -> memref<1x8x128xf32, #tpu.memory_space<vmem>>
          %dma_start3A_433 = tpu.memref_squeeze %dma_start3A_432 : memref<1x8x128xf32, #tpu.memory_space<vmem>> -> memref<8x128xf32, #tpu.memory_space<vmem>>
          tpu.enqueue_dma source(%dma_start3A_433 : memref<8x128xf32, #tpu.memory_space<vmem>>) target(%dma_start3A_429 : memref<8x128xf32, #tpu.memory_space<hbm>>) target_semaphore(%dma_start3A_428 : memref<!tpu.dma_semaphore, #tpu.memory_space<semaphore_mem>>)
          "tpu.trace_stop"() : () -> ()
        } else {
        }
        %and3A_349 = arith.constant true
        %and3A_350 = arith.andi %or3A_345, %and3A_349 : i1
        %add3A_351 = arith.constant 1 : i32
        %add3A_352 = arith.addi %scan3A_200, %add3A_351 : i32
        %select_n3A_353 = arith.select %and3A_350, %add3A_352, %scan3A_200 : i32
        %add3A_354 = arith.constant 96 : i32
        %add3A_355 = arith.addi %add3A_354, %add3A_209 : i32
        %add3A_356 = arith.constant 96 : i32
        %add3A_357 = arith.addi %add3A_356, %add3A_228 : i32
        %ne3A_358 = arith.cmpi ne, %add3A_355, %add3A_357 : i32
        %ne3A_359 = arith.cmpi ne, %add3A_211, %add3A_230 : i32
        %or3A_360 = arith.constant false
        %or3A_361 = arith.ori %or3A_360, %ne3A_358 : i1
        %or3A_362 = arith.ori %or3A_361, %ne3A_359 : i1
        %not3A_363 = arith.constant true
        %not3A_364 = arith.xori %eq3A_205, %not3A_363 : i1
        %and3A_365 = arith.andi %or3A_362, %not3A_364 : i1
        %convert_element_type3A_366 = arith.extui %and3A_365 : i1 to i32
        %cond3A_367 = arith.constant 0 : i32
        %cond3A_368 = arith.cmpi ne, %convert_element_type3A_366, %cond3A_367 : i32
        scf.if %cond3A_368 {
        } else {
        }
        %and3A_369 = arith.constant false
        %and3A_370 = arith.andi %and3A_365, %and3A_369 : i1
        %ne3A_371 = arith.cmpi ne, %add3A_209, %add3A_228 : i32
        %ne3A_372 = arith.cmpi ne, %add3A_211, %add3A_230 : i32
        %or3A_373 = arith.constant false
        %or3A_374 = arith.ori %or3A_373, %ne3A_371 : i1
        %or3A_375 = arith.ori %or3A_374, %ne3A_372 : i1
        %not3A_376 = arith.constant true
        %not3A_377 = arith.xori %eq3A_205, %not3A_376 : i1
        %and3A_378 = arith.andi %or3A_375, %not3A_377 : i1
        %convert_element_type3A_379 = arith.extui %and3A_378 : i1 to i32
        %cond3A_380 = arith.constant 0 : i32
        %cond3A_381 = arith.cmpi ne, %convert_element_type3A_379, %cond3A_380 : i32
        scf.if %cond3A_381 {
          "tpu.trace_start"() <{level = 10 : i32, message = "ep_wait_out"}> : () -> ()
          %rem3A_416 = arith.constant 2 : i32
          %rem3A_417 = arith.remui %scan3A_201, %rem3A_416 : i32
          %mul3A_418 = arith.constant 8 : i32
          %mul3A_419 = arith.muli %mul3A_418, %add3A_228 : i32
          %mul3A_420 = arith.constant 128 : i32
          %mul3A_421 = arith.muli %mul3A_420, %add3A_230 : i32
          %dma_wait3A_422 = arith.constant 0 : i32
          %dma_wait3A_423 = arith.constant 0 : i32
          %dma_wait3A_424 = tpu.memref_slice %run_scoped3A_8[%rem3A_417, %dma_wait3A_422, %dma_wait3A_423] : memref<2x8x128xf32, #tpu.memory_space<vmem>> -> memref<1x8x128xf32, #tpu.memory_space<vmem>>
          %dma_wait3A_425 = tpu.memref_squeeze %dma_wait3A_424 : memref<1x8x128xf32, #tpu.memory_space<vmem>> -> memref<8x128xf32, #tpu.memory_space<vmem>>
          %dma_wait3A_426 = tpu.memref_slice %arg3[%mul3A_419, %mul3A_421] : memref<256x12416xf32, #tpu.memory_space<hbm>> -> memref<8x128xf32, #tpu.memory_space<hbm>>
          %dma_wait3A_427 = tpu.memref_slice %run_scoped3A_9[%rem3A_417] : memref<2x!tpu.dma_semaphore, #tpu.memory_space<semaphore_mem>> -> memref<1x!tpu.dma_semaphore, #tpu.memory_space<semaphore_mem>>
          %dma_wait3A_428 = tpu.memref_squeeze %dma_wait3A_427 : memref<1x!tpu.dma_semaphore, #tpu.memory_space<semaphore_mem>> -> memref<!tpu.dma_semaphore, #tpu.memory_space<semaphore_mem>>
          %dma_wait3A_429 = tpu.memref_slice %arg3[%mul3A_419, %mul3A_421] : memref<256x12416xf32, #tpu.memory_space<hbm>> -> memref<8x128xf32, #tpu.memory_space<hbm>>
          %dma_wait3A_430 = arith.constant 0 : i32
          %dma_wait3A_431 = arith.constant 0 : i32
          %dma_wait3A_432 = tpu.memref_slice %run_scoped3A_8[%rem3A_417, %dma_wait3A_430, %dma_wait3A_431] : memref<2x8x128xf32, #tpu.memory_space<vmem>> -> memref<1x8x128xf32, #tpu.memory_space<vmem>>
          %dma_wait3A_433 = tpu.memref_squeeze %dma_wait3A_432 : memref<1x8x128xf32, #tpu.memory_space<vmem>> -> memref<8x128xf32, #tpu.memory_space<vmem>>
          tpu.wait_dma2 semaphore(%dma_wait3A_428 : memref<!tpu.dma_semaphore, #tpu.memory_space<semaphore_mem>>) src(%dma_wait3A_433 : memref<8x128xf32, #tpu.memory_space<vmem>>) dst(%dma_wait3A_429 : memref<8x128xf32, #tpu.memory_space<hbm>>)
          "tpu.trace_stop"() : () -> ()
        } else {
        }
        %and3A_382 = arith.constant true
        %and3A_383 = arith.andi %and3A_378, %and3A_382 : i1
        %add3A_384 = arith.constant 1 : i32
        %add3A_385 = arith.addi %scan3A_201, %add3A_384 : i32
        %select_n3A_386 = arith.select %and3A_383, %add3A_385, %scan3A_201 : i32
        %add3A_387 = arith.constant 96 : i32
        %add3A_388 = arith.addi %add3A_387, %add3A_209 : i32
        %add3A_389 = arith.constant 96 : i32
        %add3A_390 = arith.addi %add3A_389, %add3A_247 : i32
        %ne3A_391 = arith.cmpi ne, %add3A_388, %add3A_390 : i32
        %ne3A_392 = arith.cmpi ne, %add3A_211, %add3A_249 : i32
        %or3A_393 = arith.constant false
        %or3A_394 = arith.ori %or3A_393, %ne3A_391 : i1
        %or3A_395 = arith.ori %or3A_394, %ne3A_392 : i1
        %or3A_396 = arith.ori %or3A_395, %eq3A_207 : i1
        %add3A_397 = arith.constant 1 : i32
        %add3A_398 = arith.addi %scan3A_199, %add3A_397 : i32
        %select_n3A_399 = arith.select %or3A_396, %add3A_398, %scan3A_199 : i32
        %add3A_400 = arith.constant 1 : i32
        %add3A_401 = arith.addi %scan3A_203, %add3A_400 : i32
        %select_n3A_402 = arith.constant true
        %select_n3A_403 = arith.select %select_n3A_402, %add3A_401, %scan3A_203 : i32
        %eq3A_404 = arith.constant 97 : i32
        %eq3A_405 = arith.cmpi eq, %select_n3A_403, %eq3A_404 : i32
        %select_n3A_406 = arith.constant 0 : i32
        %select_n3A_407 = arith.select %eq3A_405, %select_n3A_406, %select_n3A_403 : i32
        %select_n3A_408 = arith.constant 0 : i32
        %select_n3A_409 = arith.constant 1 : i32
        %select_n3A_410 = arith.select %eq3A_405, %select_n3A_409, %select_n3A_408 : i32
        %eq3A_411 = arith.constant 1 : i32
        %eq3A_412 = arith.cmpi eq, %select_n3A_410, %eq3A_411 : i32
        %select_n3A_413 = arith.constant 0 : i32
        %select_n3A_414 = arith.select %eq3A_412, %select_n3A_413, %select_n3A_410 : i32
        %scan3A_415 = arith.constant 0 : i32
        scf.yield %select_n3A_283, %select_n3A_399, %select_n3A_353, %select_n3A_386, %scan3A_415, %select_n3A_407 : i32, i32, i32, i32, i32, i32
      }
      %scan3A_104 = arith.constant 97 : i32
      %sub3A = arith.constant 1 : i32
      %sub3A_105 = arith.subi %scan3A_103#5, %sub3A : i32
      %select_n3A_106 = arith.constant true
      %select_n3A_107 = arith.select %select_n3A_106, %sub3A_105, %scan3A_103#5 : i32
      %eq3A_108 = arith.constant -1 : i32
      %eq3A_109 = arith.cmpi eq, %select_n3A_107, %eq3A_108 : i32
      %select_n3A_110 = arith.constant 96 : i32
      %select_n3A_111 = arith.select %eq3A_109, %select_n3A_110, %select_n3A_107 : i32
      %sub3A_112 = arith.constant 1 : i32
      %sub3A_113 = arith.subi %scan3A_103#4, %sub3A_112 : i32
      %select_n3A_114 = arith.select %eq3A_109, %sub3A_113, %scan3A_103#4 : i32
      %eq3A_115 = arith.constant -1 : i32
      %eq3A_116 = arith.cmpi eq, %select_n3A_114, %eq3A_115 : i32
      %select_n3A_117 = arith.constant 0 : i32
      %select_n3A_118 = arith.select %eq3A_116, %select_n3A_117, %select_n3A_114 : i32
      %add3A_119 = arith.constant 0 : i32
      %add3A_120 = arith.addi %add3A_119, %mul3A_6 : i32
      %add3A_121 = arith.constant 0 : i32
      %add3A_122 = arith.addi %select_n3A_111, %add3A_121 : i32
      %sub3A_123 = arith.constant 1 : i32
      %sub3A_124 = arith.subi %select_n3A_111, %sub3A_123 : i32
      %select_n3A_125 = arith.constant true
      %select_n3A_126 = arith.select %select_n3A_125, %sub3A_124, %select_n3A_111 : i32
      %eq3A_127 = arith.constant -1 : i32
      %eq3A_128 = arith.cmpi eq, %select_n3A_126, %eq3A_127 : i32
      %select_n3A_129 = arith.constant 96 : i32
      %select_n3A_130 = arith.select %eq3A_128, %select_n3A_129, %select_n3A_126 : i32
      %select_n3A_131 = arith.constant 0 : i32
      %select_n3A_132 = arith.constant -1 : i32
      %select_n3A_133 = arith.select %eq3A_128, %select_n3A_132, %select_n3A_131 : i32
      %eq3A_134 = arith.constant -1 : i32
      %eq3A_135 = arith.cmpi eq, %select_n3A_133, %eq3A_134 : i32
      %select_n3A_136 = arith.constant 0 : i32
      %select_n3A_137 = arith.select %eq3A_135, %select_n3A_136, %select_n3A_133 : i32
      %add3A_138 = arith.constant 0 : i32
      %add3A_139 = arith.addi %add3A_138, %mul3A_6 : i32
      %add3A_140 = arith.constant 0 : i32
      %add3A_141 = arith.addi %select_n3A_130, %add3A_140 : i32
      %add3A_142 = arith.constant 1 : i32
      %add3A_143 = arith.addi %select_n3A_111, %add3A_142 : i32
      %select_n3A_144 = arith.constant true
      %select_n3A_145 = arith.select %select_n3A_144, %add3A_143, %select_n3A_111 : i32
      %eq3A_146 = arith.constant 97 : i32
      %eq3A_147 = arith.cmpi eq, %select_n3A_145, %eq3A_146 : i32
      %select_n3A_148 = arith.constant 0 : i32
      %select_n3A_149 = arith.select %eq3A_147, %select_n3A_148, %select_n3A_145 : i32
      %select_n3A_150 = arith.constant 0 : i32
      %select_n3A_151 = arith.constant 1 : i32
      %select_n3A_152 = arith.select %eq3A_147, %select_n3A_151, %select_n3A_150 : i32
      %eq3A_153 = arith.constant 1 : i32
      %eq3A_154 = arith.cmpi eq, %select_n3A_152, %eq3A_153 : i32
      %select_n3A_155 = arith.constant 0 : i32
      %select_n3A_156 = arith.select %eq3A_154, %select_n3A_155, %select_n3A_152 : i32
      %add3A_157 = arith.constant 0 : i32
      %add3A_158 = arith.addi %add3A_157, %mul3A_6 : i32
      %add3A_159 = arith.constant 0 : i32
      %add3A_160 = arith.addi %select_n3A_149, %add3A_159 : i32
      %add3A_161 = arith.constant 1 : i32
      %add3A_162 = arith.addi %select_n3A_149, %add3A_161 : i32
      %select_n3A_163 = arith.constant true
      %select_n3A_164 = arith.select %select_n3A_163, %add3A_162, %select_n3A_149 : i32
      %eq3A_165 = arith.constant 97 : i32
      %eq3A_166 = arith.cmpi eq, %select_n3A_164, %eq3A_165 : i32
      %select_n3A_167 = arith.constant 0 : i32
      %select_n3A_168 = arith.select %eq3A_166, %select_n3A_167, %select_n3A_164 : i32
      %select_n3A_169 = arith.constant 0 : i32
      %select_n3A_170 = arith.constant 1 : i32
      %select_n3A_171 = arith.select %eq3A_166, %select_n3A_170, %select_n3A_169 : i32
      %eq3A_172 = arith.constant 1 : i32
      %eq3A_173 = arith.cmpi eq, %select_n3A_171, %eq3A_172 : i32
      %select_n3A_174 = arith.constant 0 : i32
      %select_n3A_175 = arith.select %eq3A_173, %select_n3A_174, %select_n3A_171 : i32
      %add3A_176 = arith.constant 0 : i32
      %add3A_177 = arith.addi %add3A_176, %mul3A_6 : i32
      %add3A_178 = arith.constant 0 : i32
      %add3A_179 = arith.addi %select_n3A_168, %add3A_178 : i32
      "tpu.trace_start"() <{level = 10 : i32, message = "ep_finalize"}> : () -> ()
      %rem3A_180 = arith.constant 2 : i32
      %rem3A_181 = arith.remui %scan3A_103#3, %rem3A_180 : i32
      %mul3A_182 = arith.constant 8 : i32
      %mul3A_183 = arith.muli %mul3A_182, %add3A_120 : i32
      %mul3A_184 = arith.constant 128 : i32
      %mul3A_185 = arith.muli %mul3A_184, %add3A_122 : i32
      %dma_wait3A = arith.constant 0 : i32
      %dma_wait3A_186 = arith.constant 0 : i32
      %dma_wait3A_187 = tpu.memref_slice %run_scoped3A_8[%rem3A_181, %dma_wait3A, %dma_wait3A_186] : memref<2x8x128xf32, #tpu.memory_space<vmem>> -> memref<1x8x128xf32, #tpu.memory_space<vmem>>
      %dma_wait3A_188 = tpu.memref_squeeze %dma_wait3A_187 : memref<1x8x128xf32, #tpu.memory_space<vmem>> -> memref<8x128xf32, #tpu.memory_space<vmem>>
      %dma_wait3A_189 = tpu.memref_slice %arg3[%mul3A_183, %mul3A_185] : memref<256x12416xf32, #tpu.memory_space<hbm>> -> memref<8x128xf32, #tpu.memory_space<hbm>>
      %dma_wait3A_190 = tpu.memref_slice %run_scoped3A_9[%rem3A_181] : memref<2x!tpu.dma_semaphore, #tpu.memory_space<semaphore_mem>> -> memref<1x!tpu.dma_semaphore, #tpu.memory_space<semaphore_mem>>
      %dma_wait3A_191 = tpu.memref_squeeze %dma_wait3A_190 : memref<1x!tpu.dma_semaphore, #tpu.memory_space<semaphore_mem>> -> memref<!tpu.dma_semaphore, #tpu.memory_space<semaphore_mem>>
      %dma_wait3A_192 = tpu.memref_slice %arg3[%mul3A_183, %mul3A_185] : memref<256x12416xf32, #tpu.memory_space<hbm>> -> memref<8x128xf32, #tpu.memory_space<hbm>>
      %dma_wait3A_193 = arith.constant 0 : i32
      %dma_wait3A_194 = arith.constant 0 : i32
      %dma_wait3A_195 = tpu.memref_slice %run_scoped3A_8[%rem3A_181, %dma_wait3A_193, %dma_wait3A_194] : memref<2x8x128xf32, #tpu.memory_space<vmem>> -> memref<1x8x128xf32, #tpu.memory_space<vmem>>
      %dma_wait3A_196 = tpu.memref_squeeze %dma_wait3A_195 : memref<1x8x128xf32, #tpu.memory_space<vmem>> -> memref<8x128xf32, #tpu.memory_space<vmem>>
      tpu.wait_dma2 semaphore(%dma_wait3A_191 : memref<!tpu.dma_semaphore, #tpu.memory_space<semaphore_mem>>) src(%dma_wait3A_196 : memref<8x128xf32, #tpu.memory_space<vmem>>) dst(%dma_wait3A_192 : memref<8x128xf32, #tpu.memory_space<hbm>>)
      "tpu.trace_stop"() : () -> ()
      tpu.yield
    }) : () -> ()
    return
  }
}

module attributes {stable_mosaic.version = 14 : i64} {
  func.func @_loss_body(%arg0: i32, %arg1: memref<32x1xi32, #tpu.memory_space<vmem>>, %arg2: memref<32x128xf32, #tpu.memory_space<vmem>>, %arg3: memref<32x100000xf32, #tpu.memory_space<vmem>>, %arg4: memref<1x1xf32, #tpu.memory_space<smem>>) attributes {dimension_semantics = [#tpu.dimension_semantics<arbitrary>], iteration_bounds = array<i64: 24>, scalar_prefetch = 0 : i64, scratch_operands = 0 : i64, tpu.core_type = #tpu.core_type<tc>, window_params = [{transform_indices = @transform_0, window_bounds = array<i64: 32, 1>}, {transform_indices = @transform_1, window_bounds = array<i64: 32, 128>}, {transform_indices = @transform_2, window_bounds = array<i64: 32, 100000>}, {transform_indices = @transform_3, window_bounds = array<i64: 1, 1>}]} {
    %broadcast_in_dim3A = arith.constant 0.000000e+00 : f32
    %broadcast_in_dim3A_0 = vector.broadcast %broadcast_in_dim3A : f32 to vector<32x128xf32>
    %scan3A = arith.constant 0 : i32
    %scan3A_1 = arith.constant 48 : i32
    %scan3A_2 = arith.addi %scan3A, %scan3A_1 : i32
    %scan3A_3 = arith.constant 4 : i32
    %scan3A_4 = scf.for %scan3A_85 = %scan3A to %scan3A_2 step %scan3A_3 iter_args(%scan3A_86 = %broadcast_in_dim3A_0) -> (vector<32x128xf32>)  : i32 {
      %mul3A_87 = arith.constant 2048 : i32
      %mul3A_88 = arith.muli %scan3A_85, %mul3A_87 : i32
      %get3A_89 = arith.constant 0 : index
      %get3A_90 = arith.index_cast %mul3A_88 : i32 to index
      %get3A_91 = vector.load %arg3[%get3A_89, %get3A_90] : memref<32x100000xf32, #tpu.memory_space<vmem>>, vector<32x2048xf32>
      %jit3A_92 = arith.constant -1.000000e+00 : f32
      %jit3A_93 = arith.constant 1.000000e+00 : f32
      %max3A_94 = vector.broadcast %jit3A_92 : f32 to vector<32x2048xf32>
      %max3A_95 = arith.maximumf %max3A_94, %get3A_91 : vector<32x2048xf32>
      %min3A_96 = vector.broadcast %jit3A_93 : f32 to vector<32x2048xf32>
      %min3A_97 = arith.minimumf %min3A_96, %max3A_95 : vector<32x2048xf32>
      %mul3A_98 = arith.constant 92.3324813 : f32
      %mul3A_99 = vector.broadcast %mul3A_98 : f32 to vector<32x2048xf32>
      %mul3A_100 = arith.mulf %min3A_97, %mul3A_99 : vector<32x2048xf32>
      %sub3A_101 = arith.constant 92.3324813 : f32
      %sub3A_102 = vector.broadcast %sub3A_101 : f32 to vector<32x2048xf32>
      %sub3A_103 = arith.subf %mul3A_100, %sub3A_102 : vector<32x2048xf32>
      %exp23A_104 = math.exp2 %sub3A_103 : vector<32x2048xf32>
      %slice3A = vector.extract_strided_slice %exp23A_104 {offsets = [0, 0], sizes = [32, 128], strides = [1, 1]} : vector<32x2048xf32> to vector<32x128xf32>
      %slice3A_105 = vector.extract_strided_slice %exp23A_104 {offsets = [0, 128], sizes = [32, 128], strides = [1, 1]} : vector<32x2048xf32> to vector<32x128xf32>
      %slice3A_106 = vector.extract_strided_slice %exp23A_104 {offsets = [0, 256], sizes = [32, 128], strides = [1, 1]} : vector<32x2048xf32> to vector<32x128xf32>
      %slice3A_107 = vector.extract_strided_slice %exp23A_104 {offsets = [0, 384], sizes = [32, 128], strides = [1, 1]} : vector<32x2048xf32> to vector<32x128xf32>
      %slice3A_108 = vector.extract_strided_slice %exp23A_104 {offsets = [0, 512], sizes = [32, 128], strides = [1, 1]} : vector<32x2048xf32> to vector<32x128xf32>
      %slice3A_109 = vector.extract_strided_slice %exp23A_104 {offsets = [0, 640], sizes = [32, 128], strides = [1, 1]} : vector<32x2048xf32> to vector<32x128xf32>
      %slice3A_110 = vector.extract_strided_slice %exp23A_104 {offsets = [0, 768], sizes = [32, 128], strides = [1, 1]} : vector<32x2048xf32> to vector<32x128xf32>
      %slice3A_111 = vector.extract_strided_slice %exp23A_104 {offsets = [0, 896], sizes = [32, 128], strides = [1, 1]} : vector<32x2048xf32> to vector<32x128xf32>
      %slice3A_112 = vector.extract_strided_slice %exp23A_104 {offsets = [0, 1024], sizes = [32, 128], strides = [1, 1]} : vector<32x2048xf32> to vector<32x128xf32>
      %slice3A_113 = vector.extract_strided_slice %exp23A_104 {offsets = [0, 1152], sizes = [32, 128], strides = [1, 1]} : vector<32x2048xf32> to vector<32x128xf32>
      %slice3A_114 = vector.extract_strided_slice %exp23A_104 {offsets = [0, 1280], sizes = [32, 128], strides = [1, 1]} : vector<32x2048xf32> to vector<32x128xf32>
      %slice3A_115 = vector.extract_strided_slice %exp23A_104 {offsets = [0, 1408], sizes = [32, 128], strides = [1, 1]} : vector<32x2048xf32> to vector<32x128xf32>
      %slice3A_116 = vector.extract_strided_slice %exp23A_104 {offsets = [0, 1536], sizes = [32, 128], strides = [1, 1]} : vector<32x2048xf32> to vector<32x128xf32>
      %slice3A_117 = vector.extract_strided_slice %exp23A_104 {offsets = [0, 1664], sizes = [32, 128], strides = [1, 1]} : vector<32x2048xf32> to vector<32x128xf32>
      %slice3A_118 = vector.extract_strided_slice %exp23A_104 {offsets = [0, 1792], sizes = [32, 128], strides = [1, 1]} : vector<32x2048xf32> to vector<32x128xf32>
      %slice3A_119 = vector.extract_strided_slice %exp23A_104 {offsets = [0, 1920], sizes = [32, 128], strides = [1, 1]} : vector<32x2048xf32> to vector<32x128xf32>
      %add3A_120 = arith.addf %slice3A, %slice3A_112 : vector<32x128xf32>
      %add3A_121 = arith.addf %slice3A_105, %slice3A_113 : vector<32x128xf32>
      %add3A_122 = arith.addf %slice3A_106, %slice3A_114 : vector<32x128xf32>
      %add3A_123 = arith.addf %slice3A_107, %slice3A_115 : vector<32x128xf32>
      %add3A_124 = arith.addf %slice3A_108, %slice3A_116 : vector<32x128xf32>
      %add3A_125 = arith.addf %slice3A_109, %slice3A_117 : vector<32x128xf32>
      %add3A_126 = arith.addf %slice3A_110, %slice3A_118 : vector<32x128xf32>
      %add3A_127 = arith.addf %slice3A_111, %slice3A_119 : vector<32x128xf32>
      %add3A_128 = arith.addf %add3A_120, %add3A_124 : vector<32x128xf32>
      %add3A_129 = arith.addf %add3A_121, %add3A_125 : vector<32x128xf32>
      %add3A_130 = arith.addf %add3A_122, %add3A_126 : vector<32x128xf32>
      %add3A_131 = arith.addf %add3A_123, %add3A_127 : vector<32x128xf32>
      %add3A_132 = arith.addf %add3A_128, %add3A_130 : vector<32x128xf32>
      %add3A_133 = arith.addf %add3A_129, %add3A_131 : vector<32x128xf32>
      %add3A_134 = arith.addf %add3A_132, %add3A_133 : vector<32x128xf32>
      %add3A_135 = arith.addf %scan3A_86, %add3A_134 : vector<32x128xf32>
      %scan3A_136 = arith.constant 1 : i32
      %scan3A_137 = arith.addi %scan3A_85, %scan3A_136 : i32
      %mul3A_138 = arith.constant 2048 : i32
      %mul3A_139 = arith.muli %scan3A_137, %mul3A_138 : i32
      %get3A_140 = arith.constant 0 : index
      %get3A_141 = arith.index_cast %mul3A_139 : i32 to index
      %get3A_142 = vector.load %arg3[%get3A_140, %get3A_141] : memref<32x100000xf32, #tpu.memory_space<vmem>>, vector<32x2048xf32>
      %jit3A_143 = arith.constant -1.000000e+00 : f32
      %jit3A_144 = arith.constant 1.000000e+00 : f32
      %max3A_145 = vector.broadcast %jit3A_143 : f32 to vector<32x2048xf32>
      %max3A_146 = arith.maximumf %max3A_145, %get3A_142 : vector<32x2048xf32>
      %min3A_147 = vector.broadcast %jit3A_144 : f32 to vector<32x2048xf32>
      %min3A_148 = arith.minimumf %min3A_147, %max3A_146 : vector<32x2048xf32>
      %mul3A_149 = arith.constant 92.3324813 : f32
      %mul3A_150 = vector.broadcast %mul3A_149 : f32 to vector<32x2048xf32>
      %mul3A_151 = arith.mulf %min3A_148, %mul3A_150 : vector<32x2048xf32>
      %sub3A_152 = arith.constant 92.3324813 : f32
      %sub3A_153 = vector.broadcast %sub3A_152 : f32 to vector<32x2048xf32>
      %sub3A_154 = arith.subf %mul3A_151, %sub3A_153 : vector<32x2048xf32>
      %exp23A_155 = math.exp2 %sub3A_154 : vector<32x2048xf32>
      %slice3A_156 = vector.extract_strided_slice %exp23A_155 {offsets = [0, 0], sizes = [32, 128], strides = [1, 1]} : vector<32x2048xf32> to vector<32x128xf32>
      %slice3A_157 = vector.extract_strided_slice %exp23A_155 {offsets = [0, 128], sizes = [32, 128], strides = [1, 1]} : vector<32x2048xf32> to vector<32x128xf32>
      %slice3A_158 = vector.extract_strided_slice %exp23A_155 {offsets = [0, 256], sizes = [32, 128], strides = [1, 1]} : vector<32x2048xf32> to vector<32x128xf32>
      %slice3A_159 = vector.extract_strided_slice %exp23A_155 {offsets = [0, 384], sizes = [32, 128], strides = [1, 1]} : vector<32x2048xf32> to vector<32x128xf32>
      %slice3A_160 = vector.extract_strided_slice %exp23A_155 {offsets = [0, 512], sizes = [32, 128], strides = [1, 1]} : vector<32x2048xf32> to vector<32x128xf32>
      %slice3A_161 = vector.extract_strided_slice %exp23A_155 {offsets = [0, 640], sizes = [32, 128], strides = [1, 1]} : vector<32x2048xf32> to vector<32x128xf32>
      %slice3A_162 = vector.extract_strided_slice %exp23A_155 {offsets = [0, 768], sizes = [32, 128], strides = [1, 1]} : vector<32x2048xf32> to vector<32x128xf32>
      %slice3A_163 = vector.extract_strided_slice %exp23A_155 {offsets = [0, 896], sizes = [32, 128], strides = [1, 1]} : vector<32x2048xf32> to vector<32x128xf32>
      %slice3A_164 = vector.extract_strided_slice %exp23A_155 {offsets = [0, 1024], sizes = [32, 128], strides = [1, 1]} : vector<32x2048xf32> to vector<32x128xf32>
      %slice3A_165 = vector.extract_strided_slice %exp23A_155 {offsets = [0, 1152], sizes = [32, 128], strides = [1, 1]} : vector<32x2048xf32> to vector<32x128xf32>
      %slice3A_166 = vector.extract_strided_slice %exp23A_155 {offsets = [0, 1280], sizes = [32, 128], strides = [1, 1]} : vector<32x2048xf32> to vector<32x128xf32>
      %slice3A_167 = vector.extract_strided_slice %exp23A_155 {offsets = [0, 1408], sizes = [32, 128], strides = [1, 1]} : vector<32x2048xf32> to vector<32x128xf32>
      %slice3A_168 = vector.extract_strided_slice %exp23A_155 {offsets = [0, 1536], sizes = [32, 128], strides = [1, 1]} : vector<32x2048xf32> to vector<32x128xf32>
      %slice3A_169 = vector.extract_strided_slice %exp23A_155 {offsets = [0, 1664], sizes = [32, 128], strides = [1, 1]} : vector<32x2048xf32> to vector<32x128xf32>
      %slice3A_170 = vector.extract_strided_slice %exp23A_155 {offsets = [0, 1792], sizes = [32, 128], strides = [1, 1]} : vector<32x2048xf32> to vector<32x128xf32>
      %slice3A_171 = vector.extract_strided_slice %exp23A_155 {offsets = [0, 1920], sizes = [32, 128], strides = [1, 1]} : vector<32x2048xf32> to vector<32x128xf32>
      %add3A_172 = arith.addf %slice3A_156, %slice3A_164 : vector<32x128xf32>
      %add3A_173 = arith.addf %slice3A_157, %slice3A_165 : vector<32x128xf32>
      %add3A_174 = arith.addf %slice3A_158, %slice3A_166 : vector<32x128xf32>
      %add3A_175 = arith.addf %slice3A_159, %slice3A_167 : vector<32x128xf32>
      %add3A_176 = arith.addf %slice3A_160, %slice3A_168 : vector<32x128xf32>
      %add3A_177 = arith.addf %slice3A_161, %slice3A_169 : vector<32x128xf32>
      %add3A_178 = arith.addf %slice3A_162, %slice3A_170 : vector<32x128xf32>
      %add3A_179 = arith.addf %slice3A_163, %slice3A_171 : vector<32x128xf32>
      %add3A_180 = arith.addf %add3A_172, %add3A_176 : vector<32x128xf32>
      %add3A_181 = arith.addf %add3A_173, %add3A_177 : vector<32x128xf32>
      %add3A_182 = arith.addf %add3A_174, %add3A_178 : vector<32x128xf32>
      %add3A_183 = arith.addf %add3A_175, %add3A_179 : vector<32x128xf32>
      %add3A_184 = arith.addf %add3A_180, %add3A_182 : vector<32x128xf32>
      %add3A_185 = arith.addf %add3A_181, %add3A_183 : vector<32x128xf32>
      %add3A_186 = arith.addf %add3A_184, %add3A_185 : vector<32x128xf32>
      %add3A_187 = arith.addf %add3A_135, %add3A_186 : vector<32x128xf32>
      %scan3A_188 = arith.constant 2 : i32
      %scan3A_189 = arith.addi %scan3A_85, %scan3A_188 : i32
      %mul3A_190 = arith.constant 2048 : i32
      %mul3A_191 = arith.muli %scan3A_189, %mul3A_190 : i32
      %get3A_192 = arith.constant 0 : index
      %get3A_193 = arith.index_cast %mul3A_191 : i32 to index
      %get3A_194 = vector.load %arg3[%get3A_192, %get3A_193] : memref<32x100000xf32, #tpu.memory_space<vmem>>, vector<32x2048xf32>
      %jit3A_195 = arith.constant -1.000000e+00 : f32
      %jit3A_196 = arith.constant 1.000000e+00 : f32
      %max3A_197 = vector.broadcast %jit3A_195 : f32 to vector<32x2048xf32>
      %max3A_198 = arith.maximumf %max3A_197, %get3A_194 : vector<32x2048xf32>
      %min3A_199 = vector.broadcast %jit3A_196 : f32 to vector<32x2048xf32>
      %min3A_200 = arith.minimumf %min3A_199, %max3A_198 : vector<32x2048xf32>
      %mul3A_201 = arith.constant 92.3324813 : f32
      %mul3A_202 = vector.broadcast %mul3A_201 : f32 to vector<32x2048xf32>
      %mul3A_203 = arith.mulf %min3A_200, %mul3A_202 : vector<32x2048xf32>
      %sub3A_204 = arith.constant 92.3324813 : f32
      %sub3A_205 = vector.broadcast %sub3A_204 : f32 to vector<32x2048xf32>
      %sub3A_206 = arith.subf %mul3A_203, %sub3A_205 : vector<32x2048xf32>
      %exp23A_207 = math.exp2 %sub3A_206 : vector<32x2048xf32>
      %slice3A_208 = vector.extract_strided_slice %exp23A_207 {offsets = [0, 0], sizes = [32, 128], strides = [1, 1]} : vector<32x2048xf32> to vector<32x128xf32>
      %slice3A_209 = vector.extract_strided_slice %exp23A_207 {offsets = [0, 128], sizes = [32, 128], strides = [1, 1]} : vector<32x2048xf32> to vector<32x128xf32>
      %slice3A_210 = vector.extract_strided_slice %exp23A_207 {offsets = [0, 256], sizes = [32, 128], strides = [1, 1]} : vector<32x2048xf32> to vector<32x128xf32>
      %slice3A_211 = vector.extract_strided_slice %exp23A_207 {offsets = [0, 384], sizes = [32, 128], strides = [1, 1]} : vector<32x2048xf32> to vector<32x128xf32>
      %slice3A_212 = vector.extract_strided_slice %exp23A_207 {offsets = [0, 512], sizes = [32, 128], strides = [1, 1]} : vector<32x2048xf32> to vector<32x128xf32>
      %slice3A_213 = vector.extract_strided_slice %exp23A_207 {offsets = [0, 640], sizes = [32, 128], strides = [1, 1]} : vector<32x2048xf32> to vector<32x128xf32>
      %slice3A_214 = vector.extract_strided_slice %exp23A_207 {offsets = [0, 768], sizes = [32, 128], strides = [1, 1]} : vector<32x2048xf32> to vector<32x128xf32>
      %slice3A_215 = vector.extract_strided_slice %exp23A_207 {offsets = [0, 896], sizes = [32, 128], strides = [1, 1]} : vector<32x2048xf32> to vector<32x128xf32>
      %slice3A_216 = vector.extract_strided_slice %exp23A_207 {offsets = [0, 1024], sizes = [32, 128], strides = [1, 1]} : vector<32x2048xf32> to vector<32x128xf32>
      %slice3A_217 = vector.extract_strided_slice %exp23A_207 {offsets = [0, 1152], sizes = [32, 128], strides = [1, 1]} : vector<32x2048xf32> to vector<32x128xf32>
      %slice3A_218 = vector.extract_strided_slice %exp23A_207 {offsets = [0, 1280], sizes = [32, 128], strides = [1, 1]} : vector<32x2048xf32> to vector<32x128xf32>
      %slice3A_219 = vector.extract_strided_slice %exp23A_207 {offsets = [0, 1408], sizes = [32, 128], strides = [1, 1]} : vector<32x2048xf32> to vector<32x128xf32>
      %slice3A_220 = vector.extract_strided_slice %exp23A_207 {offsets = [0, 1536], sizes = [32, 128], strides = [1, 1]} : vector<32x2048xf32> to vector<32x128xf32>
      %slice3A_221 = vector.extract_strided_slice %exp23A_207 {offsets = [0, 1664], sizes = [32, 128], strides = [1, 1]} : vector<32x2048xf32> to vector<32x128xf32>
      %slice3A_222 = vector.extract_strided_slice %exp23A_207 {offsets = [0, 1792], sizes = [32, 128], strides = [1, 1]} : vector<32x2048xf32> to vector<32x128xf32>
      %slice3A_223 = vector.extract_strided_slice %exp23A_207 {offsets = [0, 1920], sizes = [32, 128], strides = [1, 1]} : vector<32x2048xf32> to vector<32x128xf32>
      %add3A_224 = arith.addf %slice3A_208, %slice3A_216 : vector<32x128xf32>
      %add3A_225 = arith.addf %slice3A_209, %slice3A_217 : vector<32x128xf32>
      %add3A_226 = arith.addf %slice3A_210, %slice3A_218 : vector<32x128xf32>
      %add3A_227 = arith.addf %slice3A_211, %slice3A_219 : vector<32x128xf32>
      %add3A_228 = arith.addf %slice3A_212, %slice3A_220 : vector<32x128xf32>
      %add3A_229 = arith.addf %slice3A_213, %slice3A_221 : vector<32x128xf32>
      %add3A_230 = arith.addf %slice3A_214, %slice3A_222 : vector<32x128xf32>
      %add3A_231 = arith.addf %slice3A_215, %slice3A_223 : vector<32x128xf32>
      %add3A_232 = arith.addf %add3A_224, %add3A_228 : vector<32x128xf32>
      %add3A_233 = arith.addf %add3A_225, %add3A_229 : vector<32x128xf32>
      %add3A_234 = arith.addf %add3A_226, %add3A_230 : vector<32x128xf32>
      %add3A_235 = arith.addf %add3A_227, %add3A_231 : vector<32x128xf32>
      %add3A_236 = arith.addf %add3A_232, %add3A_234 : vector<32x128xf32>
      %add3A_237 = arith.addf %add3A_233, %add3A_235 : vector<32x128xf32>
      %add3A_238 = arith.addf %add3A_236, %add3A_237 : vector<32x128xf32>
      %add3A_239 = arith.addf %add3A_187, %add3A_238 : vector<32x128xf32>
      %scan3A_240 = arith.constant 3 : i32
      %scan3A_241 = arith.addi %scan3A_85, %scan3A_240 : i32
      %mul3A_242 = arith.constant 2048 : i32
      %mul3A_243 = arith.muli %scan3A_241, %mul3A_242 : i32
      %get3A_244 = arith.constant 0 : index
      %get3A_245 = arith.index_cast %mul3A_243 : i32 to index
      %get3A_246 = vector.load %arg3[%get3A_244, %get3A_245] : memref<32x100000xf32, #tpu.memory_space<vmem>>, vector<32x2048xf32>
      %jit3A_247 = arith.constant -1.000000e+00 : f32
      %jit3A_248 = arith.constant 1.000000e+00 : f32
      %max3A_249 = vector.broadcast %jit3A_247 : f32 to vector<32x2048xf32>
      %max3A_250 = arith.maximumf %max3A_249, %get3A_246 : vector<32x2048xf32>
      %min3A_251 = vector.broadcast %jit3A_248 : f32 to vector<32x2048xf32>
      %min3A_252 = arith.minimumf %min3A_251, %max3A_250 : vector<32x2048xf32>
      %mul3A_253 = arith.constant 92.3324813 : f32
      %mul3A_254 = vector.broadcast %mul3A_253 : f32 to vector<32x2048xf32>
      %mul3A_255 = arith.mulf %min3A_252, %mul3A_254 : vector<32x2048xf32>
      %sub3A_256 = arith.constant 92.3324813 : f32
      %sub3A_257 = vector.broadcast %sub3A_256 : f32 to vector<32x2048xf32>
      %sub3A_258 = arith.subf %mul3A_255, %sub3A_257 : vector<32x2048xf32>
      %exp23A_259 = math.exp2 %sub3A_258 : vector<32x2048xf32>
      %slice3A_260 = vector.extract_strided_slice %exp23A_259 {offsets = [0, 0], sizes = [32, 128], strides = [1, 1]} : vector<32x2048xf32> to vector<32x128xf32>
      %slice3A_261 = vector.extract_strided_slice %exp23A_259 {offsets = [0, 128], sizes = [32, 128], strides = [1, 1]} : vector<32x2048xf32> to vector<32x128xf32>
      %slice3A_262 = vector.extract_strided_slice %exp23A_259 {offsets = [0, 256], sizes = [32, 128], strides = [1, 1]} : vector<32x2048xf32> to vector<32x128xf32>
      %slice3A_263 = vector.extract_strided_slice %exp23A_259 {offsets = [0, 384], sizes = [32, 128], strides = [1, 1]} : vector<32x2048xf32> to vector<32x128xf32>
      %slice3A_264 = vector.extract_strided_slice %exp23A_259 {offsets = [0, 512], sizes = [32, 128], strides = [1, 1]} : vector<32x2048xf32> to vector<32x128xf32>
      %slice3A_265 = vector.extract_strided_slice %exp23A_259 {offsets = [0, 640], sizes = [32, 128], strides = [1, 1]} : vector<32x2048xf32> to vector<32x128xf32>
      %slice3A_266 = vector.extract_strided_slice %exp23A_259 {offsets = [0, 768], sizes = [32, 128], strides = [1, 1]} : vector<32x2048xf32> to vector<32x128xf32>
      %slice3A_267 = vector.extract_strided_slice %exp23A_259 {offsets = [0, 896], sizes = [32, 128], strides = [1, 1]} : vector<32x2048xf32> to vector<32x128xf32>
      %slice3A_268 = vector.extract_strided_slice %exp23A_259 {offsets = [0, 1024], sizes = [32, 128], strides = [1, 1]} : vector<32x2048xf32> to vector<32x128xf32>
      %slice3A_269 = vector.extract_strided_slice %exp23A_259 {offsets = [0, 1152], sizes = [32, 128], strides = [1, 1]} : vector<32x2048xf32> to vector<32x128xf32>
      %slice3A_270 = vector.extract_strided_slice %exp23A_259 {offsets = [0, 1280], sizes = [32, 128], strides = [1, 1]} : vector<32x2048xf32> to vector<32x128xf32>
      %slice3A_271 = vector.extract_strided_slice %exp23A_259 {offsets = [0, 1408], sizes = [32, 128], strides = [1, 1]} : vector<32x2048xf32> to vector<32x128xf32>
      %slice3A_272 = vector.extract_strided_slice %exp23A_259 {offsets = [0, 1536], sizes = [32, 128], strides = [1, 1]} : vector<32x2048xf32> to vector<32x128xf32>
      %slice3A_273 = vector.extract_strided_slice %exp23A_259 {offsets = [0, 1664], sizes = [32, 128], strides = [1, 1]} : vector<32x2048xf32> to vector<32x128xf32>
      %slice3A_274 = vector.extract_strided_slice %exp23A_259 {offsets = [0, 1792], sizes = [32, 128], strides = [1, 1]} : vector<32x2048xf32> to vector<32x128xf32>
      %slice3A_275 = vector.extract_strided_slice %exp23A_259 {offsets = [0, 1920], sizes = [32, 128], strides = [1, 1]} : vector<32x2048xf32> to vector<32x128xf32>
      %add3A_276 = arith.addf %slice3A_260, %slice3A_268 : vector<32x128xf32>
      %add3A_277 = arith.addf %slice3A_261, %slice3A_269 : vector<32x128xf32>
      %add3A_278 = arith.addf %slice3A_262, %slice3A_270 : vector<32x128xf32>
      %add3A_279 = arith.addf %slice3A_263, %slice3A_271 : vector<32x128xf32>
      %add3A_280 = arith.addf %slice3A_264, %slice3A_272 : vector<32x128xf32>
      %add3A_281 = arith.addf %slice3A_265, %slice3A_273 : vector<32x128xf32>
      %add3A_282 = arith.addf %slice3A_266, %slice3A_274 : vector<32x128xf32>
      %add3A_283 = arith.addf %slice3A_267, %slice3A_275 : vector<32x128xf32>
      %add3A_284 = arith.addf %add3A_276, %add3A_280 : vector<32x128xf32>
      %add3A_285 = arith.addf %add3A_277, %add3A_281 : vector<32x128xf32>
      %add3A_286 = arith.addf %add3A_278, %add3A_282 : vector<32x128xf32>
      %add3A_287 = arith.addf %add3A_279, %add3A_283 : vector<32x128xf32>
      %add3A_288 = arith.addf %add3A_284, %add3A_286 : vector<32x128xf32>
      %add3A_289 = arith.addf %add3A_285, %add3A_287 : vector<32x128xf32>
      %add3A_290 = arith.addf %add3A_288, %add3A_289 : vector<32x128xf32>
      %add3A_291 = arith.addf %add3A_239, %add3A_290 : vector<32x128xf32>
      scf.yield %add3A_291 : vector<32x128xf32>
    }
    %scan3A_5 = arith.constant 48 : i32
    %reduce_sum3A = arith.constant dense<0.000000e+00> : vector<32xf32>
    %reduce_sum3A_6 = vector.multi_reduction <add>, %scan3A_4, %reduce_sum3A [1] : vector<32x128xf32> to vector<32xf32>
    %get3A = arith.constant 0 : index
    %get3A_7 = arith.constant 98304 : index
    %get3A_8 = vector.load %arg3[%get3A, %get3A_7] : memref<32x100000xf32, #tpu.memory_space<vmem>>, vector<32x1696xf32>
    %jit3A = arith.constant -1.000000e+00 : f32
    %jit3A_9 = arith.constant 1.000000e+00 : f32
    %max3A = vector.broadcast %jit3A : f32 to vector<32x1696xf32>
    %max3A_10 = arith.maximumf %max3A, %get3A_8 : vector<32x1696xf32>
    %min3A = vector.broadcast %jit3A_9 : f32 to vector<32x1696xf32>
    %min3A_11 = arith.minimumf %min3A, %max3A_10 : vector<32x1696xf32>
    %mul3A = arith.constant 92.3324813 : f32
    %mul3A_12 = vector.broadcast %mul3A : f32 to vector<32x1696xf32>
    %mul3A_13 = arith.mulf %min3A_11, %mul3A_12 : vector<32x1696xf32>
    %sub3A = arith.constant 92.3324813 : f32
    %sub3A_14 = vector.broadcast %sub3A : f32 to vector<32x1696xf32>
    %sub3A_15 = arith.subf %mul3A_13, %sub3A_14 : vector<32x1696xf32>
    %exp23A = math.exp2 %sub3A_15 : vector<32x1696xf32>
    %reduce_sum3A_16 = arith.constant dense<0.000000e+00> : vector<32xf32>
    %reduce_sum3A_17 = vector.multi_reduction <add>, %exp23A, %reduce_sum3A_16 [1] : vector<32x1696xf32> to vector<32xf32>
    %add3A = arith.addf %reduce_sum3A_6, %reduce_sum3A_17 : vector<32xf32>
    %iota3A = tpu.iota {dimensions = array<i32: 1>} : vector<32x128xi32>
    %get3A_18 = arith.constant 0 : index
    %get3A_19 = arith.constant 0 : index
    %get3A_20 = vector.load %arg1[%get3A_18, %get3A_19] : memref<32x1xi32, #tpu.memory_space<vmem>>, vector<32x1xi32>
    %eq3A = vector.broadcast %get3A_20 : vector<32x1xi32> to vector<32x128xi32>
    %eq3A_21 = arith.cmpi eq, %iota3A, %eq3A : vector<32x128xi32>
    %get3A_22 = arith.constant 0 : index
    %get3A_23 = arith.constant 0 : index
    %get3A_24 = vector.load %arg2[%get3A_22, %get3A_23] : memref<32x128xf32, #tpu.memory_space<vmem>>, vector<32x128xf32>
    %jit3A_25 = arith.constant -1.000000e+00 : f32
    %jit3A_26 = arith.constant 1.000000e+00 : f32
    %max3A_27 = vector.broadcast %jit3A_25 : f32 to vector<32x128xf32>
    %max3A_28 = arith.maximumf %max3A_27, %get3A_24 : vector<32x128xf32>
    %min3A_29 = vector.broadcast %jit3A_26 : f32 to vector<32x128xf32>
    %min3A_30 = arith.minimumf %min3A_29, %max3A_28 : vector<32x128xf32>
    %jit3A_31 = arith.constant 0.000000e+00 : f32
    %broadcast_in_dim3A_32 = vector.broadcast %jit3A_31 : f32 to vector<32x128xf32>
    %select_n3A = arith.select %eq3A_21, %min3A_30, %broadcast_in_dim3A_32 : vector<32x128xi1>, vector<32x128xf32>
    %reduce_sum3A_33 = arith.constant dense<0.000000e+00> : vector<32xf32>
    %reduce_sum3A_34 = vector.multi_reduction <add>, %select_n3A, %reduce_sum3A_33 [1] : vector<32x128xf32> to vector<32xf32>
    %mul3A_35 = arith.constant 0.87758255 : f32
    %mul3A_36 = vector.broadcast %mul3A_35 : f32 to vector<32xf32>
    %mul3A_37 = arith.mulf %reduce_sum3A_34, %mul3A_36 : vector<32xf32>
    %mul3A_38 = arith.mulf %reduce_sum3A_34, %reduce_sum3A_34 : vector<32xf32>
    %sub3A_39 = arith.constant 1.000000e+00 : f32
    %sub3A_40 = vector.broadcast %sub3A_39 : f32 to vector<32xf32>
    %sub3A_41 = arith.subf %sub3A_40, %mul3A_38 : vector<32xf32>
    %max3A_42 = arith.constant 0.000000e+00 : f32
    %max3A_43 = vector.broadcast %max3A_42 : f32 to vector<32xf32>
    %max3A_44 = arith.maximumf %sub3A_41, %max3A_43 : vector<32xf32>
    %sqrt3A = math.sqrt %max3A_44 : vector<32xf32>
    %mul3A_45 = arith.constant 0.47942555 : f32
    %mul3A_46 = vector.broadcast %mul3A_45 : f32 to vector<32xf32>
    %mul3A_47 = arith.mulf %mul3A_46, %sqrt3A : vector<32xf32>
    %sub3A_48 = arith.subf %mul3A_37, %mul3A_47 : vector<32xf32>
    %mul3A_49 = arith.constant 6.400000e+01 : f32
    %mul3A_50 = vector.broadcast %mul3A_49 : f32 to vector<32xf32>
    %mul3A_51 = arith.mulf %mul3A_50, %sub3A_48 : vector<32xf32>
    %mul3A_52 = arith.constant 92.3324813 : f32
    %mul3A_53 = vector.broadcast %mul3A_52 : f32 to vector<32xf32>
    %mul3A_54 = arith.mulf %reduce_sum3A_34, %mul3A_53 : vector<32xf32>
    %sub3A_55 = arith.constant 92.3324813 : f32
    %sub3A_56 = vector.broadcast %sub3A_55 : f32 to vector<32xf32>
    %sub3A_57 = arith.subf %mul3A_54, %sub3A_56 : vector<32xf32>
    %exp23A_58 = math.exp2 %sub3A_57 : vector<32xf32>
    %sub3A_59 = arith.constant 6.400000e+01 : f32
    %sub3A_60 = vector.broadcast %sub3A_59 : f32 to vector<32xf32>
    %sub3A_61 = arith.subf %mul3A_51, %sub3A_60 : vector<32xf32>
    %exp3A = math.exp %sub3A_61 : vector<32xf32>
    %sub3A_62 = arith.subf %add3A, %exp23A_58 : vector<32xf32>
    %add3A_63 = arith.addf %sub3A_62, %exp3A : vector<32xf32>
    %log3A = math.log %add3A_63 : vector<32xf32>
    %add3A_64 = arith.constant 6.400000e+01 : f32
    %add3A_65 = vector.broadcast %add3A_64 : f32 to vector<32xf32>
    %add3A_66 = arith.addf %add3A_65, %log3A : vector<32xf32>
    %sub3A_67 = arith.subf %add3A_66, %mul3A_51 : vector<32xf32>
    %mul3A_68 = arith.constant 9.765625E-4 : f32
    %mul3A_69 = vector.broadcast %mul3A_68 : f32 to vector<32xf32>
    %mul3A_70 = arith.mulf %sub3A_67, %mul3A_69 : vector<32xf32>
    %eq3A_71 = arith.constant 0 : i32
    %eq3A_72 = arith.cmpi eq, %arg0, %eq3A_71 : i32
    %convert_element_type3A = arith.extui %eq3A_72 : i1 to i32
    %cond3A = arith.constant 0 : i32
    %cond3A_73 = arith.cmpi ne, %convert_element_type3A, %cond3A : i32
    scf.if %cond3A_73 {
      %swap3A_85 = arith.constant 0.000000e+00 : f32
      %swap3A_86 = arith.constant 0 : index
      %swap3A_87 = arith.constant 0 : index
      %swap3A_88 = memref.load %arg4[%swap3A_86, %swap3A_87] : memref<1x1xf32, #tpu.memory_space<smem>>
      memref.store %swap3A_85, %arg4[%swap3A_86, %swap3A_87] : memref<1x1xf32, #tpu.memory_space<smem>>
    } else {
    }
    %get3A_74 = arith.constant 0 : index
    %get3A_75 = arith.constant 0 : index
    %get3A_76 = memref.load %arg4[%get3A_74, %get3A_75] : memref<1x1xf32, #tpu.memory_space<smem>>
    %reduce_sum3A_77 = vector.shape_cast %mul3A_70 : vector<32xf32> to vector<1x32xf32>
    %reduce_sum3A_78 = arith.constant dense<0.000000e+00> : vector<1xf32>
    %reduce_sum3A_79 = vector.multi_reduction <add>, %reduce_sum3A_77, %reduce_sum3A_78 [1] : vector<1x32xf32> to vector<1xf32>
    %reduce_sum3A_80 = vector.shape_cast %reduce_sum3A_79 : vector<1xf32> to vector<1x1xf32>
    %reduce_sum3A_81 = vector.extract %reduce_sum3A_80[0, 0] : f32 from vector<1x1xf32>
    %add3A_82 = arith.addf %get3A_76, %reduce_sum3A_81 : f32
    %swap3A = arith.constant 0 : index
    %swap3A_83 = arith.constant 0 : index
    %swap3A_84 = memref.load %arg4[%swap3A, %swap3A_83] : memref<1x1xf32, #tpu.memory_space<smem>>
    memref.store %add3A_82, %arg4[%swap3A, %swap3A_83] : memref<1x1xf32, #tpu.memory_space<smem>>
    return
  }
  func.func @transform_0(%arg0: i32) -> (i32, i32) {
    %c0_i32 = arith.constant 0 : i32
    %c0_i32_0 = arith.constant 0 : i32
    return %arg0, %c0_i32 : i32, i32
  }
  func.func @transform_1(%arg0: i32) -> (i32, i32) {
    %c0_i32 = arith.constant 0 : i32
    %c0_i32_0 = arith.constant 0 : i32
    return %arg0, %c0_i32 : i32, i32
  }
  func.func @transform_2(%arg0: i32) -> (i32, i32) {
    %c0_i32 = arith.constant 0 : i32
    %c0_i32_0 = arith.constant 0 : i32
    return %arg0, %c0_i32 : i32, i32
  }
  func.func @transform_3(%arg0: i32) -> (i32, i32) {
    %c0_i32 = arith.constant 0 : i32
    %c0_i32_0 = arith.constant 0 : i32
    %c0_i32_1 = arith.constant 0 : i32
    return %c0_i32, %c0_i32_0 : i32, i32
  }
}

module attributes {stable_mosaic.version = 14 : i64} {
  func.func @_combine_body(%arg0: i32, %arg1: memref<1x1xf32, #tpu.memory_space<smem>>, %arg2: memref<64x1xi32, #tpu.memory_space<vmem>>, %arg3: memref<64x128xf32, #tpu.memory_space<vmem>>, %arg4: memref<64x12416xf32, #tpu.memory_space<vmem>>, %arg5: memref<64x1024xf32, #tpu.memory_space<vmem>>, %arg6: memref<1x1xf32, #tpu.memory_space<smem>>) attributes {dimension_semantics = [#tpu.dimension_semantics<arbitrary>], iteration_bounds = array<i64: 4>, scalar_prefetch = 0 : i64, scratch_operands = 0 : i64, tpu.core_type = #tpu.core_type<tc>, window_params = [{transform_indices = @transform_0, window_bounds = array<i64: 1, 1>}, {transform_indices = @transform_1, window_bounds = array<i64: 64, 1>}, {transform_indices = @transform_2, window_bounds = array<i64: 64, 128>}, {transform_indices = @transform_3, window_bounds = array<i64: 64, 12416>}, {transform_indices = @transform_4, window_bounds = array<i64: 64, 1024>}, {transform_indices = @transform_5, window_bounds = array<i64: 1, 1>}]} {
    %broadcast_in_dim3A = arith.constant 0.000000e+00 : f32
    %broadcast_in_dim3A_0 = vector.broadcast %broadcast_in_dim3A : f32 to vector<64x128xf32>
    %scan3A = arith.constant 0 : i32
    %scan3A_1 = arith.constant 96 : i32
    %scan3A_2 = arith.addi %scan3A, %scan3A_1 : i32
    %scan3A_3 = arith.constant 4 : i32
    %scan3A_4 = scf.for %scan3A_99 = %scan3A to %scan3A_2 step %scan3A_3 iter_args(%scan3A_100 = %broadcast_in_dim3A_0) -> (vector<64x128xf32>)  : i32 {
      %mul3A_101 = arith.constant 128 : i32
      %mul3A_102 = arith.muli %scan3A_99, %mul3A_101 : i32
      %get3A_103 = arith.constant 0 : index
      %get3A_104 = arith.index_cast %mul3A_102 : i32 to index
      %get3A_105 = vector.load %arg4[%get3A_103, %get3A_104] : memref<64x12416xf32, #tpu.memory_space<vmem>>, vector<64x128xf32>
      %add3A_106 = arith.addf %scan3A_100, %get3A_105 : vector<64x128xf32>
      %scan3A_107 = arith.constant 1 : i32
      %scan3A_108 = arith.addi %scan3A_99, %scan3A_107 : i32
      %mul3A_109 = arith.constant 128 : i32
      %mul3A_110 = arith.muli %scan3A_108, %mul3A_109 : i32
      %get3A_111 = arith.constant 0 : index
      %get3A_112 = arith.index_cast %mul3A_110 : i32 to index
      %get3A_113 = vector.load %arg4[%get3A_111, %get3A_112] : memref<64x12416xf32, #tpu.memory_space<vmem>>, vector<64x128xf32>
      %add3A_114 = arith.addf %add3A_106, %get3A_113 : vector<64x128xf32>
      %scan3A_115 = arith.constant 2 : i32
      %scan3A_116 = arith.addi %scan3A_99, %scan3A_115 : i32
      %mul3A_117 = arith.constant 128 : i32
      %mul3A_118 = arith.muli %scan3A_116, %mul3A_117 : i32
      %get3A_119 = arith.constant 0 : index
      %get3A_120 = arith.index_cast %mul3A_118 : i32 to index
      %get3A_121 = vector.load %arg4[%get3A_119, %get3A_120] : memref<64x12416xf32, #tpu.memory_space<vmem>>, vector<64x128xf32>
      %add3A_122 = arith.addf %add3A_114, %get3A_121 : vector<64x128xf32>
      %scan3A_123 = arith.constant 3 : i32
      %scan3A_124 = arith.addi %scan3A_99, %scan3A_123 : i32
      %mul3A_125 = arith.constant 128 : i32
      %mul3A_126 = arith.muli %scan3A_124, %mul3A_125 : i32
      %get3A_127 = arith.constant 0 : index
      %get3A_128 = arith.index_cast %mul3A_126 : i32 to index
      %get3A_129 = vector.load %arg4[%get3A_127, %get3A_128] : memref<64x12416xf32, #tpu.memory_space<vmem>>, vector<64x128xf32>
      %add3A_130 = arith.addf %add3A_122, %get3A_129 : vector<64x128xf32>
      scf.yield %add3A_130 : vector<64x128xf32>
    }
    %scan3A_5 = arith.constant 96 : i32
    %scan3A_6 = arith.addi %scan3A, %scan3A_5 : i32
    %mul3A = arith.constant 128 : i32
    %mul3A_7 = arith.muli %scan3A_6, %mul3A : i32
    %get3A = arith.constant 0 : index
    %get3A_8 = arith.index_cast %mul3A_7 : i32 to index
    %get3A_9 = vector.load %arg4[%get3A, %get3A_8] : memref<64x12416xf32, #tpu.memory_space<vmem>>, vector<64x128xf32>
    %add3A = arith.addf %scan3A_4, %get3A_9 : vector<64x128xf32>
    %scan3A_10 = arith.constant 97 : i32
    %reduce_sum3A = arith.constant dense<0.000000e+00> : vector<64xf32>
    %reduce_sum3A_11 = vector.multi_reduction <add>, %add3A, %reduce_sum3A [1] : vector<64x128xf32> to vector<64xf32>
    %iota3A = tpu.iota {dimensions = array<i32: 1>} : vector<64x1024xi32>
    %lt3A = arith.constant 672 : i32
    %lt3A_12 = vector.broadcast %lt3A : i32 to vector<64x1024xi32>
    %lt3A_13 = arith.cmpi slt, %iota3A, %lt3A_12 : vector<64x1024xi32>
    %get3A_14 = arith.constant 0 : index
    %get3A_15 = arith.constant 0 : index
    %get3A_16 = vector.load %arg5[%get3A_14, %get3A_15] : memref<64x1024xf32, #tpu.memory_space<vmem>>, vector<64x1024xf32>
    %jit3A = arith.constant -1.000000e+00 : f32
    %jit3A_17 = arith.constant 1.000000e+00 : f32
    %max3A = vector.broadcast %jit3A : f32 to vector<64x1024xf32>
    %max3A_18 = arith.maximumf %max3A, %get3A_16 : vector<64x1024xf32>
    %min3A = vector.broadcast %jit3A_17 : f32 to vector<64x1024xf32>
    %min3A_19 = arith.minimumf %min3A, %max3A_18 : vector<64x1024xf32>
    %mul3A_20 = arith.constant 92.3324813 : f32
    %mul3A_21 = vector.broadcast %mul3A_20 : f32 to vector<64x1024xf32>
    %mul3A_22 = arith.mulf %min3A_19, %mul3A_21 : vector<64x1024xf32>
    %sub3A = arith.constant 92.3324813 : f32
    %sub3A_23 = vector.broadcast %sub3A : f32 to vector<64x1024xf32>
    %sub3A_24 = arith.subf %mul3A_22, %sub3A_23 : vector<64x1024xf32>
    %exp23A = math.exp2 %sub3A_24 : vector<64x1024xf32>
    %jit3A_25 = arith.constant 0.000000e+00 : f32
    %broadcast_in_dim3A_26 = vector.broadcast %jit3A_25 : f32 to vector<64x1024xf32>
    %select_n3A = arith.select %lt3A_13, %exp23A, %broadcast_in_dim3A_26 : vector<64x1024xi1>, vector<64x1024xf32>
    %reduce_sum3A_27 = arith.constant dense<0.000000e+00> : vector<64xf32>
    %reduce_sum3A_28 = vector.multi_reduction <add>, %select_n3A, %reduce_sum3A_27 [1] : vector<64x1024xf32> to vector<64xf32>
    %add3A_29 = arith.addf %reduce_sum3A_11, %reduce_sum3A_28 : vector<64xf32>
    %iota3A_30 = tpu.iota {dimensions = array<i32: 1>} : vector<64x128xi32>
    %get3A_31 = arith.constant 0 : index
    %get3A_32 = arith.constant 0 : index
    %get3A_33 = vector.load %arg2[%get3A_31, %get3A_32] : memref<64x1xi32, #tpu.memory_space<vmem>>, vector<64x1xi32>
    %eq3A = vector.broadcast %get3A_33 : vector<64x1xi32> to vector<64x128xi32>
    %eq3A_34 = arith.cmpi eq, %iota3A_30, %eq3A : vector<64x128xi32>
    %get3A_35 = arith.constant 0 : index
    %get3A_36 = arith.constant 0 : index
    %get3A_37 = vector.load %arg3[%get3A_35, %get3A_36] : memref<64x128xf32, #tpu.memory_space<vmem>>, vector<64x128xf32>
    %jit3A_38 = arith.constant -1.000000e+00 : f32
    %jit3A_39 = arith.constant 1.000000e+00 : f32
    %max3A_40 = vector.broadcast %jit3A_38 : f32 to vector<64x128xf32>
    %max3A_41 = arith.maximumf %max3A_40, %get3A_37 : vector<64x128xf32>
    %min3A_42 = vector.broadcast %jit3A_39 : f32 to vector<64x128xf32>
    %min3A_43 = arith.minimumf %min3A_42, %max3A_41 : vector<64x128xf32>
    %jit3A_44 = arith.constant 0.000000e+00 : f32
    %broadcast_in_dim3A_45 = vector.broadcast %jit3A_44 : f32 to vector<64x128xf32>
    %select_n3A_46 = arith.select %eq3A_34, %min3A_43, %broadcast_in_dim3A_45 : vector<64x128xi1>, vector<64x128xf32>
    %reduce_sum3A_47 = arith.constant dense<0.000000e+00> : vector<64xf32>
    %reduce_sum3A_48 = vector.multi_reduction <add>, %select_n3A_46, %reduce_sum3A_47 [1] : vector<64x128xf32> to vector<64xf32>
    %mul3A_49 = arith.constant 0.87758255 : f32
    %mul3A_50 = vector.broadcast %mul3A_49 : f32 to vector<64xf32>
    %mul3A_51 = arith.mulf %reduce_sum3A_48, %mul3A_50 : vector<64xf32>
    %mul3A_52 = arith.mulf %reduce_sum3A_48, %reduce_sum3A_48 : vector<64xf32>
    %sub3A_53 = arith.constant 1.000000e+00 : f32
    %sub3A_54 = vector.broadcast %sub3A_53 : f32 to vector<64xf32>
    %sub3A_55 = arith.subf %sub3A_54, %mul3A_52 : vector<64xf32>
    %max3A_56 = arith.constant 0.000000e+00 : f32
    %max3A_57 = vector.broadcast %max3A_56 : f32 to vector<64xf32>
    %max3A_58 = arith.maximumf %sub3A_55, %max3A_57 : vector<64xf32>
    %sqrt3A = math.sqrt %max3A_58 : vector<64xf32>
    %mul3A_59 = arith.constant 0.47942555 : f32
    %mul3A_60 = vector.broadcast %mul3A_59 : f32 to vector<64xf32>
    %mul3A_61 = arith.mulf %mul3A_60, %sqrt3A : vector<64xf32>
    %sub3A_62 = arith.subf %mul3A_51, %mul3A_61 : vector<64xf32>
    %mul3A_63 = arith.constant 6.400000e+01 : f32
    %mul3A_64 = vector.broadcast %mul3A_63 : f32 to vector<64xf32>
    %mul3A_65 = arith.mulf %mul3A_64, %sub3A_62 : vector<64xf32>
    %mul3A_66 = arith.constant 92.3324813 : f32
    %mul3A_67 = vector.broadcast %mul3A_66 : f32 to vector<64xf32>
    %mul3A_68 = arith.mulf %reduce_sum3A_48, %mul3A_67 : vector<64xf32>
    %sub3A_69 = arith.constant 92.3324813 : f32
    %sub3A_70 = vector.broadcast %sub3A_69 : f32 to vector<64xf32>
    %sub3A_71 = arith.subf %mul3A_68, %sub3A_70 : vector<64xf32>
    %exp23A_72 = math.exp2 %sub3A_71 : vector<64xf32>
    %sub3A_73 = arith.constant 6.400000e+01 : f32
    %sub3A_74 = vector.broadcast %sub3A_73 : f32 to vector<64xf32>
    %sub3A_75 = arith.subf %mul3A_65, %sub3A_74 : vector<64xf32>
    %exp3A = math.exp %sub3A_75 : vector<64xf32>
    %sub3A_76 = arith.subf %add3A_29, %exp23A_72 : vector<64xf32>
    %add3A_77 = arith.addf %sub3A_76, %exp3A : vector<64xf32>
    %log3A = math.log %add3A_77 : vector<64xf32>
    %add3A_78 = arith.constant 6.400000e+01 : f32
    %add3A_79 = vector.broadcast %add3A_78 : f32 to vector<64xf32>
    %add3A_80 = arith.addf %add3A_79, %log3A : vector<64xf32>
    %sub3A_81 = arith.subf %add3A_80, %mul3A_65 : vector<64xf32>
    %mul3A_82 = arith.constant 9.765625E-4 : f32
    %mul3A_83 = vector.broadcast %mul3A_82 : f32 to vector<64xf32>
    %mul3A_84 = arith.mulf %sub3A_81, %mul3A_83 : vector<64xf32>
    %eq3A_85 = arith.constant 0 : i32
    %eq3A_86 = arith.cmpi eq, %arg0, %eq3A_85 : i32
    %convert_element_type3A = arith.extui %eq3A_86 : i1 to i32
    %cond3A = arith.constant 0 : i32
    %cond3A_87 = arith.cmpi ne, %convert_element_type3A, %cond3A : i32
    scf.if %cond3A_87 {
      %get3A_99 = arith.constant 0 : index
      %get3A_100 = arith.constant 0 : index
      %get3A_101 = memref.load %arg1[%get3A_99, %get3A_100] : memref<1x1xf32, #tpu.memory_space<smem>>
      %swap3A_102 = arith.constant 0 : index
      %swap3A_103 = arith.constant 0 : index
      %swap3A_104 = memref.load %arg6[%swap3A_102, %swap3A_103] : memref<1x1xf32, #tpu.memory_space<smem>>
      memref.store %get3A_101, %arg6[%swap3A_102, %swap3A_103] : memref<1x1xf32, #tpu.memory_space<smem>>
    } else {
    }
    %get3A_88 = arith.constant 0 : index
    %get3A_89 = arith.constant 0 : index
    %get3A_90 = memref.load %arg6[%get3A_88, %get3A_89] : memref<1x1xf32, #tpu.memory_space<smem>>
    %reduce_sum3A_91 = vector.shape_cast %mul3A_84 : vector<64xf32> to vector<1x64xf32>
    %reduce_sum3A_92 = arith.constant dense<0.000000e+00> : vector<1xf32>
    %reduce_sum3A_93 = vector.multi_reduction <add>, %reduce_sum3A_91, %reduce_sum3A_92 [1] : vector<1x64xf32> to vector<1xf32>
    %reduce_sum3A_94 = vector.shape_cast %reduce_sum3A_93 : vector<1xf32> to vector<1x1xf32>
    %reduce_sum3A_95 = vector.extract %reduce_sum3A_94[0, 0] : f32 from vector<1x1xf32>
    %add3A_96 = arith.addf %get3A_90, %reduce_sum3A_95 : f32
    %swap3A = arith.constant 0 : index
    %swap3A_97 = arith.constant 0 : index
    %swap3A_98 = memref.load %arg6[%swap3A, %swap3A_97] : memref<1x1xf32, #tpu.memory_space<smem>>
    memref.store %add3A_96, %arg6[%swap3A, %swap3A_97] : memref<1x1xf32, #tpu.memory_space<smem>>
    return
  }
  func.func @transform_0(%arg0: i32) -> (i32, i32) {
    %c0_i32 = arith.constant 0 : i32
    %c0_i32_0 = arith.constant 0 : i32
    %c0_i32_1 = arith.constant 0 : i32
    return %c0_i32, %c0_i32_0 : i32, i32
  }
  func.func @transform_1(%arg0: i32) -> (i32, i32) {
    %add3A = arith.constant 12 : i32
    %add3A_0 = arith.addi %add3A, %arg0 : i32
    %c0_i32 = arith.constant 0 : i32
    %c0_i32_1 = arith.constant 0 : i32
    return %add3A_0, %c0_i32 : i32, i32
  }
  func.func @transform_2(%arg0: i32) -> (i32, i32) {
    %add3A = arith.constant 12 : i32
    %add3A_0 = arith.addi %add3A, %arg0 : i32
    %c0_i32 = arith.constant 0 : i32
    %c0_i32_1 = arith.constant 0 : i32
    return %add3A_0, %c0_i32 : i32, i32
  }
  func.func @transform_3(%arg0: i32) -> (i32, i32) {
    %c0_i32 = arith.constant 0 : i32
    %c0_i32_0 = arith.constant 0 : i32
    return %arg0, %c0_i32 : i32, i32
  }
  func.func @transform_4(%arg0: i32) -> (i32, i32) {
    %add3A = arith.constant 12 : i32
    %add3A_0 = arith.addi %add3A, %arg0 : i32
    %c97_i32 = arith.constant 97 : i32
    %c0_i32 = arith.constant 0 : i32
    return %add3A_0, %c97_i32 : i32, i32
  }
  func.func @transform_5(%arg0: i32) -> (i32, i32) {
    %c0_i32 = arith.constant 0 : i32
    %c0_i32_0 = arith.constant 0 : i32
    %c0_i32_1 = arith.constant 0 : i32
    return %c0_i32, %c0_i32_0 : i32, i32
  }
}

</mosaic_0001>

<sc_bundles>
// kernel: kernel.6.cloned.1.call-start
scs
__scs_entry_jumppad:
0x0: {  	(pc) =	sbr.rel $0x88, $3  }
0x1: {  	(tag) =	ssettag $0x0;
	lr =	simm.s32 $0x1  }
0x2: {  	[smem:$0x3F9F] =	sst lr;
	_ =	strace $0xD0000000  }
0x3: {  	_ = 	snop  }
0x4: {  	_ = 	snop  }
0x5: {  	_ = 	snop  }
0x6: {  	_ = 	snop  }
0x7: {  	_ = 	snop  }
__scs_overlays_trampoline_lowered:
0x8: {  	[smem:$0x3FAE] =	sst s0  }
0x9: {  	[smem:$0x3FAF] =	sst s1  }
0xa: {  	[smem:$0x3FB0] =	sst s2  }
0xb: {  	[smem:$0x3FB1] =	sst s3  }
0xc: {  	[smem:$0x3FB2] =	sst s4  }
0xd: {  	[smem:$0x3FB3] =	sst s5  }
0xe: {  	[smem:$0x3FB4] =	sst s6  }
0xf: {  	[smem:$0x3FB5] =	sst s7  }
0x10: {  	[smem:$0x3FB6] =	sst s8  }
0x11: {  	[smem:$0x3FB7] =	sst s9;
	s0 =	simm.s32 @!p0 $0x0  }
0x12: {  	s1 =	sld [smem:$0x3F9D];
	s0 =	simm.s32 @p0 $0x1  }
0x13: {  	[smem:$0x3FB8] =	sst s0;
	s0 =	simm.s32 @!p1 $0x0  }
0x14: {  	s2 =	sld [smem:$0x3F9C];
	s0 =	simm.s32 @p1 $0x1  }
0x15: {  	[smem:$0x3FB9] =	sst s0;
	s0 =	simm.s32 @!p2 $0x0  }
0x16: {  	s3 =	sld [smem:$0x3FDB];
	s0 =	simm.s32 @p2 $0x1  }
0x17: {  	s4 =	simm.s32 $0x1BF5;
	[smem:$0x3FBB] =	sst s0  }
0x18: {  	s0 =	sld [smem:$0x3F9E];
	_ =	swait.ge [sflag:s4], $0x0  }
0x19: {  	s7 =	sld [smem:$0x3F9F]  }
0x1a: {  	s8 =	sadd.s32 $0xFFFFE003, lr  }
0x1b: {  	s9 =	sadd.s32 $0xFFFFFEF7, lr;
	s5 =	simm.s32 $0xFFFFFFFF;
	p2 =	slt.u32 s8, $0xFFFFF086  }
0x1c: {  	p1 =	slt.u32 s9, $0xF7A;
	s5 =	simm.s32 @!p2 $0x0  }
0x1d: {  	s5 =	simm.s32 @p1 $0x1;
	p0 =	seq.s32 s7, s2  }
0x1e: {  	s7 =	smul.u32 @!p0 $0xF7A, s2;
	p2 =	seq.s32 @!p0 s5, $0x0  }
0x1f: {  	s9 =	smul.u32 $0xF7A, s1;
	s8 =	simm.s32 @!p0 $0x1BF5;
	p2 =	por !p2, p0  }
0x20: {  	[sflag:s8] =	ssyncset.s32 @!p0 $0xFFFFF086;
	s6 =	sadd.s32 @!p0 s3, s7;
	s7 =	simm.s32 @!p0 $0x108  }
0x21: {  	s3 =	sadd.s32 s3, s9;
	s6 =	sadd.s32 @!p0 $0x88, s6;
	s7 =	simm.s32 @p2 $0x1082  }
0x22: {  	[simem:s7], [sflag:s8] =	dma.local @!p0 [hbm:s6], $0xF7A  }
0x23: {  	s9 =	sor.u32 $0xD0000000, s2;
	s6 =	simm.s32 $0x108;
	_ =	swait.ge @!p0 [sflag:s8], $0x0  }
0x24: {  	s3 =	sadd.s32 $0x88, s3;
	s6 =	simm.s32 @!p1 $0x1082;
	[sflag:s4] =	ssyncset.s32 $0xFFFFF086  }
0x25: {  	[simem:s6], [sflag:s4] =	dma.local [hbm:s3], $0xF7A  }
0x26: {  	[smem:$0x3F9F] =	sst s1;
	(tag) =	ssettag s2;
	_ =	strace s9  }
0x27: {  	s1 =	sld [smem:$0x3FAF]  }
0x28: {  	s2 =	sld [smem:$0x3FB0]  }
0x29: {  	s4 =	sld [smem:$0x3FB2]  }
0x2a: {  	p0 =	seq.s32 s5, $0x0;
	s5 =	sld [smem:$0x3FB3]  }
0x2b: {  	s6 =	sld [smem:$0x3FB4]  }
0x2c: {  	s7 =	sld [smem:$0x3FB5]  }
0x2d: {  	s3 =	simm.s32 $0x108;
	s8 =	sld [smem:$0x3FB6]  }
0x2e: {  	s3 =	simm.s32 @!p0 $0x1082;
	s9 =	sld [smem:$0x3FB7]  }
0x2f: {  	lr =	sadd.s32 s0, s3;
	s0 =	sld [smem:$0x3FAE]  }
0x30: {  	s3 =	sld [smem:$0x3FB1]  }
0x31: {  	[smem:$0x3FBA] =	sst s10  }
0x32: {  	s10 =	sld [smem:$0x3FB8];
	_ =	sdelay $0x3  }
0x33: {  	p0 =	seq.s32 s10, $0x1;
	s10 =	sld [smem:$0x3FBA];
	_ =	sdelay $0x3  }
0x34: {  	[smem:$0x3FBA] =	sst s10  }
0x35: {  	s10 =	sld [smem:$0x3FB9];
	_ =	sdelay $0x3  }
0x36: {  	p1 =	seq.s32 s10, $0x1;
	s10 =	sld [smem:$0x3FBA];
	_ =	sdelay $0x3  }
0x37: {  	[smem:$0x3FBA] =	sst s10  }
0x38: {  	s10 =	sld [smem:$0x3FBB]  }
0x39: {  	_ = 	snop;
	(pc) =	sbr.ind lr, $3  }
0x3a: {  	_ = 	snop  }
0x3b: {  	_ = 	snop  }
0x3c: {  	p2 =	seq.s32 s10, $0x1;
	s10 =	sld [smem:$0x3FBA]  }
0x3d: {  	_ =	shalt  }
0x3e: {  	_ =	shalt  }
0x3f: {  	_ =	shalt  }
0x40: {  	_ =	shalt  }
0x41: {  	_ =	shalt  }
0x42: {  	_ =	shalt  }
0x43: {  	_ =	shalt  }
0x44: {  	_ =	shalt  }
0x45: {  	_ =	shalt  }
0x46: {  	_ =	shalt  }
0x47: {  	_ =	shalt  }
0x48: {  	_ =	shalt  }
0x49: {  	_ =	shalt  }
0x4a: {  	_ =	shalt  }
0x4b: {  	_ =	shalt  }
0x4c: {  	_ =	shalt  }
0x4d: {  	_ =	shalt  }
0x4e: {  	_ =	shalt  }
0x4f: {  	_ =	shalt  }
0x50: {  	_ =	shalt  }
0x51: {  	_ =	shalt  }
0x52: {  	_ =	shalt  }
0x53: {  	_ =	shalt  }
0x54: {  	_ =	shalt  }
0x55: {  	_ =	shalt  }
0x56: {  	_ =	shalt  }
0x57: {  	_ =	shalt  }
0x58: {  	_ =	shalt  }
0x59: {  	_ =	shalt  }
0x5a: {  	_ =	shalt  }
0x5b: {  	_ =	shalt  }
0x5c: {  	_ =	shalt  }
0x5d: {  	_ =	shalt  }
0x5e: {  	_ =	shalt  }
0x5f: {  	_ =	shalt  }
0x60: {  	_ =	shalt  }
0x61: {  	_ =	shalt  }
0x62: {  	_ =	shalt  }
0x63: {  	_ =	shalt  }
0x64: {  	_ =	shalt  }
0x65: {  	_ =	shalt  }
0x66: {  	_ =	shalt  }
0x67: {  	_ =	shalt  }
0x68: {  	_ =	shalt  }
0x69: {  	_ =	shalt  }
0x6a: {  	_ =	shalt  }
0x6b: {  	_ =	shalt  }
0x6c: {  	_ =	shalt  }
0x6d: {  	_ =	shalt  }
0x6e: {  	_ =	shalt  }
0x6f: {  	_ =	shalt  }
0x70: {  	_ =	shalt  }
0x71: {  	_ =	shalt  }
0x72: {  	_ =	shalt  }
0x73: {  	_ =	shalt  }
0x74: {  	_ =	shalt  }
0x75: {  	_ =	shalt  }
0x76: {  	_ =	shalt  }
0x77: {  	_ =	shalt  }
0x78: {  	_ =	shalt  }
0x79: {  	_ =	shalt  }
0x7a: {  	_ =	shalt  }
0x7b: {  	_ =	shalt  }
0x7c: {  	_ =	shalt  }
0x7d: {  	_ =	shalt  }
0x7e: {  	_ =	shalt  }
0x7f: {  	_ =	shalt  }
0x80: {  	_ =	shalt  }
0x81: {  	_ =	shalt  }
0x82: {  	_ =	shalt  }
0x83: {  	_ =	shalt  }
0x84: {  	_ =	shalt  }
0x85: {  	_ =	shalt  }
0x86: {  	_ =	shalt  }
0x87: {  	_ =	shalt  }
.Lfunc_end0:
.L_simem_size_0:
called_computation_lowered:
.L_overlay_start_0:
0x88: {  	s2 =	sld [smem:$0x3FD9]  }
0x89: {  	s3 =	sld [smem:$0x3FFE];
	_ =	sdelay $0x1  }
0x8a: {  	s1 =	srdreg.scid  }
0x8b: {  	s0 =	sand.u32 $0x1, s1  }
0x8c: {  	s21 =	sshll.u32 s0, $0xA;
	s2 =	sadd.s32 s3, s2  }
0x8d: {  	s2 =	sadd.s32 s2, s21  }
0x8e: {  	s22 =	simm.s32 $0x0;
	[smem:$0x3FC6] =	sst s2  }
0x8f: {  	[smem:$0xF] =	sst s22  }
0x90: {  	s2 =	sld [smem:$0x3FC8];
	(tm) =	ssettm $0x1  }
0x91: {  	s4 =	sld [smem:$0x3FFB];
	_ =	sdelay $0x3  }
0x92: {  	_ =	strace s4  }
0x93: {  	s4 =	sld [smem:$0x3FFC];
	_ =	sdelay $0x3  }
0x94: {  	_ =	strace s4  }
0x95: {  	s4 =	sld [smem:$0x3FFD];
	_ =	sdelay $0x3  }
0x96: {  	_ =	strace s4  }
0x97: {  	s23 =	simm.s32 $0x1B8B;
	_ =	strace $0x8FFFFFFF  }
0x98: {  	_ =	swait.ge [sflag:s23], $0x1  }
0x99: {  	[sflag:s23] =	ssyncset.done $0x0  }
0x9a: {  	s5 =	simm.s32 $0x1B8E;
	[sflag:s23] =	ssyncadd.s32 $0xFFFFFFFF  }
0x9b: {  	s25 =	simm.s32 $0xA;
	[smem:$0x3FD2] =	sst s5  }
0x9c: {  	s6 =	simm.s32 $0x10;
	s24 =	sld [smem:$0x3FFE];
	_ =	strace $0x80000046  }
0x9d: {  	[smem:s6], [sflag:s25] =	dma.local [hbm:s2], $0x80  }
0x9e: {  	_ =	swait.ge [sflag:s25], $0x80  }
0x9f: {  	s2 =	sshll.u32 s0, $0x9;
	[sflag:s25] =	ssyncset.done $0x0  }
0xa0: {  	s7 =	sor.u32 $0x10, s2;
	[sflag:s25] =	ssyncadd.s32 $0xFFFFFF80  }
0xa1: {  	s5 =	sld [smem:s7+$0x0];
	_ =	sdelay $0x3  }
0xa2: {  	s26 =	sand.u32 $0x7F, s5  }
0xa3: {  	s8 =	sshra.s32 s5, $0x1F;
	p0 =	slt.s32 s5, $0x1;
	p1 =	sne.s32 s26, $0x0  }
0xa4: {  	s28 =	sshrl.u32 s8, $0x19;
	p0 =	por !p0, !p1  }
0xa5: {  	s6 =	simm.s32 $0x1;
	s5 =	sadd.s32 s28, s5;
	p0 =	por !p0, !p0  }
0xa6: {  	s29 =	sshrl.u32 s2, $0x3;
	s5 =	sshrl.u32 s5, $0x7;
	s6 =	simm.s32 @!p0 $0x0  }
0xa7: {  	s9 =	smul.u32 $0xC3800, s29;
	s5 =	ssub.s32 s5, s6  }
0xa8: {  	s5 =	sshll.u32 s5, $0xA  }
0xa9: {  	s31 =	sand.u32 $0x380, s22;
	s30 =	sshll.u32 s29, $0xA;
	s5 =	sadd.s32 s9, s5  }
0xaa: {  	s3 =	sadd.s32 $0xE00, s24;
	s6 =	sor.u32 s31, s30;
	s5 =	sor.u32 s31, s5  }
0xab: {  	s4 =	sadd.s32 $0xC38E00, s24;
	s6 =	sshrl.u32 s6, $0x3;
	s8 =	sshrl.u32 s5, $0x3  }
0xac: {  	s6 =	sadd.s32 s4, s6;
	s5 =	simm.s32 $0xB;
	s8 =	sadd.s32 s3, s8  }
0xad: {  	[hbm:s6], [sflag:s5] =	dma.local [hbm:s8], $0x10  }
0xae: {  	s9 =	simm.s32 $0x100;
	s8 =	sadd.s32 $0x1, s7  }
0xaf: {  	s6 =	simm.s32 $0x1;
	s7 =	simm.s32 $0x80;
	s10 =	sld [smem:s8+$0x0]  }
.LBB1_1:
0xb0: {  	p0 =	sne.s32 s9, $0xFF80;
	_ =	sdelay $0x2  }
0xb1: {  	s11 =	sand.u32 $0x7F, s10  }
0xb2: {  	s12 =	sshra.s32 s10, $0x1F;
	p1 =	slt.s32 s10, $0x1;
	p2 =	sne.s32 s11, $0x0  }
0xb3: {  	s2 =	sadd.s32 $0x1, s2;
	s11 =	sshrl.u32 s12, $0x19;
	p1 =	por !p1, !p2  }
0xb4: {  	s12 =	simm.s32 $0x1;
	s10 =	sadd.s32 s11, s10;
	p1 =	por !p1, !p1  }
0xb5: {  	s11 =	sshrl.u32 s2, $0x3;
	s10 =	sshrl.u32 s10, $0x7;
	s12 =	simm.s32 @!p1 $0x0  }
0xb6: {  	s13 =	smul.u32 $0xC3800, s11;
	s10 =	ssub.s32 s10, s12  }
0xb7: {  	s10 =	sshll.u32 s10, $0xA  }
0xb8: {  	s7 =	sand.u32 $0x380, s7;
	s11 =	sshll.u32 s11, $0xA;
	s10 =	sadd.s32 s13, s10  }
0xb9: {  	s11 =	sor.u32 s7, s11;
	s10 =	sor.u32 s7, s10;
	s7 =	smov.u32 s9  }
.Ltmp0:
0xba: {  	s11 =	sshrl.u32 s11, $0x3;
	s10 =	sshrl.u32 s10, $0x3;
	(pc) =	sbr.rel @p0 .LBB1_1-.Ltmp0, $3  }
0xbb: {  	s8 =	sadd.s32 $0x1, s8;
	s11 =	sadd.s32 s4, s11;
	s10 =	sadd.s32 s3, s10  }
0xbc: {  	[hbm:s11], [sflag:s5] =	dma.local [hbm:s10], $0x10  }
0xbd: {  	s9 =	sadd.s32 $0x80, s9;
	s10 =	sld [smem:s8+$0x0]  }
0xbe: {  	_ =	sdelay $0x2  }
0xbf: {  	s8 =	sand.u32 $0x7F, s10  }
0xc0: {  	s9 =	sshra.s32 s10, $0x1F;
	p0 =	slt.s32 s10, $0x1;
	p1 =	sne.s32 s8, $0x0  }
0xc1: {  	s30 =	sshrl.u32 s9, $0x19;
	p0 =	por !p0, !p1  }
0xc2: {  	s2 =	sadd.s32 $0x1, s2;
	s8 =	sadd.s32 s30, s10;
	p0 =	por !p0, !p0  }
0xc3: {  	s2 =	sshrl.u32 s2, $0x3;
	s8 =	sshrl.u32 s8, $0x7;
	s6 =	simm.s32 @!p0 $0x0  }
0xc4: {  	s31 =	smul.u32 $0xC3800, s2;
	s6 =	ssub.s32 s8, s6  }
0xc5: {  	s6 =	sshll.u32 s6, $0xA  }
0xc6: {  	s7 =	sand.u32 $0x380, s7;
	s2 =	sshll.u32 s2, $0xA;
	s6 =	sadd.s32 s31, s6  }
0xc7: {  	s2 =	sor.u32 s7, s2;
	s6 =	sor.u32 s7, s6  }
0xc8: {  	s2 =	sshrl.u32 s2, $0x3;
	s6 =	sshrl.u32 s6, $0x3  }
0xc9: {  	s2 =	sadd.s32 s4, s2;
	s3 =	sadd.s32 s3, s6  }
0xca: {  	[hbm:s2], [sflag:s5] =	dma.local [hbm:s3], $0x10  }
0xcb: {  	s2 =	simm.s32 $0xB  }
0xcc: {  	_ =	swait.ge [sflag:s2], $0x10  }
0xcd: {  	s3 =	simm.s32 $0x1FF;
	[sflag:s2] =	ssyncset.done $0x0  }
.LBB1_3:
0xce: {  	p0 =	sne.s32 s3, $0x1;
	s3 =	sadd.s32 $0xFFFFFFFF, s3;
	[sflag:s2] =	ssyncadd.s32 $0xFFFFFFF0  }
.Ltmp1:
0xcf: {  	(pc) =	sbr.rel @p0 .LBB1_3-.Ltmp1, $3  }
0xd0: {  	_ = 	snop  }
0xd1: {  	_ =	swait.ge [sflag:s2], $0x10  }
0xd2: {  	[sflag:s2] =	ssyncset.done $0x0  }
0xd3: {  	[sflag:s2] =	ssyncadd.s32 $0xFFFFFFF0  }
0xd4: {  	_ =	strace $0x90000046  }
0xd5: {  	_ =	sfence  }
0xd6: {  	s30 =	sld [smem:$0x0];
	_ =	sdelay $0x2  }
0xd7: {  	s3 =	sshll.u32 s1, $0xD;
	s31 =	sshrl.u32 s1, $0x2  }
0xd8: {  	s3 =	sand.u32 $0x4000, s3;
	s1 =	sadd.s32 s31, s30  }
0xd9: {  	s0 =	sor.u32 s3, s0;
	s1 =	sshll.u32 s1, $0x11  }
0xda: {  	s0 =	sor.u32 s1, s0  }
0xdb: {  	s0 =	sadd.s32 $0x8F2B, s0;
	(pc) =	sbr.abs _section_cstart, $3  }
0xdc: {  	[sflag:s0] =	ssyncadd.remote.s32 $0x1  }
0xdd: {  	_ =	strace $0x9FFFFFFF  }
0xde: {  	(tm) =	ssettm $0x7FFFFFFF  }
0xdf: {  	_ =	shalt  }

// kernel: kernel.9.cloned.1.call-start
scs
__scs_entry_jumppad:
0x0: {  	(pc) =	sbr.rel $0x88, $3  }
0x1: {  	(tag) =	ssettag $0x0;
	lr =	simm.s32 $0x1  }
0x2: {  	[smem:$0x3F9F] =	sst lr;
	_ =	strace $0xD0000000  }
0x3: {  	_ = 	snop  }
0x4: {  	_ = 	snop  }
0x5: {  	_ = 	snop  }
0x6: {  	_ = 	snop  }
0x7: {  	_ = 	snop  }
__scs_overlays_trampoline_lowered:
0x8: {  	[smem:$0x3FAE] =	sst s0  }
0x9: {  	[smem:$0x3FAF] =	sst s1  }
0xa: {  	[smem:$0x3FB0] =	sst s2  }
0xb: {  	[smem:$0x3FB1] =	sst s3  }
0xc: {  	[smem:$0x3FB2] =	sst s4  }
0xd: {  	[smem:$0x3FB3] =	sst s5  }
0xe: {  	[smem:$0x3FB4] =	sst s6  }
0xf: {  	[smem:$0x3FB5] =	sst s7  }
0x10: {  	[smem:$0x3FB6] =	sst s8  }
0x11: {  	[smem:$0x3FB7] =	sst s9;
	s0 =	simm.s32 @!p0 $0x0  }
0x12: {  	s1 =	sld [smem:$0x3F9D];
	s0 =	simm.s32 @p0 $0x1  }
0x13: {  	[smem:$0x3FB8] =	sst s0;
	s0 =	simm.s32 @!p1 $0x0  }
0x14: {  	s2 =	sld [smem:$0x3F9C];
	s0 =	simm.s32 @p1 $0x1  }
0x15: {  	[smem:$0x3FB9] =	sst s0;
	s0 =	simm.s32 @!p2 $0x0  }
0x16: {  	s3 =	sld [smem:$0x3FDB];
	s0 =	simm.s32 @p2 $0x1  }
0x17: {  	s4 =	simm.s32 $0x1BF5;
	[smem:$0x3FBB] =	sst s0  }
0x18: {  	s0 =	sld [smem:$0x3F9E];
	_ =	swait.ge [sflag:s4], $0x0  }
0x19: {  	s7 =	sld [smem:$0x3F9F]  }
0x1a: {  	s8 =	sadd.s32 $0xFFFFE003, lr  }
0x1b: {  	s9 =	sadd.s32 $0xFFFFFEF7, lr;
	s5 =	simm.s32 $0xFFFFFFFF;
	p2 =	slt.u32 s8, $0xFFFFF086  }
0x1c: {  	p1 =	slt.u32 s9, $0xF7A;
	s5 =	simm.s32 @!p2 $0x0  }
0x1d: {  	s5 =	simm.s32 @p1 $0x1;
	p0 =	seq.s32 s7, s2  }
0x1e: {  	s7 =	smul.u32 @!p0 $0xF7A, s2;
	p2 =	seq.s32 @!p0 s5, $0x0  }
0x1f: {  	s9 =	smul.u32 $0xF7A, s1;
	s8 =	simm.s32 @!p0 $0x1BF5;
	p2 =	por !p2, p0  }
0x20: {  	[sflag:s8] =	ssyncset.s32 @!p0 $0xFFFFF086;
	s6 =	sadd.s32 @!p0 s3, s7;
	s7 =	simm.s32 @!p0 $0x108  }
0x21: {  	s3 =	sadd.s32 s3, s9;
	s6 =	sadd.s32 @!p0 $0x88, s6;
	s7 =	simm.s32 @p2 $0x1082  }
0x22: {  	[simem:s7], [sflag:s8] =	dma.local @!p0 [hbm:s6], $0xF7A  }
0x23: {  	s9 =	sor.u32 $0xD0000000, s2;
	s6 =	simm.s32 $0x108;
	_ =	swait.ge @!p0 [sflag:s8], $0x0  }
0x24: {  	s3 =	sadd.s32 $0x88, s3;
	s6 =	simm.s32 @!p1 $0x1082;
	[sflag:s4] =	ssyncset.s32 $0xFFFFF086  }
0x25: {  	[simem:s6], [sflag:s4] =	dma.local [hbm:s3], $0xF7A  }
0x26: {  	[smem:$0x3F9F] =	sst s1;
	(tag) =	ssettag s2;
	_ =	strace s9  }
0x27: {  	s1 =	sld [smem:$0x3FAF]  }
0x28: {  	s2 =	sld [smem:$0x3FB0]  }
0x29: {  	s4 =	sld [smem:$0x3FB2]  }
0x2a: {  	p0 =	seq.s32 s5, $0x0;
	s5 =	sld [smem:$0x3FB3]  }
0x2b: {  	s6 =	sld [smem:$0x3FB4]  }
0x2c: {  	s7 =	sld [smem:$0x3FB5]  }
0x2d: {  	s3 =	simm.s32 $0x108;
	s8 =	sld [smem:$0x3FB6]  }
0x2e: {  	s3 =	simm.s32 @!p0 $0x1082;
	s9 =	sld [smem:$0x3FB7]  }
0x2f: {  	lr =	sadd.s32 s0, s3;
	s0 =	sld [smem:$0x3FAE]  }
0x30: {  	s3 =	sld [smem:$0x3FB1]  }
0x31: {  	[smem:$0x3FBA] =	sst s10  }
0x32: {  	s10 =	sld [smem:$0x3FB8];
	_ =	sdelay $0x3  }
0x33: {  	p0 =	seq.s32 s10, $0x1;
	s10 =	sld [smem:$0x3FBA];
	_ =	sdelay $0x3  }
0x34: {  	[smem:$0x3FBA] =	sst s10  }
0x35: {  	s10 =	sld [smem:$0x3FB9];
	_ =	sdelay $0x3  }
0x36: {  	p1 =	seq.s32 s10, $0x1;
	s10 =	sld [smem:$0x3FBA];
	_ =	sdelay $0x3  }
0x37: {  	[smem:$0x3FBA] =	sst s10  }
0x38: {  	s10 =	sld [smem:$0x3FBB]  }
0x39: {  	_ = 	snop;
	(pc) =	sbr.ind lr, $3  }
0x3a: {  	_ = 	snop  }
0x3b: {  	_ = 	snop  }
0x3c: {  	p2 =	seq.s32 s10, $0x1;
	s10 =	sld [smem:$0x3FBA]  }
0x3d: {  	_ =	shalt  }
0x3e: {  	_ =	shalt  }
0x3f: {  	_ =	shalt  }
0x40: {  	_ =	shalt  }
0x41: {  	_ =	shalt  }
0x42: {  	_ =	shalt  }
0x43: {  	_ =	shalt  }
0x44: {  	_ =	shalt  }
0x45: {  	_ =	shalt  }
0x46: {  	_ =	shalt  }
0x47: {  	_ =	shalt  }
0x48: {  	_ =	shalt  }
0x49: {  	_ =	shalt  }
0x4a: {  	_ =	shalt  }
0x4b: {  	_ =	shalt  }
0x4c: {  	_ =	shalt  }
0x4d: {  	_ =	shalt  }
0x4e: {  	_ =	shalt  }
0x4f: {  	_ =	shalt  }
0x50: {  	_ =	shalt  }
0x51: {  	_ =	shalt  }
0x52: {  	_ =	shalt  }
0x53: {  	_ =	shalt  }
0x54: {  	_ =	shalt  }
0x55: {  	_ =	shalt  }
0x56: {  	_ =	shalt  }
0x57: {  	_ =	shalt  }
0x58: {  	_ =	shalt  }
0x59: {  	_ =	shalt  }
0x5a: {  	_ =	shalt  }
0x5b: {  	_ =	shalt  }
0x5c: {  	_ =	shalt  }
0x5d: {  	_ =	shalt  }
0x5e: {  	_ =	shalt  }
0x5f: {  	_ =	shalt  }
0x60: {  	_ =	shalt  }
0x61: {  	_ =	shalt  }
0x62: {  	_ =	shalt  }
0x63: {  	_ =	shalt  }
0x64: {  	_ =	shalt  }
0x65: {  	_ =	shalt  }
0x66: {  	_ =	shalt  }
0x67: {  	_ =	shalt  }
0x68: {  	_ =	shalt  }
0x69: {  	_ =	shalt  }
0x6a: {  	_ =	shalt  }
0x6b: {  	_ =	shalt  }
0x6c: {  	_ =	shalt  }
0x6d: {  	_ =	shalt  }
0x6e: {  	_ =	shalt  }
0x6f: {  	_ =	shalt  }
0x70: {  	_ =	shalt  }
0x71: {  	_ =	shalt  }
0x72: {  	_ =	shalt  }
0x73: {  	_ =	shalt  }
0x74: {  	_ =	shalt  }
0x75: {  	_ =	shalt  }
0x76: {  	_ =	shalt  }
0x77: {  	_ =	shalt  }
0x78: {  	_ =	shalt  }
0x79: {  	_ =	shalt  }
0x7a: {  	_ =	shalt  }
0x7b: {  	_ =	shalt  }
0x7c: {  	_ =	shalt  }
0x7d: {  	_ =	shalt  }
0x7e: {  	_ =	shalt  }
0x7f: {  	_ =	shalt  }
0x80: {  	_ =	shalt  }
0x81: {  	_ =	shalt  }
0x82: {  	_ =	shalt  }
0x83: {  	_ =	shalt  }
0x84: {  	_ =	shalt  }
0x85: {  	_ =	shalt  }
0x86: {  	_ =	shalt  }
0x87: {  	_ =	shalt  }
.Lfunc_end0:
.L_simem_size_0:
called_computation.1_lowered:
.L_overlay_start_0:
0x88: {  	s2 =	sld [smem:$0x3FD9]  }
0x89: {  	s3 =	sld [smem:$0x3FFE];
	_ =	sdelay $0x1  }
0x8a: {  	s1 =	srdreg.scid  }
0x8b: {  	s0 =	sand.u32 $0x1, s1  }
0x8c: {  	s17 =	sshll.u32 s0, $0xA;
	s2 =	sadd.s32 s3, s2  }
0x8d: {  	s2 =	sadd.s32 s2, s17  }
0x8e: {  	[smem:$0x3FC6] =	sst s2  }
0x8f: {  	_ = 	snop  }
0x90: {  	(tm) =	ssettm $0x1  }
0x91: {  	s18 =	sld [smem:$0x3FFB];
	_ =	sdelay $0x3  }
0x92: {  	_ =	strace s18  }
0x93: {  	s2 =	sld [smem:$0x3FFC];
	_ =	sdelay $0x3  }
0x94: {  	_ =	strace s2  }
0x95: {  	s2 =	sld [smem:$0x3FFD];
	_ =	sdelay $0x3  }
0x96: {  	_ =	strace s2  }
0x97: {  	_ =	strace $0x8FFFFFFF  }
0x98: {  	s19 =	sld [smem:$0x3FDB];
	_ =	sdelay $0x1  }
0x99: {  	s20 =	simm.s32 $_scs_section_size  }
0x9a: {  	s4 =	simm.s32 $_size__tile_overlayer_lowered;
	s5 =	simm.s32 $_tile_overlayer_lowered  }
0x9b: {  	s6 =	simm.s32 $0x1BFF;
	s21 =	sshll.u32 s5, $0x1;
	s3 =	sadd.s32 s20, s19  }
0x9c: {  	s22 =	simm.s32 $0x0;
	s4 =	sshll.u32 s4, $0x1;
	s5 =	sadd.s32 s21, s3  }
0x9d: {  	[timem:s22], [sflag:s6] =	dma.local [hbm:s5], s4  }
0x9e: {  	_ =	swait.ge [sflag:s6], s4  }
0x9f: {  	s4 =	ssub.s32 $0x0, s4;
	[sflag:s6] =	ssyncset.done $0x0  }
0xa0: {  	[sflag:s6] =	ssyncadd.s32 s4;
	_ =	sdelay $0x1  }
0xa1: {  	s23 =	simm.s32 $0x1B8B  }
0xa2: {  	_ =	swait.ge [sflag:s23], $0x1  }
0xa3: {  	[sflag:s23] =	ssyncset.done $0x0  }
0xa4: {  	[sflag:s23] =	ssyncadd.s32 $0xFFFFFFFF  }
0xa5: {  	s4 =	sld [smem:$0x0]  }
0xa6: {  	s5 =	sand.u32 $0xFFFFFFFE, s1  }
0xa7: {  	p0 =	sne.s32 s1, s5  }
0xa8: {  	s5 =	sshll.u32 @p0 s5, $0xE  }
0xa9: {  	s5 =	sadd.s32 @p0 $0x11B8D, s5;
	s6 =	sshll.u32 @p0 s4, $0x11  }
0xaa: {  	s5 =	sor.u32 @p0 s6, s5  }
0xab: {  	[sflag:s5] =	ssyncadd.remote.s32 @p0 $0x1;
	_ =	sdelay $0x1  }
0xac: {  	s5 =	simm.s32 @p0 $0x1B8D  }
0xad: {  	_ =	swait.eq @p0 [sflag:s5], $0x1  }
0xae: {  	[sflag:s5] =	ssyncadd.s32 @p0 $0xFFFFFFFF  }
0xaf: {  	s6 =	sshll.u32 @!p0 s1, $0xE  }
0xb0: {  	s6 =	sor.u32 @!p0 $0x4000, s6;
	s5 =	simm.s32 @!p0 $0x1B8D  }
0xb1: {  	s4 =	sshll.u32 @!p0 s4, $0x11;
	s6 =	sadd.s32 @!p0 $0x11B8D, s6;
	_ =	swait.eq @!p0 [sflag:s5], $0x1  }
0xb2: {  	s4 =	sor.u32 @!p0 s4, s6;
	[sflag:s5] =	ssyncadd.s32 @!p0 $0xFFFFFFFF  }
0xb3: {  	s25 =	simm.s32 $0x1B8E;
	s24 =	sld [smem:$0x3FFE];
	[sflag:s4] =	ssyncadd.remote.s32 @!p0 $0x1  }
0xb4: {  	s26 =	simm.s32 $execute0_lowered;
	[smem:$0x3FD2] =	sst s25  }
0xb5: {  	s5 =	sshll.u32 s26, $0x1;
	_ =	strace $0x80000047;
	[dreg:$0x1] =	wrdreg $0xFFFFFFFF  }
0xb6: {  	s28 =	simm.s32 $_size_execute0_lowered;
	s3 =	sadd.s32 s3, s5;
	[dreg:$0x0] =	wrdreg $0x0  }
0xb7: {  	s5 =	sshll.u32 s28, $0x1;
	[dreg:$0x2] =	wrdreg s3  }
0xb8: {  	[dreg:$0x3] =	wrdreg s5  }
0xb9: {  	[dreg:$0x4] =	wrdreg $0xC0  }
0xba: {  	_ =	task [dreg:s22], $0x5FFFF  }
0xbb: {  	[dreg:$0x1] =	wrdreg $0xFFFFFFFF  }
0xbc: {  	[dreg:$0x0] =	wrdreg $0x60  }
0xbd: {  	[dreg:$0x2] =	wrdreg s24  }
0xbe: {  	[dreg:$0x3] =	wrdreg $0x9  }
0xbf: {  	_ =	task.clear_ibuf [dreg:s22], $0x4FFFF;
	_ =	strace $0x90000047  }
0xc0: {  	s29 =	simm.s32 $0x9;
	_ =	strace $0x80000050  }
0xc1: {  	_ =	swait.ge [sflag:s29], $0x1  }
0xc2: {  	[sflag:s29] =	ssyncadd.s32 $0xFFFFFFFF  }
0xc3: {  	_ =	strace $0x90000050  }
0xc4: {  	_ =	sfence  }
0xc5: {  	s30 =	sld [smem:$0x0];
	_ =	sdelay $0x2  }
0xc6: {  	s31 =	sshll.u32 s1, $0xD;
	s1 =	sshrl.u32 s1, $0x2  }
0xc7: {  	s4 =	sand.u32 $0x4000, s31;
	s1 =	sadd.s32 s1, s30  }
0xc8: {  	s0 =	sor.u32 s4, s0;
	s1 =	sshll.u32 s1, $0x11  }
0xc9: {  	s0 =	sor.u32 s1, s0  }
0xca: {  	s0 =	sadd.s32 $0x8F2B, s0  }
0xcb: {  	[sflag:s0] =	ssyncadd.remote.s32 $0x1  }
0xcc: {  	_ =	sfence.sel $0xFFFF  }
0xcd: {  	[dreg:$0x0] =	wrdreg $0xFFFFFFFF;
	(pc) =	sbr.abs _section_cstart, $3  }
0xce: {  	[dreg:$0x1] =	wrdreg $0xFFFFFFFF  }
0xcf: {  	_ =	task.clear_ibuf [dreg:s22], $0x2FFFF;
	_ =	strace $0x9FFFFFFF  }
0xd0: {  	(tm) =	ssettm $0x7FFFFFFF  }
0xd1: {  	_ =	shalt  }
tec
execute0_lowered:
.L_overlay_start_1:
0x0: {  	(tag) =	ssettag $0x1  }
0x1: {  	s0 =	srdreg.scid  }
0x2: {  	s4 =	sand.u32 $0x1, s0  }
0x3: {  	s5 =	rddreg [dreg:$0x0];
	s1 =	stileid.u32;
	s3 =	sshll.u32 s4, $0x4  }
0x4: {  	s2 =	simm.s32 $0x0;
	s0 =	rddreg [dreg:$0x1];
	s7 =	sor.u32 s1, s3  }
0x5: {  	s10 =	simm.s32 $0x0;
	[smem:$0x7FF] =	sst s2;
	s6 =	smul.u32 $0xC3800, s7  }
0x6: {  	_ =	strace $0x80000048;
	s8 =	ssub.s32 $0x2, s4;
	s3 =	sadd.s32 $0xE00, s5  }
0x7: {  	s5 =	sadd.s32 $0xC3CE00, s5;
	s31 =	sshrl.u32 s8, $0x1;
	s4 =	sadd.s32 $0x4950000, s6  }
0x8: {  	s8 =	ssub.s32 s8, s31;
	s7 =	smul.u32 $0x18400, s7;
	s9 =	sshrl.u32 s4, $0x3  }
0x9: {  	s8 =	smax.u32 s8, $0x1;
	s6 =	sadd.s32 s3, s9;
	s9 =	simm.s32 $0x3  }
.LBB2_1:
0xa: {  	_ =	strace $0x80000049;
	s17 =	simm.s32 $0x0  }
0xb: {  	s11 =	simm.s32 $0x0;
	s12 =	simm.s32 $0x0;
	s13 =	simm.s32 $0x0  }
0xc: {  	[tilespmem:s2], [sflag:$0x1] =	stream.linear.gather [hbm4b:s6+s2], $0x2000, $0x200038;
	[tilespmem:$0x4800] =	vst v63  }
0xd: {  	s14 =	simm.s32 $0x1;
	s15 =	simm.s32 $0x0;
	_ =	strace $0x90000049  }
.LBB2_2:
0xe: {  	s16 =	sadd.s32 $0x1, s17  }
0xf: {  	p0 =	seq.s32 s16, $0x61  }
0x10: {  	s16 =	simm.s32 @p0 $0x0  }
0x11: {  	p6 =	sne.s32 s15, $0x60;
	p1 =	sne.s32 s17, s16  }
0x12: {  	p0 =	por !p6, !p1  }
0x13: {  	p0 =	por !p0, !p0  }
0x14: {  	s18 =	sshll.u32 @p0 s16, $0xD  }
0x15: {  	s19 =	sand.u32 @p0 $0x1, s14;
	s18 =	sadd.s32 @p0 s4, s18  }
0x16: {  	_ =	strace @p0 $0x8000004A;
	s21 =	simm.s32 @p0 $0x0;
	s18 =	sshrl.u32 @p0 s18, $0x3  }
0x17: {  	s20 =	sadd.s32 @p0 $0x1, s19;
	s19 =	sshll.u32 @p0 s19, $0xD;
	s18 =	sadd.s32 @p0 s3, s18  }
0x18: {  	[tilespmem:s19], [sflag:s20] =	stream.linear.gather @p0 [hbm4b:s18+s21], $0x2000, $0x200038;
	[tilespmem:$0x4800] =	vst v63  }
0x19: {  	s28 =	sand.u32 $0x1, s13;
	_ =	strace @p0 $0x9000004A  }
0x1a: {  	s29 =	sadd.s32 $0x1, s28;
	s19 =	sshll.u32 s28, $0xD;
	_ =	strace $0x8000004B  }
0x1b: {  	s31 =	sor.u32 $0x1C70, s19;
	_ =	swait.ge [sflag:s29], $0x2000  }
0x1c: {  	s18 =	sand.u32 $0x1, s12;
	v0 =	vmov s31;
	[sflag:s29] =	ssyncset.done $0x0  }
0x1d: {  	s30 =	sshll.u32 s18, $0xA;
	[sflag:s29] =	ssyncadd.s32 $0xFFFFE000  }
0x1e: {  	s22 =	sor.u32 $0x4040, s30;
	_ =	strace $0x9000004B  }
0x1f: {  	s20 =	simm.s32 $0x0;
	s19 =	sor.u32 $0x4000, s30;
	v1 =	vmov s22;
	_ =	strace $0x8000004C  }
.LBB2_3:
0x20: {  	s21 =	sshra.s32 s20, $0x2  }
0x21: {  	v2 =	vld.idx.msk [tilespmem:v0+s21+$0xFFFFE390 ss:$0x1], $0xffff  }
0x22: {  	v3 =	vld.idx.msk [tilespmem:v0+s21+$0xFFFFE790 ss:$0x1], $0xffff;
	_ =	sdelay $0x1  }
0x23: {  	v4 =	vld.idx.msk [tilespmem:v0+s21+$0xFFFFEB90 ss:$0x1], $0xffff  }
0x24: {  	v5 =	vld.idx.msk [tilespmem:v0+s21+$0xFFFFEF90 ss:$0x1], $0xffff  }
0x25: {  	v2 =	vmax.f32 v2, $-1.000000000e+00  }
0x26: {  	v6 =	vld.idx.msk [tilespmem:v0+s21+$0xFFFFF390 ss:$0x1], $0xffff;
	v3 =	vmax.f32 v3, $-1.000000000e+00;
	v2 =	vmin.f32 v2, $1.000000000e+00  }
0x27: {  	v3 =	vmin.f32 v3, $1.000000000e+00;
	v2 =	vmul.f32 $6.400000000e+01, v2  }
0x28: {  	v4 =	vmax.f32 v4, $-1.000000000e+00;
	v3 =	vmul.f32 $6.400000000e+01, v3  }
0x29: {  	v7 =	vld.idx.msk [tilespmem:v0+s21+$0xFFFFF790 ss:$0x1], $0xffff;
	v5 =	vmax.f32 v5, $-1.000000000e+00;
	v4 =	vmin.f32 v4, $1.000000000e+00;
	v2 =	vadd.f32 $-6.400000000e+01, v2  }
0x2a: {  	v5 =	vmin.f32 v5, $1.000000000e+00;
	v4 =	vmul.f32 $6.400000000e+01, v4;
	v3 =	vadd.f32 $-6.400000000e+01, v3  }
0x2b: {  	v8 =	vld.idx.msk [tilespmem:v0+s21+$0xFFFFFB90 ss:$0x1], $0xffff;
	v6 =	vmax.f32 v6, $-1.000000000e+00;
	v5 =	vmul.f32 $6.400000000e+01, v5;
	v2 =	vmul.f32 $1.442695020e+00, v2  }
0x2c: {  	v6 =	vmin.f32 v6, $1.000000000e+00;
	v4 =	vadd.f32 $-6.400000000e+01, v4;
	v3 =	vmul.f32 $1.442695020e+00, v3  }
0x2d: {  	v28 =	vmul.f32 $6.400000000e+01, v6;
	(erf) = vpow2.f32 v2;
	v2 =	vadd.f32 $-6.400000000e+01, v5  }
0x2e: {  	v29 =	vld.idx.msk [tilespmem:v0+s21+$0xFFFFFF90 ss:$0x1], $0xffff;
	v30 =	vmax.f32 v7, $-1.000000000e+00;
	(erf) = vpow2.f32 v3;
	v3 =	vmul.f32 $1.442695020e+00, v4  }
0x2f: {  	v5 =	vadd.f32 $-6.400000000e+01, v28;
	v4 =	vmin.f32 v30, $1.000000000e+00;
	v2 =	vmul.f32 $1.442695020e+00, v2  }
0x30: {  	v31 =	vmax.f32 v8, $-1.000000000e+00;
	(erf) = vpow2.f32 v3;
	v3 =	vmul.f32 $6.400000000e+01, v4  }
0x31: {  	v4 =	vmin.f32 v31, $1.000000000e+00;
	(erf) = vpow2.f32 v2;
	v2 =	vmul.f32 $1.442695020e+00, v5  }
0x32: {  	v4 =	vmul.f32 $6.400000000e+01, v4;
	v3 =	vadd.f32 $-6.400000000e+01, v3  }
0x33: {  	v32 =	vmax.f32 v29, $-1.000000000e+00;
	(erf) = vpow2.f32 v2  }
0x34: {  	v2 =	vmin.f32 v32, $1.000000000e+00;
	v4 =	vadd.f32 $-6.400000000e+01, v4;
	v3 =	vmul.f32 $1.442695020e+00, v3  }
0x35: {  	v2 =	vmul.f32 $6.400000000e+01, v2  }
0x36: {  	v33 =	vpop (erf);
	(erf) = vpow2.f32 v3;
	v3 =	vmul.f32 $1.442695020e+00, v4  }
0x37: {  	v2 =	vadd.f32 $-6.400000000e+01, v2  }
0x38: {  	v34 =	vpop (erf)  }
0x39: {  	v4 =	vadd.f32 v34, v33;
	v2 =	vmul.f32 $1.442695020e+00, v2  }
0x3a: {  	(erf) = vpow2.f32 v3;
	v3 =	vpop (erf)  }
0x3b: {  	v3 =	vadd.f32 v3, v4  }
0x3c: {  	(erf) = vpow2.f32 v2  }
0x3d: {  	v2 =	vpop (erf)  }
0x3e: {  	v2 =	vadd.f32 v2, v3  }
0x3f: {  	v3 =	vpop (erf)  }
0x40: {  	v2 =	vadd.f32 v3, v2  }
0x41: {  	v3 =	vpop (erf)  }
0x42: {  	v2 =	vadd.f32 v3, v2  }
0x43: {  	v3 =	vpop (erf)  }
0x44: {  	v2 =	vadd.f32 v3, v2  }
0x45: {  	v3 =	vpop (erf)  }
0x46: {  	v2 =	vadd.f32 v3, v2;
	_ =	sdelay $0x1  }
0x47: {  	[tilespmem:v1+s21+$0xFFFFFFC0 ss:$0x1] =	vst.idx.msk $0xffff, v2  }
0x48: {  	v2 =	vld.idx.msk [tilespmem:v0+s21+$0xFFFFE3A0 ss:$0x1], $0xffff  }
0x49: {  	v3 =	vld.idx.msk [tilespmem:v0+s21+$0xFFFFE7A0 ss:$0x1], $0xffff;
	_ =	sdelay $0x1  }
0x4a: {  	v35 =	vld.idx.msk [tilespmem:v0+s21+$0xFFFFEBA0 ss:$0x1], $0xffff  }
0x4b: {  	v36 =	vld.idx.msk [tilespmem:v0+s21+$0xFFFFEFA0 ss:$0x1], $0xffff  }
0x4c: {  	v2 =	vmax.f32 v2, $-1.000000000e+00  }
0x4d: {  	v37 =	vld.idx.msk [tilespmem:v0+s21+$0xFFFFF3A0 ss:$0x1], $0xffff;
	v3 =	vmax.f32 v3, $-1.000000000e+00;
	v2 =	vmin.f32 v2, $1.000000000e+00  }
0x4e: {  	v3 =	vmin.f32 v3, $1.000000000e+00;
	v2 =	vmul.f32 $6.400000000e+01, v2  }
0x4f: {  	v4 =	vmax.f32 v35, $-1.000000000e+00;
	v3 =	vmul.f32 $6.400000000e+01, v3  }
0x50: {  	v38 =	vld.idx.msk [tilespmem:v0+s21+$0xFFFFF7A0 ss:$0x1], $0xffff;
	v5 =	vmax.f32 v36, $-1.000000000e+00;
	v4 =	vmin.f32 v4, $1.000000000e+00;
	v2 =	vadd.f32 $-6.400000000e+01, v2  }
0x51: {  	v5 =	vmin.f32 v5, $1.000000000e+00;
	v4 =	vmul.f32 $6.400000000e+01, v4;
	v3 =	vadd.f32 $-6.400000000e+01, v3  }
0x52: {  	v39 =	vld.idx.msk [tilespmem:v0+s21+$0xFFFFFBA0 ss:$0x1], $0xffff;
	v6 =	vmax.f32 v37, $-1.000000000e+00;
	v5 =	vmul.f32 $6.400000000e+01, v5;
	v2 =	vmul.f32 $1.442695020e+00, v2  }
0x53: {  	v6 =	vmin.f32 v6, $1.000000000e+00;
	v4 =	vadd.f32 $-6.400000000e+01, v4;
	v3 =	vmul.f32 $1.442695020e+00, v3  }
0x54: {  	v40 =	vmul.f32 $6.400000000e+01, v6;
	(erf) = vpow2.f32 v2;
	v2 =	vadd.f32 $-6.400000000e+01, v5  }
0x55: {  	v41 =	vld.idx.msk [tilespmem:v0+s21+$0xFFFFFFA0 ss:$0x1], $0xffff;
	v42 =	vmax.f32 v38, $-1.000000000e+00;
	(erf) = vpow2.f32 v3;
	v3 =	vmul.f32 $1.442695020e+00, v4  }
0x56: {  	v5 =	vadd.f32 $-6.400000000e+01, v40;
	v4 =	vmin.f32 v42, $1.000000000e+00;
	v2 =	vmul.f32 $1.442695020e+00, v2  }
0x57: {  	v43 =	vmax.f32 v39, $-1.000000000e+00;
	(erf) = vpow2.f32 v3;
	v3 =	vmul.f32 $6.400000000e+01, v4  }
0x58: {  	v4 =	vmin.f32 v43, $1.000000000e+00;
	(erf) = vpow2.f32 v2;
	v2 =	vmul.f32 $1.442695020e+00, v5  }
0x59: {  	v4 =	vmul.f32 $6.400000000e+01, v4;
	v3 =	vadd.f32 $-6.400000000e+01, v3  }
0x5a: {  	v44 =	vmax.f32 v41, $-1.000000000e+00;
	(erf) = vpow2.f32 v2  }
0x5b: {  	v2 =	vmin.f32 v44, $1.000000000e+00;
	v4 =	vadd.f32 $-6.400000000e+01, v4;
	v3 =	vmul.f32 $1.442695020e+00, v3  }
0x5c: {  	v2 =	vmul.f32 $6.400000000e+01, v2  }
0x5d: {  	v45 =	vpop (erf);
	(erf) = vpow2.f32 v3;
	v3 =	vmul.f32 $1.442695020e+00, v4  }
0x5e: {  	v2 =	vadd.f32 $-6.400000000e+01, v2  }
0x5f: {  	v46 =	vpop (erf)  }
0x60: {  	v4 =	vadd.f32 v46, v45;
	v2 =	vmul.f32 $1.442695020e+00, v2  }
0x61: {  	(erf) = vpow2.f32 v3;
	v3 =	vpop (erf)  }
0x62: {  	v3 =	vadd.f32 v3, v4  }
0x63: {  	(erf) = vpow2.f32 v2  }
0x64: {  	v2 =	vpop (erf)  }
0x65: {  	v2 =	vadd.f32 v2, v3  }
0x66: {  	v3 =	vpop (erf)  }
0x67: {  	v2 =	vadd.f32 v3, v2  }
0x68: {  	v3 =	vpop (erf)  }
0x69: {  	v2 =	vadd.f32 v3, v2  }
0x6a: {  	v3 =	vpop (erf)  }
0x6b: {  	v2 =	vadd.f32 v3, v2  }
0x6c: {  	v3 =	vpop (erf)  }
0x6d: {  	v2 =	vadd.f32 v3, v2;
	_ =	sdelay $0x1  }
0x6e: {  	[tilespmem:v1+s21+$0xFFFFFFD0 ss:$0x1] =	vst.idx.msk $0xffff, v2  }
0x6f: {  	v2 =	vld.idx.msk [tilespmem:v0+s21+$0xFFFFE3B0 ss:$0x1], $0xffff  }
0x70: {  	v3 =	vld.idx.msk [tilespmem:v0+s21+$0xFFFFE7B0 ss:$0x1], $0xffff;
	_ =	sdelay $0x1  }
0x71: {  	v47 =	vld.idx.msk [tilespmem:v0+s21+$0xFFFFEBB0 ss:$0x1], $0xffff  }
0x72: {  	v48 =	vld.idx.msk [tilespmem:v0+s21+$0xFFFFEFB0 ss:$0x1], $0xffff  }
0x73: {  	v2 =	vmax.f32 v2, $-1.000000000e+00  }
0x74: {  	v49 =	vld.idx.msk [tilespmem:v0+s21+$0xFFFFF3B0 ss:$0x1], $0xffff;
	v3 =	vmax.f32 v3, $-1.000000000e+00;
	v2 =	vmin.f32 v2, $1.000000000e+00  }
0x75: {  	v3 =	vmin.f32 v3, $1.000000000e+00;
	v2 =	vmul.f32 $6.400000000e+01, v2  }
0x76: {  	v4 =	vmax.f32 v47, $-1.000000000e+00;
	v3 =	vmul.f32 $6.400000000e+01, v3  }
0x77: {  	v50 =	vld.idx.msk [tilespmem:v0+s21+$0xFFFFF7B0 ss:$0x1], $0xffff;
	v5 =	vmax.f32 v48, $-1.000000000e+00;
	v4 =	vmin.f32 v4, $1.000000000e+00;
	v2 =	vadd.f32 $-6.400000000e+01, v2  }
0x78: {  	v5 =	vmin.f32 v5, $1.000000000e+00;
	v4 =	vmul.f32 $6.400000000e+01, v4;
	v3 =	vadd.f32 $-6.400000000e+01, v3  }
0x79: {  	v51 =	vld.idx.msk [tilespmem:v0+s21+$0xFFFFFBB0 ss:$0x1], $0xffff;
	v6 =	vmax.f32 v49, $-1.000000000e+00;
	v5 =	vmul.f32 $6.400000000e+01, v5;
	v2 =	vmul.f32 $1.442695020e+00, v2  }
0x7a: {  	v6 =	vmin.f32 v6, $1.000000000e+00;
	v4 =	vadd.f32 $-6.400000000e+01, v4;
	v3 =	vmul.f32 $1.442695020e+00, v3  }
0x7b: {  	v52 =	vmul.f32 $6.400000000e+01, v6;
	(erf) = vpow2.f32 v2;
	v2 =	vadd.f32 $-6.400000000e+01, v5  }
0x7c: {  	v53 =	vld.idx.msk [tilespmem:v0+s21+$0xFFFFFFB0 ss:$0x1], $0xffff;
	v54 =	vmax.f32 v50, $-1.000000000e+00;
	(erf) = vpow2.f32 v3;
	v3 =	vmul.f32 $1.442695020e+00, v4  }
0x7d: {  	v5 =	vadd.f32 $-6.400000000e+01, v52;
	v4 =	vmin.f32 v54, $1.000000000e+00;
	v2 =	vmul.f32 $1.442695020e+00, v2  }
0x7e: {  	v55 =	vmax.f32 v51, $-1.000000000e+00;
	(erf) = vpow2.f32 v3;
	v3 =	vmul.f32 $6.400000000e+01, v4  }
0x7f: {  	v4 =	vmin.f32 v55, $1.000000000e+00;
	(erf) = vpow2.f32 v2;
	v2 =	vmul.f32 $1.442695020e+00, v5  }
0x80: {  	v4 =	vmul.f32 $6.400000000e+01, v4;
	v3 =	vadd.f32 $-6.400000000e+01, v3  }
0x81: {  	v56 =	vmax.f32 v53, $-1.000000000e+00;
	(erf) = vpow2.f32 v2  }
0x82: {  	v2 =	vmin.f32 v56, $1.000000000e+00;
	v4 =	vadd.f32 $-6.400000000e+01, v4;
	v3 =	vmul.f32 $1.442695020e+00, v3  }
0x83: {  	v2 =	vmul.f32 $6.400000000e+01, v2  }
0x84: {  	v57 =	vpop (erf);
	(erf) = vpow2.f32 v3;
	v3 =	vmul.f32 $1.442695020e+00, v4  }
0x85: {  	v2 =	vadd.f32 $-6.400000000e+01, v2  }
0x86: {  	v58 =	vpop (erf)  }
0x87: {  	v4 =	vadd.f32 v58, v57;
	v2 =	vmul.f32 $1.442695020e+00, v2  }
0x88: {  	(erf) = vpow2.f32 v3;
	v3 =	vpop (erf)  }
0x89: {  	v3 =	vadd.f32 v3, v4  }
0x8a: {  	(erf) = vpow2.f32 v2  }
0x8b: {  	v2 =	vpop (erf)  }
0x8c: {  	v2 =	vadd.f32 v2, v3  }
0x8d: {  	v3 =	vpop (erf)  }
0x8e: {  	v2 =	vadd.f32 v3, v2  }
0x8f: {  	v3 =	vpop (erf)  }
0x90: {  	v2 =	vadd.f32 v3, v2  }
0x91: {  	v3 =	vpop (erf)  }
0x92: {  	v2 =	vadd.f32 v3, v2  }
0x93: {  	v3 =	vpop (erf)  }
0x94: {  	v2 =	vadd.f32 v3, v2;
	_ =	sdelay $0x1  }
0x95: {  	[tilespmem:v1+s21+$0xFFFFFFE0 ss:$0x1] =	vst.idx.msk $0xffff, v2  }
0x96: {  	v2 =	vld.idx.msk [tilespmem:v0+s21+$0xFFFFE3C0 ss:$0x1], $0xffff  }
0x97: {  	v3 =	vld.idx.msk [tilespmem:v0+s21+$0xFFFFE7C0 ss:$0x1], $0xffff;
	_ =	sdelay $0x1  }
0x98: {  	v59 =	vld.idx.msk [tilespmem:v0+s21+$0xFFFFEBC0 ss:$0x1], $0xffff  }
0x99: {  	v60 =	vld.idx.msk [tilespmem:v0+s21+$0xFFFFEFC0 ss:$0x1], $0xffff  }
0x9a: {  	v2 =	vmax.f32 v2, $-1.000000000e+00  }
0x9b: {  	v61 =	vld.idx.msk [tilespmem:v0+s21+$0xFFFFF3C0 ss:$0x1], $0xffff;
	v3 =	vmax.f32 v3, $-1.000000000e+00;
	v2 =	vmin.f32 v2, $1.000000000e+00  }
0x9c: {  	v3 =	vmin.f32 v3, $1.000000000e+00;
	v2 =	vmul.f32 $6.400000000e+01, v2  }
0x9d: {  	v4 =	vmax.f32 v59, $-1.000000000e+00;
	v3 =	vmul.f32 $6.400000000e+01, v3  }
0x9e: {  	v62 =	vld.idx.msk [tilespmem:v0+s21+$0xFFFFF7C0 ss:$0x1], $0xffff;
	v5 =	vmax.f32 v60, $-1.000000000e+00;
	v4 =	vmin.f32 v4, $1.000000000e+00;
	v2 =	vadd.f32 $-6.400000000e+01, v2  }
0x9f: {  	v5 =	vmin.f32 v5, $1.000000000e+00;
	v4 =	vmul.f32 $6.400000000e+01, v4;
	v3 =	vadd.f32 $-6.400000000e+01, v3  }
0xa0: {  	v63 =	vld.idx.msk [tilespmem:v0+s21+$0xFFFFFBC0 ss:$0x1], $0xffff;
	v6 =	vmax.f32 v61, $-1.000000000e+00;
	v5 =	vmul.f32 $6.400000000e+01, v5;
	v2 =	vmul.f32 $1.442695020e+00, v2  }
0xa1: {  	v6 =	vmin.f32 v6, $1.000000000e+00;
	v4 =	vadd.f32 $-6.400000000e+01, v4;
	v3 =	vmul.f32 $1.442695020e+00, v3  }
0xa2: {  	v9 =	vmul.f32 $6.400000000e+01, v6;
	(erf) = vpow2.f32 v2;
	v2 =	vadd.f32 $-6.400000000e+01, v5  }
0xa3: {  	v10 =	vld.idx.msk [tilespmem:v0+s21+$0xFFFFFFC0 ss:$0x1], $0xffff;
	v11 =	vmax.f32 v62, $-1.000000000e+00;
	(erf) = vpow2.f32 v3;
	v3 =	vmul.f32 $1.442695020e+00, v4  }
0xa4: {  	v5 =	vadd.f32 $-6.400000000e+01, v9;
	v4 =	vmin.f32 v11, $1.000000000e+00;
	v2 =	vmul.f32 $1.442695020e+00, v2  }
0xa5: {  	v12 =	vmax.f32 v63, $-1.000000000e+00;
	(erf) = vpow2.f32 v3;
	v3 =	vmul.f32 $6.400000000e+01, v4  }
0xa6: {  	v4 =	vmin.f32 v12, $1.000000000e+00;
	(erf) = vpow2.f32 v2;
	v2 =	vmul.f32 $1.442695020e+00, v5  }
0xa7: {  	v4 =	vmul.f32 $6.400000000e+01, v4;
	v3 =	vadd.f32 $-6.400000000e+01, v3  }
0xa8: {  	v13 =	vmax.f32 v10, $-1.000000000e+00;
	(erf) = vpow2.f32 v2  }
0xa9: {  	v2 =	vmin.f32 v13, $1.000000000e+00;
	v4 =	vadd.f32 $-6.400000000e+01, v4;
	v3 =	vmul.f32 $1.442695020e+00, v3  }
0xaa: {  	v2 =	vmul.f32 $6.400000000e+01, v2  }
0xab: {  	v14 =	vpop (erf);
	(erf) = vpow2.f32 v3;
	v3 =	vmul.f32 $1.442695020e+00, v4  }
0xac: {  	v2 =	vadd.f32 $-6.400000000e+01, v2  }
0xad: {  	v15 =	vpop (erf)  }
0xae: {  	v4 =	vadd.f32 v15, v14;
	v2 =	vmul.f32 $1.442695020e+00, v2  }
0xaf: {  	(erf) = vpow2.f32 v3;
	v3 =	vpop (erf)  }
0xb0: {  	v3 =	vadd.f32 v3, v4  }
0xb1: {  	(erf) = vpow2.f32 v2  }
0xb2: {  	v2 =	vpop (erf)  }
0xb3: {  	v2 =	vadd.f32 v2, v3  }
0xb4: {  	v3 =	vpop (erf)  }
0xb5: {  	v2 =	vadd.f32 v3, v2  }
0xb6: {  	v3 =	vpop (erf)  }
0xb7: {  	v2 =	vadd.f32 v3, v2  }
0xb8: {  	v3 =	vpop (erf)  }
0xb9: {  	v2 =	vadd.f32 v3, v2  }
0xba: {  	v3 =	vpop (erf)  }
0xbb: {  	v2 =	vadd.f32 v3, v2;
	_ =	sdelay $0x1  }
0xbc: {  	[tilespmem:v1+s21+$0xFFFFFFF0 ss:$0x1] =	vst.idx.msk $0xffff, v2  }
0xbd: {  	v2 =	vld.idx.msk [tilespmem:v0+s21+$0xFFFFE3D0 ss:$0x1], $0xffff  }
0xbe: {  	v3 =	vld.idx.msk [tilespmem:v0+s21+$0xFFFFE7D0 ss:$0x1], $0xffff;
	_ =	sdelay $0x1  }
0xbf: {  	v16 =	vld.idx.msk [tilespmem:v0+s21+$0xFFFFEBD0 ss:$0x1], $0xffff  }
0xc0: {  	v17 =	vld.idx.msk [tilespmem:v0+s21+$0xFFFFEFD0 ss:$0x1], $0xffff  }
0xc1: {  	v2 =	vmax.f32 v2, $-1.000000000e+00  }
0xc2: {  	v18 =	vld.idx.msk [tilespmem:v0+s21+$0xFFFFF3D0 ss:$0x1], $0xffff;
	v3 =	vmax.f32 v3, $-1.000000000e+00;
	v2 =	vmin.f32 v2, $1.000000000e+00  }
0xc3: {  	v3 =	vmin.f32 v3, $1.000000000e+00;
	v2 =	vmul.f32 $6.400000000e+01, v2  }
0xc4: {  	v4 =	vmax.f32 v16, $-1.000000000e+00;
	v3 =	vmul.f32 $6.400000000e+01, v3  }
0xc5: {  	v19 =	vld.idx.msk [tilespmem:v0+s21+$0xFFFFF7D0 ss:$0x1], $0xffff;
	v5 =	vmax.f32 v17, $-1.000000000e+00;
	v4 =	vmin.f32 v4, $1.000000000e+00;
	v2 =	vadd.f32 $-6.400000000e+01, v2  }
0xc6: {  	v5 =	vmin.f32 v5, $1.000000000e+00;
	v4 =	vmul.f32 $6.400000000e+01, v4;
	v3 =	vadd.f32 $-6.400000000e+01, v3  }
0xc7: {  	v20 =	vld.idx.msk [tilespmem:v0+s21+$0xFFFFFBD0 ss:$0x1], $0xffff;
	v6 =	vmax.f32 v18, $-1.000000000e+00;
	v5 =	vmul.f32 $6.400000000e+01, v5;
	v2 =	vmul.f32 $1.442695020e+00, v2  }
0xc8: {  	v6 =	vmin.f32 v6, $1.000000000e+00;
	v4 =	vadd.f32 $-6.400000000e+01, v4;
	v3 =	vmul.f32 $1.442695020e+00, v3  }
0xc9: {  	v21 =	vmul.f32 $6.400000000e+01, v6;
	(erf) = vpow2.f32 v2;
	v2 =	vadd.f32 $-6.400000000e+01, v5  }
0xca: {  	v22 =	vld.idx.msk [tilespmem:v0+s21+$0xFFFFFFD0 ss:$0x1], $0xffff;
	v23 =	vmax.f32 v19, $-1.000000000e+00;
	(erf) = vpow2.f32 v3;
	v3 =	vmul.f32 $1.442695020e+00, v4  }
0xcb: {  	v5 =	vadd.f32 $-6.400000000e+01, v21;
	v4 =	vmin.f32 v23, $1.000000000e+00;
	v2 =	vmul.f32 $1.442695020e+00, v2  }
0xcc: {  	v24 =	vmax.f32 v20, $-1.000000000e+00;
	(erf) = vpow2.f32 v3;
	v3 =	vmul.f32 $6.400000000e+01, v4  }
0xcd: {  	v4 =	vmin.f32 v24, $1.000000000e+00;
	(erf) = vpow2.f32 v2;
	v2 =	vmul.f32 $1.442695020e+00, v5  }
0xce: {  	v4 =	vmul.f32 $6.400000000e+01, v4;
	v3 =	vadd.f32 $-6.400000000e+01, v3  }
0xcf: {  	v25 =	vmax.f32 v22, $-1.000000000e+00;
	(erf) = vpow2.f32 v2  }
0xd0: {  	v2 =	vmin.f32 v25, $1.000000000e+00;
	v4 =	vadd.f32 $-6.400000000e+01, v4;
	v3 =	vmul.f32 $1.442695020e+00, v3  }
0xd1: {  	v2 =	vmul.f32 $6.400000000e+01, v2  }
0xd2: {  	v26 =	vpop (erf);
	(erf) = vpow2.f32 v3;
	v3 =	vmul.f32 $1.442695020e+00, v4  }
0xd3: {  	v2 =	vadd.f32 $-6.400000000e+01, v2  }
0xd4: {  	v27 =	vpop (erf)  }
0xd5: {  	v4 =	vadd.f32 v27, v26;
	v2 =	vmul.f32 $1.442695020e+00, v2  }
0xd6: {  	(erf) = vpow2.f32 v3;
	v3 =	vpop (erf)  }
0xd7: {  	v3 =	vadd.f32 v3, v4  }
0xd8: {  	(erf) = vpow2.f32 v2  }
0xd9: {  	v2 =	vpop (erf)  }
0xda: {  	v2 =	vadd.f32 v2, v3  }
0xdb: {  	v3 =	vpop (erf)  }
0xdc: {  	v2 =	vadd.f32 v3, v2  }
0xdd: {  	v3 =	vpop (erf)  }
0xde: {  	v2 =	vadd.f32 v3, v2  }
0xdf: {  	v3 =	vpop (erf)  }
0xe0: {  	v2 =	vadd.f32 v3, v2  }
0xe1: {  	v3 =	vpop (erf)  }
0xe2: {  	v2 =	vadd.f32 v3, v2;
	_ =	sdelay $0x1  }
0xe3: {  	[tilespmem:v1+s21+$0x0 ss:$0x1] =	vst.idx.msk $0xffff, v2  }
0xe4: {  	v2 =	vld.idx.msk [tilespmem:v0+s21+$0xFFFFE3E0 ss:$0x1], $0xffff  }
0xe5: {  	v3 =	vld.idx.msk [tilespmem:v0+s21+$0xFFFFE7E0 ss:$0x1], $0xffff;
	_ =	sdelay $0x1  }
0xe6: {  	v28 =	vld.idx.msk [tilespmem:v0+s21+$0xFFFFEBE0 ss:$0x1], $0xffff  }
0xe7: {  	v29 =	vld.idx.msk [tilespmem:v0+s21+$0xFFFFEFE0 ss:$0x1], $0xffff  }
0xe8: {  	v2 =	vmax.f32 v2, $-1.000000000e+00  }
0xe9: {  	v30 =	vld.idx.msk [tilespmem:v0+s21+$0xFFFFF3E0 ss:$0x1], $0xffff;
	v3 =	vmax.f32 v3, $-1.000000000e+00;
	v2 =	vmin.f32 v2, $1.000000000e+00  }
0xea: {  	v3 =	vmin.f32 v3, $1.000000000e+00;
	v2 =	vmul.f32 $6.400000000e+01, v2  }
0xeb: {  	v4 =	vmax.f32 v28, $-1.000000000e+00;
	v3 =	vmul.f32 $6.400000000e+01, v3  }
0xec: {  	v31 =	vld.idx.msk [tilespmem:v0+s21+$0xFFFFF7E0 ss:$0x1], $0xffff;
	v5 =	vmax.f32 v29, $-1.000000000e+00;
	v4 =	vmin.f32 v4, $1.000000000e+00;
	v2 =	vadd.f32 $-6.400000000e+01, v2  }
0xed: {  	v5 =	vmin.f32 v5, $1.000000000e+00;
	v4 =	vmul.f32 $6.400000000e+01, v4;
	v3 =	vadd.f32 $-6.400000000e+01, v3  }
0xee: {  	v32 =	vld.idx.msk [tilespmem:v0+s21+$0xFFFFFBE0 ss:$0x1], $0xffff;
	v6 =	vmax.f32 v30, $-1.000000000e+00;
	v5 =	vmul.f32 $6.400000000e+01, v5;
	v2 =	vmul.f32 $1.442695020e+00, v2  }
0xef: {  	v6 =	vmin.f32 v6, $1.000000000e+00;
	v4 =	vadd.f32 $-6.400000000e+01, v4;
	v3 =	vmul.f32 $1.442695020e+00, v3  }
0xf0: {  	v33 =	vmul.f32 $6.400000000e+01, v6;
	(erf) = vpow2.f32 v2;
	v2 =	vadd.f32 $-6.400000000e+01, v5  }
0xf1: {  	v34 =	vld.idx.msk [tilespmem:v0+s21+$0xFFFFFFE0 ss:$0x1], $0xffff;
	v35 =	vmax.f32 v31, $-1.000000000e+00;
	(erf) = vpow2.f32 v3;
	v3 =	vmul.f32 $1.442695020e+00, v4  }
0xf2: {  	v5 =	vadd.f32 $-6.400000000e+01, v33;
	v4 =	vmin.f32 v35, $1.000000000e+00;
	v2 =	vmul.f32 $1.442695020e+00, v2  }
0xf3: {  	v36 =	vmax.f32 v32, $-1.000000000e+00;
	(erf) = vpow2.f32 v3;
	v3 =	vmul.f32 $6.400000000e+01, v4  }
0xf4: {  	v4 =	vmin.f32 v36, $1.000000000e+00;
	(erf) = vpow2.f32 v2;
	v2 =	vmul.f32 $1.442695020e+00, v5  }
0xf5: {  	v4 =	vmul.f32 $6.400000000e+01, v4;
	v3 =	vadd.f32 $-6.400000000e+01, v3  }
0xf6: {  	v37 =	vmax.f32 v34, $-1.000000000e+00;
	(erf) = vpow2.f32 v2  }
0xf7: {  	v2 =	vmin.f32 v37, $1.000000000e+00;
	v4 =	vadd.f32 $-6.400000000e+01, v4;
	v3 =	vmul.f32 $1.442695020e+00, v3  }
0xf8: {  	v2 =	vmul.f32 $6.400000000e+01, v2  }
0xf9: {  	v38 =	vpop (erf);
	(erf) = vpow2.f32 v3;
	v3 =	vmul.f32 $1.442695020e+00, v4  }
0xfa: {  	v2 =	vadd.f32 $-6.400000000e+01, v2  }
0xfb: {  	v39 =	vpop (erf)  }
0xfc: {  	v4 =	vadd.f32 v39, v38;
	v2 =	vmul.f32 $1.442695020e+00, v2  }
0xfd: {  	(erf) = vpow2.f32 v3;
	v3 =	vpop (erf)  }
0xfe: {  	v3 =	vadd.f32 v3, v4  }
0xff: {  	(erf) = vpow2.f32 v2  }
0x100: {  	v2 =	vpop (erf)  }
0x101: {  	v2 =	vadd.f32 v2, v3  }
0x102: {  	v3 =	vpop (erf)  }
0x103: {  	v2 =	vadd.f32 v3, v2  }
0x104: {  	v3 =	vpop (erf)  }
0x105: {  	v2 =	vadd.f32 v3, v2  }
0x106: {  	v3 =	vpop (erf)  }
0x107: {  	v2 =	vadd.f32 v3, v2  }
0x108: {  	v3 =	vpop (erf)  }
0x109: {  	v2 =	vadd.f32 v3, v2;
	_ =	sdelay $0x1  }
0x10a: {  	[tilespmem:v1+s21+$0x10 ss:$0x1] =	vst.idx.msk $0xffff, v2  }
0x10b: {  	v2 =	vld.idx.msk [tilespmem:v0+s21+$0xFFFFE3F0 ss:$0x1], $0xffff  }
0x10c: {  	v3 =	vld.idx.msk [tilespmem:v0+s21+$0xFFFFE7F0 ss:$0x1], $0xffff;
	_ =	sdelay $0x1  }
0x10d: {  	v40 =	vld.idx.msk [tilespmem:v0+s21+$0xFFFFEBF0 ss:$0x1], $0xffff  }
0x10e: {  	v41 =	vld.idx.msk [tilespmem:v0+s21+$0xFFFFEFF0 ss:$0x1], $0xffff  }
0x10f: {  	v2 =	vmax.f32 v2, $-1.000000000e+00  }
0x110: {  	v42 =	vld.idx.msk [tilespmem:v0+s21+$0xFFFFF3F0 ss:$0x1], $0xffff;
	v3 =	vmax.f32 v3, $-1.000000000e+00;
	v2 =	vmin.f32 v2, $1.000000000e+00  }
0x111: {  	v3 =	vmin.f32 v3, $1.000000000e+00;
	v2 =	vmul.f32 $6.400000000e+01, v2  }
0x112: {  	v4 =	vmax.f32 v40, $-1.000000000e+00;
	v3 =	vmul.f32 $6.400000000e+01, v3  }
0x113: {  	v43 =	vld.idx.msk [tilespmem:v0+s21+$0xFFFFF7F0 ss:$0x1], $0xffff;
	v5 =	vmax.f32 v41, $-1.000000000e+00;
	v4 =	vmin.f32 v4, $1.000000000e+00;
	v2 =	vadd.f32 $-6.400000000e+01, v2  }
0x114: {  	v5 =	vmin.f32 v5, $1.000000000e+00;
	v4 =	vmul.f32 $6.400000000e+01, v4;
	v3 =	vadd.f32 $-6.400000000e+01, v3  }
0x115: {  	v44 =	vld.idx.msk [tilespmem:v0+s21+$0xFFFFFBF0 ss:$0x1], $0xffff;
	v6 =	vmax.f32 v42, $-1.000000000e+00;
	v5 =	vmul.f32 $6.400000000e+01, v5;
	v2 =	vmul.f32 $1.442695020e+00, v2  }
0x116: {  	v6 =	vmin.f32 v6, $1.000000000e+00;
	v4 =	vadd.f32 $-6.400000000e+01, v4;
	v3 =	vmul.f32 $1.442695020e+00, v3  }
0x117: {  	v45 =	vmul.f32 $6.400000000e+01, v6;
	(erf) = vpow2.f32 v2;
	v2 =	vadd.f32 $-6.400000000e+01, v5  }
0x118: {  	v46 =	vld.idx.msk [tilespmem:v0+s21+$0xFFFFFFF0 ss:$0x1], $0xffff;
	v47 =	vmax.f32 v43, $-1.000000000e+00;
	(erf) = vpow2.f32 v3;
	v3 =	vmul.f32 $1.442695020e+00, v4  }
0x119: {  	v5 =	vadd.f32 $-6.400000000e+01, v45;
	v4 =	vmin.f32 v47, $1.000000000e+00;
	v2 =	vmul.f32 $1.442695020e+00, v2  }
0x11a: {  	v48 =	vmax.f32 v44, $-1.000000000e+00;
	(erf) = vpow2.f32 v3;
	v3 =	vmul.f32 $6.400000000e+01, v4  }
0x11b: {  	v4 =	vmin.f32 v48, $1.000000000e+00;
	(erf) = vpow2.f32 v2;
	v2 =	vmul.f32 $1.442695020e+00, v5  }
0x11c: {  	v4 =	vmul.f32 $6.400000000e+01, v4;
	v3 =	vadd.f32 $-6.400000000e+01, v3  }
0x11d: {  	v49 =	vmax.f32 v46, $-1.000000000e+00;
	(erf) = vpow2.f32 v2  }
0x11e: {  	v2 =	vmin.f32 v49, $1.000000000e+00;
	v4 =	vadd.f32 $-6.400000000e+01, v4;
	v3 =	vmul.f32 $1.442695020e+00, v3  }
0x11f: {  	v2 =	vmul.f32 $6.400000000e+01, v2  }
0x120: {  	v50 =	vpop (erf);
	(erf) = vpow2.f32 v3;
	v3 =	vmul.f32 $1.442695020e+00, v4  }
0x121: {  	v2 =	vadd.f32 $-6.400000000e+01, v2  }
0x122: {  	v51 =	vpop (erf)  }
0x123: {  	v4 =	vadd.f32 v51, v50;
	v2 =	vmul.f32 $1.442695020e+00, v2  }
0x124: {  	(erf) = vpow2.f32 v3;
	v3 =	vpop (erf)  }
0x125: {  	v3 =	vadd.f32 v3, v4  }
0x126: {  	(erf) = vpow2.f32 v2  }
0x127: {  	v2 =	vpop (erf)  }
0x128: {  	v2 =	vadd.f32 v2, v3  }
0x129: {  	v3 =	vpop (erf)  }
0x12a: {  	v2 =	vadd.f32 v3, v2  }
0x12b: {  	v3 =	vpop (erf)  }
0x12c: {  	v2 =	vadd.f32 v3, v2  }
0x12d: {  	v3 =	vpop (erf)  }
0x12e: {  	v2 =	vadd.f32 v3, v2  }
0x12f: {  	v3 =	vpop (erf)  }
0x130: {  	v2 =	vadd.f32 v3, v2;
	_ =	sdelay $0x1  }
0x131: {  	[tilespmem:v1+s21+$0x20 ss:$0x1] =	vst.idx.msk $0xffff, v2  }
0x132: {  	v2 =	vld.idx.msk [tilespmem:v0+s21+$0xFFFFE400 ss:$0x1], $0xffff  }
0x133: {  	v3 =	vld.idx.msk [tilespmem:v0+s21+$0xFFFFE800 ss:$0x1], $0xffff;
	_ =	sdelay $0x1  }
0x134: {  	v52 =	vld.idx.msk [tilespmem:v0+s21+$0xFFFFEC00 ss:$0x1], $0xffff  }
0x135: {  	v53 =	vld.idx.msk [tilespmem:v0+s21+$0xFFFFF000 ss:$0x1], $0xffff  }
0x136: {  	v2 =	vmax.f32 v2, $-1.000000000e+00  }
0x137: {  	v54 =	vld.idx.msk [tilespmem:v0+s21+$0xFFFFF400 ss:$0x1], $0xffff;
	v3 =	vmax.f32 v3, $-1.000000000e+00;
	v2 =	vmin.f32 v2, $1.000000000e+00  }
0x138: {  	v3 =	vmin.f32 v3, $1.000000000e+00;
	v2 =	vmul.f32 $6.400000000e+01, v2  }
0x139: {  	v4 =	vmax.f32 v52, $-1.000000000e+00;
	v3 =	vmul.f32 $6.400000000e+01, v3  }
0x13a: {  	v55 =	vld.idx.msk [tilespmem:v0+s21+$0xFFFFF800 ss:$0x1], $0xffff;
	v5 =	vmax.f32 v53, $-1.000000000e+00;
	v4 =	vmin.f32 v4, $1.000000000e+00;
	v2 =	vadd.f32 $-6.400000000e+01, v2  }
0x13b: {  	v5 =	vmin.f32 v5, $1.000000000e+00;
	v4 =	vmul.f32 $6.400000000e+01, v4;
	v3 =	vadd.f32 $-6.400000000e+01, v3  }
0x13c: {  	v56 =	vld.idx.msk [tilespmem:v0+s21+$0xFFFFFC00 ss:$0x1], $0xffff;
	v6 =	vmax.f32 v54, $-1.000000000e+00;
	v5 =	vmul.f32 $6.400000000e+01, v5;
	v2 =	vmul.f32 $1.442695020e+00, v2  }
0x13d: {  	v6 =	vmin.f32 v6, $1.000000000e+00;
	v4 =	vadd.f32 $-6.400000000e+01, v4;
	v3 =	vmul.f32 $1.442695020e+00, v3  }
0x13e: {  	v57 =	vmul.f32 $6.400000000e+01, v6;
	(erf) = vpow2.f32 v2;
	v2 =	vadd.f32 $-6.400000000e+01, v5  }
0x13f: {  	v58 =	vld.idx.msk [tilespmem:v0+s21+$0x0 ss:$0x1], $0xffff;
	v59 =	vmax.f32 v55, $-1.000000000e+00;
	(erf) = vpow2.f32 v3;
	v3 =	vmul.f32 $1.442695020e+00, v4  }
0x140: {  	v5 =	vadd.f32 $-6.400000000e+01, v57;
	v4 =	vmin.f32 v59, $1.000000000e+00;
	v2 =	vmul.f32 $1.442695020e+00, v2  }
0x141: {  	v60 =	vmax.f32 v56, $-1.000000000e+00;
	(erf) = vpow2.f32 v3;
	v3 =	vmul.f32 $6.400000000e+01, v4  }
0x142: {  	v4 =	vmin.f32 v60, $1.000000000e+00;
	(erf) = vpow2.f32 v2;
	v2 =	vmul.f32 $1.442695020e+00, v5  }
0x143: {  	v4 =	vmul.f32 $6.400000000e+01, v4;
	v3 =	vadd.f32 $-6.400000000e+01, v3  }
0x144: {  	v61 =	vmax.f32 v58, $-1.000000000e+00;
	(erf) = vpow2.f32 v2  }
0x145: {  	v2 =	vmin.f32 v61, $1.000000000e+00;
	v4 =	vadd.f32 $-6.400000000e+01, v4;
	v3 =	vmul.f32 $1.442695020e+00, v3  }
0x146: {  	v2 =	vmul.f32 $6.400000000e+01, v2  }
0x147: {  	v62 =	vpop (erf);
	(erf) = vpow2.f32 v3;
	v3 =	vmul.f32 $1.442695020e+00, v4  }
0x148: {  	v2 =	vadd.f32 $-6.400000000e+01, v2  }
0x149: {  	v63 =	vpop (erf)  }
0x14a: {  	v4 =	vadd.f32 v63, v62;
	v2 =	vmul.f32 $1.442695020e+00, v2  }
0x14b: {  	(erf) = vpow2.f32 v3;
	v3 =	vpop (erf)  }
0x14c: {  	v3 =	vadd.f32 v3, v4  }
0x14d: {  	(erf) = vpow2.f32 v2  }
0x14e: {  	v2 =	vpop (erf)  }
0x14f: {  	v2 =	vadd.f32 v2, v3  }
0x150: {  	v3 =	vpop (erf)  }
0x151: {  	v2 =	vadd.f32 v3, v2  }
0x152: {  	v3 =	vpop (erf)  }
0x153: {  	v2 =	vadd.f32 v3, v2  }
0x154: {  	p2 =	sne.s32 s20, $0xE00;
	v3 =	vpop (erf)  }
.Ltmp0:
0x155: {  	v2 =	vadd.f32 v3, v2;
	(pc) =	sbr.rel @p2 .LBB2_3-.Ltmp0, $3  }
0x156: {  	v3 =	vpop (erf)  }
0x157: {  	v2 =	vadd.f32 v3, v2;
	_ =	sdelay $0x1  }
0x158: {  	s20 =	sadd.s32 $0x200, s20;
	[tilespmem:v1+s21+$0x30 ss:$0x1] =	vst.idx.msk $0xffff, v2  }
0x159: {  	p2 =	seq.s32 s15, $0x60  }
0x15a: {  	p1 =	por p2, p1  }
0x15b: {  	s17 =	sshll.u32 @p1 s17, $0xA  }
0x15c: {  	_ =	strace $0x9000004C;
	s17 =	sadd.s32 @p1 s7, s17  }
0x15d: {  	_ =	strace @p1 $0x8000004D;
	s17 =	sshrl.u32 @p1 s17, $0x3  }
0x15e: {  	s18 =	sadd.s32 @p1 $0x3, s18;
	s20 =	simm.s32 @p1 $0x0;
	s17 =	sadd.s32 @p1 s5, s17  }
0x15f: {  	[hbm4b:s17+s20] =	stream.linear.scatter @p1 [tilespmem:s19], [sflag:s18], $0x400, $0x200038;
	[tilespmem:$0x4800] =	vst v63  }
0x160: {  	s17 =	simm.s32 $0x1  }
0x161: {  	s19 =	simm.s32 $0x1;
	s17 =	simm.s32 @!p0 $0x0;
	p0 =	seq.s32 s15, $0x0  }
0x162: {  	_ =	strace @p1 $0x9000004D;
	s14 =	sadd.s32 s17, s14;
	s17 =	simm.s32 $0x1  }
0x163: {  	s17 =	simm.s32 @!p1 $0x0;
	p1 =	sne.s32 s15, $0x0;
	s15 =	sadd.s32 $0x1, s15  }
0x164: {  	s18 =	sand.u32 @!p0 $0x1, s11;
	s19 =	simm.s32 @!p1 $0x0;
	p1 =	sne.s32 s15, $0x61  }
.Ltmp1:
0x165: {  	_ =	strace @!p0 $0x8000004E;
	s18 =	sadd.s32 @!p0 $0x3, s18;
	(pc) =	sbr.rel @p1 .LBB2_2-.Ltmp1, $4  }
0x166: {  	_ =	swait.ge @!p0 [sflag:s18], $0x400  }
0x167: {  	[sflag:s18] =	ssyncset.done @!p0 $0x0  }
0x168: {  	s12 =	sadd.s32 s17, s12;
	s13 =	sadd.s32 s17, s13;
	[sflag:s18] =	ssyncadd.s32 @!p0 $0xFFFFFC00  }
0x169: {  	s17 =	smov.u32 s16;
	s11 =	sadd.s32 s19, s11;
	_ =	strace @!p0 $0x9000004E  }
0x16a: {  	s10 =	sadd.s32 $0x1, s10  }
0x16b: {  	p0 =	sne.s32 s10, s8  }
.Ltmp2:
0x16c: {  	_ =	strace $0x8000004F;
	(pc) =	sbr.rel @p0 .LBB2_1-.Ltmp2, $4  }
0x16d: {  	_ =	swait.ge [sflag:s9], $0x400  }
0x16e: {  	[sflag:s9] =	ssyncset.done $0x0  }
0x16f: {  	[sflag:s9] =	ssyncadd.s32 $0xFFFFFC00  }
0x170: {  	_ =	strace $0x9000004F  }
0x171: {  	_ =	sfence.sel $0x180000  }
0x172: {  	[bflag:$0x0] =	sbarrier.arrive $0xFFFF  }
0x173: {  	p0 =	sne.s32 s1, $0x0;
	_ =	strace $0x90000048  }
0x174: {  	s0 =	sadd.s32 @!p0 $0x100000, s0;
	[bflag:$0x2] =	sbarrier.arrive $0xFFFF  }
0x175: {  	[sflag:s0] =	ssyncadd.tile.s32 @!p0 $0x1;
	_ =	shalt  }
.Lfunc_end2:
_tile_overlayer_lowered:
.L_overlay_start_2:
0x176: {  	(tag) =	ssettag $0x2  }
0x177: {  	s0 =	rddreg [dreg:$0x0];
	s2 =	stileid.u32  }
0x178: {  	s1 =	rddreg [dreg:$0x1];
	p0 =	sne.s32 s2, $0x0  }
0x179: {  	s3 =	rddreg [dreg:$0x2];
	[bflag:$0x3] =	sbarrier.arrive $0xFFFF;
	s2 =	simm.s32 @!p0 $0x1C01  }
0x17a: {  	[timem:s3], [sflag:s2] =	dma.local @!p0 [hbm:s0], s1  }
0x17b: {  	s0 =	simm.s32 @!p0 $0x1  }
0x17c: {  	_ =	swait.ge @!p0 [sflag:s0], s1  }
0x17d: {  	s1 =	ssub.s32 @!p0 $0x0, s1;
	[sflag:s0] =	ssyncset.done @!p0 $0x0  }
0x17e: {  	[sflag:s0] =	ssyncadd.s32 @!p0 s1  }
0x17f: {  	[bflag:$0x3] =	sbarrier.arrive $0xFFFF  }
0x180: {  	_ =	shalt  }

</sc_bundles>
